<compile_context>
chip_gen: v7x
topology: tpu7x:2x2x1
jax: 0.10.2.dev20260603
libtpu: 0.0.44.dev20260713+nightly
codegen_flags: <defaults>
</compile_context>

<pallas_src>
import functools

import jax
import jax.numpy as jnp
from jax import lax
from jax.experimental import pallas as pl
from jax.experimental.pallas import tpu as pltpu
from jax.experimental.pallas import tpu_sc as plsc

N = 10000
E = 320000
D = 128
NC, NS = 2, 16
NW = NC * NS
EPW = E // NW
C = 112
NCH = EPW // C
CT = EPW - NCH * C
NP = 10112
P = NP // NS
BN = 1000
BLOCKS = N // BN
SCALE = 0.125


@functools.cache
def _build_sc_aggregate():
    mesh = plsc.VectorSubcoreMesh(core_axis_name="c", subcore_axis_name="s",
                                  num_cores=NC)
    return pl.kernel(
        _sc_aggregate_body,
        out_type=jax.ShapeDtypeStruct((NC, NP, D), jnp.float32),
        mesh=mesh,
        scratch_types=[
            pltpu.VMEM((EPW,), jnp.int32),
            pltpu.VMEM((EPW,), jnp.int32),
            pltpu.VMEM((C,), jnp.int32),
            pltpu.VMEM((C,), jnp.int32),
            pltpu.VMEM((C,), jnp.int32),
            pltpu.VMEM((C,), jnp.int32),
            pltpu.VMEM((CT,), jnp.int32),
            pltpu.VMEM((CT,), jnp.int32),
            pltpu.VMEM((C, D), jnp.float32),
            pltpu.VMEM((C, D), jnp.float32),
            pltpu.VMEM_SHARED((NP, D), jnp.float32),
            pltpu.SemaphoreType.DMA,
            pltpu.SemaphoreType.DMA,
            pltpu.SemaphoreType.DMA,
            pltpu.SemaphoreType.DMA,
        ],
    )


def _sc_aggregate_body(y, srcs, dsts, out,
                       src_all, dst_all, src_v0, src_v1, dst_v0, dst_v1,
                       src_vt, dst_vt, rows_v0, rows_v1, acc,
                       sg0, sg1, ss0, ss1):
    c = lax.axis_index("c")
    s = lax.axis_index("s")
    w = s * NC + c
    src_v = (src_v0, src_v1)
    dst_v = (dst_v0, dst_v1)
    rows_v = (rows_v0, rows_v1)
    sem_g = (sg0, sg1)
    sem_s = (ss0, ss1)

    pltpu.async_copy(srcs.at[pl.ds(w * EPW, EPW)], src_all, sg0)
    pltpu.async_copy(dsts.at[pl.ds(w * EPW, EPW)], dst_all, sg1)

    zero16 = jnp.zeros((16,), jnp.float32)

    def _zrow(i, carry):
        def _zcol(j, cc):
            rows_v1[i, pl.ds(j * 16, 16)] = zero16
            return cc
        return lax.fori_loop(0, D // 16, _zcol, carry)

    lax.fori_loop(0, C, _zrow, 0)
    for j in range(P // C):
        pltpu.async_copy(rows_v1, acc.at[pl.ds(s * P + j * C, C)], ss1)
    rem = P % C
    if rem:
        pltpu.async_copy(rows_v1.at[pl.ds(0, rem)],
                         acc.at[pl.ds(s * P + (P // C) * C, rem)], ss1)
    pltpu.make_async_copy(srcs.at[pl.ds(w * EPW, EPW)], src_all, sg0).wait()
    pltpu.make_async_copy(dsts.at[pl.ds(w * EPW, EPW)], dst_all, sg1).wait()

    def _start_gather(k, b):
        for g in range(C // 16):
            src_v[b][pl.ds(g * 16, 16)] = src_all[pl.ds(k * C + g * 16, 16)]
            dst_v[b][pl.ds(g * 16, 16)] = dst_all[pl.ds(k * C + g * 16, 16)]
        pltpu.async_copy(y.at[src_v[b]], rows_v[b], sem_g[b])

    _start_gather(0, 0)
    for j in range(P // C):
        pltpu.make_async_copy(rows_v1, acc.at[pl.ds(s * P + j * C, C)],
                              ss1).wait()
    if rem:
        pltpu.make_async_copy(rows_v1.at[pl.ds(0, rem)],
                              acc.at[pl.ds(s * P + (P // C) * C, rem)],
                              ss1).wait()
    plsc.subcore_barrier()
    _start_gather(1, 1)

    def _step(k2, carry):
        for b in range(2):
            k = k2 * 2 + b
            pltpu.make_async_copy(y.at[src_v[b]], rows_v[b], sem_g[b]).wait()
            pltpu.async_copy(rows_v[b], acc.at[dst_v[b]], sem_s[b],
                             add=True).wait()

            @pl.when(k + 2 < NCH)
            def _():
                _start_gather(k + 2, b)
        return carry

    lax.fori_loop(0, NCH // 2, _step, 0)

    if NCH % 2:
        kl = NCH - 1
        bl = kl % 2
        pltpu.make_async_copy(y.at[src_v[bl]], rows_v[bl], sem_g[bl]).wait()
        pltpu.async_copy(rows_v[bl], acc.at[dst_v[bl]], sem_s[bl],
                         add=True).wait()

    if CT:
        base = NCH * C
        for g in range(CT // 16):
            src_vt[pl.ds(g * 16, 16)] = src_all[pl.ds(base + g * 16, 16)]
            dst_vt[pl.ds(g * 16, 16)] = dst_all[pl.ds(base + g * 16, 16)]
        pltpu.async_copy(y.at[src_vt], rows_v0.at[pl.ds(0, CT)], sem_g[0])
        pltpu.make_async_copy(y.at[src_vt], rows_v0.at[pl.ds(0, CT)],
                              sem_g[0]).wait()
        pltpu.async_copy(rows_v0.at[pl.ds(0, CT)], acc.at[dst_vt], sem_s[0],
                         add=True).wait()

    plsc.subcore_barrier()
    pltpu.sync_copy(acc.at[pl.ds(s * P, P)], out.at[c, pl.ds(s * P, P)])


@functools.cache
def _build_sc_degree():
    mesh = plsc.VectorSubcoreMesh(core_axis_name="c", subcore_axis_name="s",
                                  num_cores=NC)
    return pl.kernel(
        _sc_degree_body,
        out_type=jax.ShapeDtypeStruct((NW * NP,), jnp.float32),
        mesh=mesh,
        scratch_types=[
            pltpu.VMEM((EPW,), jnp.int32),
            pltpu.VMEM((NP,), jnp.float32),
        ],
        compiler_params=pltpu.CompilerParams(needs_layout_passes=False),
    )


def _sc_degree_body(dsts, out, dst_v, hist):
    c = lax.axis_index("c")
    s = lax.axis_index("s")
    w = s * NC + c

    zero16 = jnp.zeros((16,), jnp.float32)
    ones16 = jnp.ones((16,), jnp.float32)

    pltpu.sync_copy(dsts.at[pl.ds(w * EPW, EPW)], dst_v)

    def _z(i, carry):
        hist[pl.ds(i * 16, 16)] = zero16
        return carry

    lax.fori_loop(0, NP // 16, _z, 0)

    def _group(g, cc):
        idx = dst_v[pl.ds(g * 16, 16)]
        plsc.addupdate_scatter(hist, [idx], ones16)
        return cc

    lax.fori_loop(0, EPW // 16, _group, 0)
    pltpu.sync_copy(hist, out.at[pl.ds(w * NP, NP)])


def _tc_layer_body(acc_ref, degt_ref, w_ref, out_ref):
    a = acc_ref[0] + acc_ref[1]
    deg = jnp.sum(degt_ref[...], axis=1, keepdims=True)
    feat = a / jnp.maximum(deg, 1.0)
    out_ref[...] = jnp.maximum(
        jnp.dot(feat, w_ref[...], preferred_element_type=jnp.float32), 0.0)


def _tc_layer(acc, degt, W):
    return pl.pallas_call(
        _tc_layer_body,
        grid=(BLOCKS,),
        in_specs=[pl.BlockSpec((NC, BN, D), lambda i: (0, i, 0)),
                  pl.BlockSpec((BN, NW), lambda i: (i, 0)),
                  pl.BlockSpec((D, D), lambda i: (0, 0))],
        out_specs=pl.BlockSpec((BN, D), lambda i: (i, 0)),
        out_shape=jax.ShapeDtypeStruct((N, D), jnp.float32),
    )(acc, degt, W)


def _tc_final_body(acc_ref, degt_ref, w_ref, out_ref, g_v, st_ref):
    p = pl.program_id(0)
    i = pl.program_id(1)

    @pl.when((p == 0) & (i == 0))
    def _():
        st_ref[...] = jnp.zeros_like(st_ref)

    @pl.when(p == 0)
    def _():
        a = acc_ref[0] + acc_ref[1]
        deg = jnp.sum(degt_ref[...], axis=1, keepdims=True)
        feat = a / jnp.maximum(deg, 1.0)
        g = jnp.maximum(
            jnp.dot(feat, w_ref[...], preferred_element_type=jnp.float32),
            0.0)
        g_v[pl.ds(i * BN, BN), :] = g
        st_ref[...] += jnp.concatenate(
            [jnp.sum(g, axis=0, keepdims=True),
             jnp.sum(g * g, axis=0, keepdims=True),
             jnp.zeros((6, D), jnp.float32)], axis=0)

    @pl.when(p == 1)
    def _():
        st = st_ref[...]
        mean = st[0:1, :] / N
        var = (st[1:2, :] - mean * mean * N) / (N - 1)
        inv = SCALE / (jnp.sqrt(jnp.maximum(var, 0.0)) + 1e-6)
        out_ref[...] = (g_v[pl.ds(i * BN, BN), :] - mean) * inv


def _tc_final(acc, degt, W):
    return pl.pallas_call(
        _tc_final_body,
        grid=(2, BLOCKS),
        in_specs=[pl.BlockSpec((NC, BN, D), lambda p, i: (0, i, 0)),
                  pl.BlockSpec((BN, NW), lambda p, i: (i, 0)),
                  pl.BlockSpec((D, D), lambda p, i: (0, 0))],
        out_specs=pl.BlockSpec((BN, D), lambda p, i: (i, 0)),
        out_shape=jax.ShapeDtypeStruct((N, D), jnp.float32),
        scratch_shapes=[pltpu.VMEM((N, D), jnp.float32),
                        pltpu.VMEM((8, D), jnp.float32)],
    )(acc, degt, W)


def kernel(x, edge_index, W1, W2):
    src = edge_index[0]
    dst = edge_index[1]
    degt = _build_sc_degree()(dst).reshape(NW, NP).T
    sc_aggregate = _build_sc_aggregate()
    acc1 = sc_aggregate(x.astype(jnp.float32), src, dst)
    h = _tc_layer(acc1, degt, W1)
    acc2 = sc_aggregate(h, src, dst)
    return _tc_final(acc2, degt, W2)

# --- scband reference (transcript-rebuilt; emitter-appended) ---
"""Pipeline reference for scband-gnnweight-predictor-network-49813030699373 (READ-ONLY COPY).

The authoritative reference and input builder live on the scoring server;
editing this copy changes nothing except your own understanding.
"""

import jax, jax.numpy as jnp
import numpy as np

STD_KAIMING = 0.125  # gain*sqrt(1/fan) style std used to rescale predicted weights


def gcn_layer(x, edge_index, W):
    src = edge_index[0]
    dst = edge_index[1]
    n = x.shape[0]
    msgs = jnp.take(x, src, axis=0)                      # gather (edge-major, memory bound)
    agg = jnp.zeros((n, x.shape[1]), x.dtype).at[dst].add(msgs)  # scatter-add
    deg = jnp.zeros((n,), x.dtype).at[dst].add(1.0)
    agg = agg / jnp.clip(deg, 1.0)[:, None]
    return jax.nn.relu(agg @ W)


def compute_graph_embeddings(x, edge_index, W1, W2):
    h = gcn_layer(x, edge_index, W1)
    return gcn_layer(h, edge_index, W2)


def setup_inputs(seed: int = 0) -> dict:
    key = jax.random.key(seed)
    k1, k2, k3, k4 = jax.random.split(key, 4)
    N, E, D = 10000, 320000, 128
    x = jax.random.normal(k1, (N, D), dtype=jnp.float32)
    edge_index = jax.random.randint(k2, (2, E), 0, N, dtype=jnp.int32)
    W1 = jax.random.normal(k3, (D, D), dtype=jnp.float32) * 0.05
    W2 = jax.random.normal(k4, (D, D), dtype=jnp.float32) * 0.05
    return {"x": x, "edge_index": edge_index, "W1": W1, "W2": W2}


def reference(x, edge_index, W1, W2):
    graph_embeddings = compute_graph_embeddings(x, edge_index, W1, W2)
    # (emb - mean) / (std + 1e-6); torch .std uses ddof=1
    weights = (graph_embeddings - graph_embeddings.mean(axis=0)) / (
        jnp.std(graph_embeddings, axis=0, ddof=1) + 1e-06
    )
    weights = weights * STD_KAIMING
    return weights

if __name__ == "__main__":
    import jax
    _d = setup_inputs()
    print(jax.jit(kernel)(*tuple(_d.values())))

</pallas_src>

<mosaic_0001>
#map = affine_map<(d0, d1) -> (0, 0)>
#map1 = affine_map<(d0, d1) -> (0)>
#map2 = affine_map<(d0, d1) -> (0, 0, 0)>
module attributes {stable_mosaic.version = 14 : i64} {
  func.func @_sc_aggregate_body(%arg0: i32, %arg1: i32, %arg2: memref<10000x128xf32, #tpu.memory_space<hbm>>, %arg3: memref<320000xi32, #tpu.memory_space<hbm>>, %arg4: memref<320000xi32, #tpu.memory_space<hbm>>, %arg5: memref<2x10112x128xf32, #tpu.memory_space<hbm>>, %arg6: memref<10000xi32, #tpu.memory_space<vmem>>, %arg7: memref<10000xi32, #tpu.memory_space<vmem>>, %arg8: memref<112xi32, #tpu.memory_space<vmem>>, %arg9: memref<112xi32, #tpu.memory_space<vmem>>, %arg10: memref<112xi32, #tpu.memory_space<vmem>>, %arg11: memref<112xi32, #tpu.memory_space<vmem>>, %arg12: memref<32xi32, #tpu.memory_space<vmem>>, %arg13: memref<32xi32, #tpu.memory_space<vmem>>, %arg14: memref<112x128xf32, #tpu.memory_space<vmem>>, %arg15: memref<112x128xf32, #tpu.memory_space<vmem>>, %arg16: memref<10112x128xf32, #tpu.memory_space<vmem_shared>>, %arg17: memref<!tpu.dma_semaphore, #tpu.memory_space<semaphore_mem>>, %arg18: memref<!tpu.dma_semaphore, #tpu.memory_space<semaphore_mem>>, %arg19: memref<!tpu.dma_semaphore, #tpu.memory_space<semaphore_mem>>, %arg20: memref<!tpu.dma_semaphore, #tpu.memory_space<semaphore_mem>>) attributes {dimension_semantics = [#tpu.dimension_semantics<core_parallel>, #tpu.dimension_semantics<subcore_parallel>], iteration_bounds = array<i64: 2, 16>, scalar_prefetch = 0 : i64, scratch_operands = 15 : i64, tpu.core_type = #tpu.core_type<sc_vector_subcore>, window_params = [{transform_indices = #map}, {transform_indices = #map1}, {transform_indices = #map1}, {transform_indices = #map2}]} {
    %mul3A = arith.constant 2 : i32
    %mul3A_0 = arith.muli %arg1, %mul3A : i32
    %add3A = arith.addi %mul3A_0, %arg0 : i32
    %mul3A_1 = arith.constant 10000 : i32
    %mul3A_2 = arith.muli %add3A, %mul3A_1 : i32
    %dma_start3A = tpu.memref_slice %arg3[%mul3A_2] : memref<320000xi32, #tpu.memory_space<hbm>> -> memref<10000xi32, #tpu.memory_space<hbm>>
    %dma_start3A_3 = tpu.memref_slice %arg3[%mul3A_2] : memref<320000xi32, #tpu.memory_space<hbm>> -> memref<10000xi32, #tpu.memory_space<hbm>>
    tpu.enqueue_dma source(%dma_start3A_3 : memref<10000xi32, #tpu.memory_space<hbm>>) target(%arg6 : memref<10000xi32, #tpu.memory_space<vmem>>) target_semaphore(%arg17 : memref<!tpu.dma_semaphore, #tpu.memory_space<semaphore_mem>>)
    %mul3A_4 = arith.constant 10000 : i32
    %mul3A_5 = arith.muli %add3A, %mul3A_4 : i32
    %dma_start3A_6 = tpu.memref_slice %arg4[%mul3A_5] : memref<320000xi32, #tpu.memory_space<hbm>> -> memref<10000xi32, #tpu.memory_space<hbm>>
    %dma_start3A_7 = tpu.memref_slice %arg4[%mul3A_5] : memref<320000xi32, #tpu.memory_space<hbm>> -> memref<10000xi32, #tpu.memory_space<hbm>>
    tpu.enqueue_dma source(%dma_start3A_7 : memref<10000xi32, #tpu.memory_space<hbm>>) target(%arg7 : memref<10000xi32, #tpu.memory_space<vmem>>) target_semaphore(%arg18 : memref<!tpu.dma_semaphore, #tpu.memory_space<semaphore_mem>>)
    %broadcast_in_dim3A = arith.constant 0.000000e+00 : f32
    %broadcast_in_dim3A_8 = vector.broadcast %broadcast_in_dim3A : f32 to vector<16xf32>
    %scan3A = arith.constant 0 : i32
    %scan3A_9 = arith.constant 0 : i32
    %scan3A_10 = arith.constant 112 : i32
    %scan3A_11 = arith.addi %scan3A_9, %scan3A_10 : i32
    %scan3A_12 = arith.constant 1 : i32
    scf.for %scan3A_401 = %scan3A_9 to %scan3A_11 step %scan3A_12  : i32 {
      %scan3A_402 = arith.constant 0 : i32
      %scan3A_403 = arith.constant 8 : i32
      %scan3A_404 = arith.addi %scan3A_402, %scan3A_403 : i32
      %scan3A_405 = arith.constant 1 : i32
      scf.for %scan3A_407 = %scan3A_402 to %scan3A_404 step %scan3A_405  : i32 {
        %mul3A_408 = arith.constant 16 : i32
        %mul3A_409 = arith.muli %scan3A_407, %mul3A_408 : i32
        %swap3A_410 = arith.index_cast %scan3A_401 : i32 to index
        %swap3A_411 = arith.index_cast %mul3A_409 : i32 to index
        %swap3A_412 = tpu.vector_load %arg15[%swap3A_410, %swap3A_411] {strides = array<i32>} : memref<112x128xf32, #tpu.memory_space<vmem>>, vector<1x16xf32>,
        %swap3A_413 = vector.shape_cast %swap3A_412 : vector<1x16xf32> to vector<16xf32>
        %swap3A_414 = vector.shape_cast %broadcast_in_dim3A_8 : vector<16xf32> to vector<1x16xf32>
        tpu.vector_store %arg15[%swap3A_410, %swap3A_411], %swap3A_414 {strides = array<i32>} : memref<112x128xf32, #tpu.memory_space<vmem>>, vector<1x16xf32>,
      }
      %scan3A_406 = arith.constant 8 : i32
    }
    %scan3A_13 = arith.constant 112 : i32
    %mul3A_14 = arith.constant 632 : i32
    %mul3A_15 = arith.muli %arg1, %mul3A_14 : i32
    %add3A_16 = arith.constant 0 : i32
    %add3A_17 = arith.addi %mul3A_15, %add3A_16 : i32
    %dma_start3A_18 = arith.constant 0 : i32
    %dma_start3A_19 = tpu.memref_slice %arg16[%add3A_17, %dma_start3A_18] : memref<10112x128xf32, #tpu.memory_space<vmem_shared>> -> memref<112x128xf32, #tpu.memory_space<vmem_shared>>
    %dma_start3A_20 = arith.constant 0 : i32
    %dma_start3A_21 = tpu.memref_slice %arg16[%add3A_17, %dma_start3A_20] : memref<10112x128xf32, #tpu.memory_space<vmem_shared>> -> memref<112x128xf32, #tpu.memory_space<vmem_shared>>
    tpu.enqueue_dma source(%arg15 : memref<112x128xf32, #tpu.memory_space<vmem>>) target(%dma_start3A_21 : memref<112x128xf32, #tpu.memory_space<vmem_shared>>) target_semaphore(%arg20 : memref<!tpu.dma_semaphore, #tpu.memory_space<semaphore_mem>>)
    %mul3A_22 = arith.constant 632 : i32
    %mul3A_23 = arith.muli %arg1, %mul3A_22 : i32
    %add3A_24 = arith.constant 112 : i32
    %add3A_25 = arith.addi %mul3A_23, %add3A_24 : i32
    %dma_start3A_26 = arith.constant 0 : i32
    %dma_start3A_27 = tpu.memref_slice %arg16[%add3A_25, %dma_start3A_26] : memref<10112x128xf32, #tpu.memory_space<vmem_shared>> -> memref<112x128xf32, #tpu.memory_space<vmem_shared>>
    %dma_start3A_28 = arith.constant 0 : i32
    %dma_start3A_29 = tpu.memref_slice %arg16[%add3A_25, %dma_start3A_28] : memref<10112x128xf32, #tpu.memory_space<vmem_shared>> -> memref<112x128xf32, #tpu.memory_space<vmem_shared>>
    tpu.enqueue_dma source(%arg15 : memref<112x128xf32, #tpu.memory_space<vmem>>) target(%dma_start3A_29 : memref<112x128xf32, #tpu.memory_space<vmem_shared>>) target_semaphore(%arg20 : memref<!tpu.dma_semaphore, #tpu.memory_space<semaphore_mem>>)
    %mul3A_30 = arith.constant 632 : i32
    %mul3A_31 = arith.muli %arg1, %mul3A_30 : i32
    %add3A_32 = arith.constant 224 : i32
    %add3A_33 = arith.addi %mul3A_31, %add3A_32 : i32
    %dma_start3A_34 = arith.constant 0 : i32
    %dma_start3A_35 = tpu.memref_slice %arg16[%add3A_33, %dma_start3A_34] : memref<10112x128xf32, #tpu.memory_space<vmem_shared>> -> memref<112x128xf32, #tpu.memory_space<vmem_shared>>
    %dma_start3A_36 = arith.constant 0 : i32
    %dma_start3A_37 = tpu.memref_slice %arg16[%add3A_33, %dma_start3A_36] : memref<10112x128xf32, #tpu.memory_space<vmem_shared>> -> memref<112x128xf32, #tpu.memory_space<vmem_shared>>
    tpu.enqueue_dma source(%arg15 : memref<112x128xf32, #tpu.memory_space<vmem>>) target(%dma_start3A_37 : memref<112x128xf32, #tpu.memory_space<vmem_shared>>) target_semaphore(%arg20 : memref<!tpu.dma_semaphore, #tpu.memory_space<semaphore_mem>>)
    %mul3A_38 = arith.constant 632 : i32
    %mul3A_39 = arith.muli %arg1, %mul3A_38 : i32
    %add3A_40 = arith.constant 336 : i32
    %add3A_41 = arith.addi %mul3A_39, %add3A_40 : i32
    %dma_start3A_42 = arith.constant 0 : i32
    %dma_start3A_43 = tpu.memref_slice %arg16[%add3A_41, %dma_start3A_42] : memref<10112x128xf32, #tpu.memory_space<vmem_shared>> -> memref<112x128xf32, #tpu.memory_space<vmem_shared>>
    %dma_start3A_44 = arith.constant 0 : i32
    %dma_start3A_45 = tpu.memref_slice %arg16[%add3A_41, %dma_start3A_44] : memref<10112x128xf32, #tpu.memory_space<vmem_shared>> -> memref<112x128xf32, #tpu.memory_space<vmem_shared>>
    tpu.enqueue_dma source(%arg15 : memref<112x128xf32, #tpu.memory_space<vmem>>) target(%dma_start3A_45 : memref<112x128xf32, #tpu.memory_space<vmem_shared>>) target_semaphore(%arg20 : memref<!tpu.dma_semaphore, #tpu.memory_space<semaphore_mem>>)
    %mul3A_46 = arith.constant 632 : i32
    %mul3A_47 = arith.muli %arg1, %mul3A_46 : i32
    %add3A_48 = arith.constant 448 : i32
    %add3A_49 = arith.addi %mul3A_47, %add3A_48 : i32
    %dma_start3A_50 = arith.constant 0 : i32
    %dma_start3A_51 = tpu.memref_slice %arg16[%add3A_49, %dma_start3A_50] : memref<10112x128xf32, #tpu.memory_space<vmem_shared>> -> memref<112x128xf32, #tpu.memory_space<vmem_shared>>
    %dma_start3A_52 = arith.constant 0 : i32
    %dma_start3A_53 = tpu.memref_slice %arg16[%add3A_49, %dma_start3A_52] : memref<10112x128xf32, #tpu.memory_space<vmem_shared>> -> memref<112x128xf32, #tpu.memory_space<vmem_shared>>
    tpu.enqueue_dma source(%arg15 : memref<112x128xf32, #tpu.memory_space<vmem>>) target(%dma_start3A_53 : memref<112x128xf32, #tpu.memory_space<vmem_shared>>) target_semaphore(%arg20 : memref<!tpu.dma_semaphore, #tpu.memory_space<semaphore_mem>>)
    %mul3A_54 = arith.constant 632 : i32
    %mul3A_55 = arith.muli %arg1, %mul3A_54 : i32
    %add3A_56 = arith.constant 560 : i32
    %add3A_57 = arith.addi %mul3A_55, %add3A_56 : i32
    %dma_start3A_58 = arith.constant 0 : i32
    %dma_start3A_59 = arith.constant 0 : i32
    %dma_start3A_60 = tpu.memref_slice %arg15[%dma_start3A_58, %dma_start3A_59] : memref<112x128xf32, #tpu.memory_space<vmem>> -> memref<72x128xf32, #tpu.memory_space<vmem>>
    %dma_start3A_61 = arith.constant 0 : i32
    %dma_start3A_62 = tpu.memref_slice %arg16[%add3A_57, %dma_start3A_61] : memref<10112x128xf32, #tpu.memory_space<vmem_shared>> -> memref<72x128xf32, #tpu.memory_space<vmem_shared>>
    %dma_start3A_63 = arith.constant 0 : i32
    %dma_start3A_64 = tpu.memref_slice %arg16[%add3A_57, %dma_start3A_63] : memref<10112x128xf32, #tpu.memory_space<vmem_shared>> -> memref<72x128xf32, #tpu.memory_space<vmem_shared>>
    %dma_start3A_65 = arith.constant 0 : i32
    %dma_start3A_66 = arith.constant 0 : i32
    %dma_start3A_67 = tpu.memref_slice %arg15[%dma_start3A_65, %dma_start3A_66] : memref<112x128xf32, #tpu.memory_space<vmem>> -> memref<72x128xf32, #tpu.memory_space<vmem>>
    tpu.enqueue_dma source(%dma_start3A_67 : memref<72x128xf32, #tpu.memory_space<vmem>>) target(%dma_start3A_64 : memref<72x128xf32, #tpu.memory_space<vmem_shared>>) target_semaphore(%arg20 : memref<!tpu.dma_semaphore, #tpu.memory_space<semaphore_mem>>)
    %mul3A_68 = arith.constant 10000 : i32
    %mul3A_69 = arith.muli %add3A, %mul3A_68 : i32
    %dma_wait3A = tpu.memref_slice %arg3[%mul3A_69] : memref<320000xi32, #tpu.memory_space<hbm>> -> memref<10000xi32, #tpu.memory_space<hbm>>
    %dma_wait3A_70 = tpu.memref_slice %arg3[%mul3A_69] : memref<320000xi32, #tpu.memory_space<hbm>> -> memref<10000xi32, #tpu.memory_space<hbm>>
    tpu.wait_dma2 semaphore(%arg17 : memref<!tpu.dma_semaphore, #tpu.memory_space<semaphore_mem>>) src(%dma_wait3A_70 : memref<10000xi32, #tpu.memory_space<hbm>>) dst(%arg6 : memref<10000xi32, #tpu.memory_space<vmem>>)
    %mul3A_71 = arith.constant 10000 : i32
    %mul3A_72 = arith.muli %add3A, %mul3A_71 : i32
    %dma_wait3A_73 = tpu.memref_slice %arg4[%mul3A_72] : memref<320000xi32, #tpu.memory_space<hbm>> -> memref<10000xi32, #tpu.memory_space<hbm>>
    %dma_wait3A_74 = tpu.memref_slice %arg4[%mul3A_72] : memref<320000xi32, #tpu.memory_space<hbm>> -> memref<10000xi32, #tpu.memory_space<hbm>>
    tpu.wait_dma2 semaphore(%arg18 : memref<!tpu.dma_semaphore, #tpu.memory_space<semaphore_mem>>) src(%dma_wait3A_74 : memref<10000xi32, #tpu.memory_space<hbm>>) dst(%arg7 : memref<10000xi32, #tpu.memory_space<vmem>>)
    %get3A = arith.constant 0 : index
    %get3A_75 = tpu.vector_load %arg6[%get3A] {strides = array<i32>} : memref<10000xi32, #tpu.memory_space<vmem>>, vector<16xi32>,
    %get3A_76 = vector.shape_cast %get3A_75 : vector<16xi32> to vector<16xi32>
    %swap3A = arith.constant 0 : index
    %swap3A_77 = tpu.vector_load %arg8[%swap3A] {strides = array<i32>} : memref<112xi32, #tpu.memory_space<vmem>>, vector<16xi32>,
    %swap3A_78 = vector.shape_cast %swap3A_77 : vector<16xi32> to vector<16xi32>
    %swap3A_79 = vector.shape_cast %get3A_76 : vector<16xi32> to vector<16xi32>
    tpu.vector_store %arg8[%swap3A], %swap3A_79 {strides = array<i32>} : memref<112xi32, #tpu.memory_space<vmem>>, vector<16xi32>,
    %get3A_80 = arith.constant 0 : index
    %get3A_81 = tpu.vector_load %arg7[%get3A_80] {strides = array<i32>} : memref<10000xi32, #tpu.memory_space<vmem>>, vector<16xi32>,
    %get3A_82 = vector.shape_cast %get3A_81 : vector<16xi32> to vector<16xi32>
    %swap3A_83 = arith.constant 0 : index
    %swap3A_84 = tpu.vector_load %arg10[%swap3A_83] {strides = array<i32>} : memref<112xi32, #tpu.memory_space<vmem>>, vector<16xi32>,
    %swap3A_85 = vector.shape_cast %swap3A_84 : vector<16xi32> to vector<16xi32>
    %swap3A_86 = vector.shape_cast %get3A_82 : vector<16xi32> to vector<16xi32>
    tpu.vector_store %arg10[%swap3A_83], %swap3A_86 {strides = array<i32>} : memref<112xi32, #tpu.memory_space<vmem>>, vector<16xi32>,
    %get3A_87 = arith.constant 16 : index
    %get3A_88 = tpu.vector_load %arg6[%get3A_87] {strides = array<i32>} : memref<10000xi32, #tpu.memory_space<vmem>>, vector<16xi32>,
    %get3A_89 = vector.shape_cast %get3A_88 : vector<16xi32> to vector<16xi32>
    %swap3A_90 = arith.constant 16 : index
    %swap3A_91 = tpu.vector_load %arg8[%swap3A_90] {strides = array<i32>} : memref<112xi32, #tpu.memory_space<vmem>>, vector<16xi32>,
    %swap3A_92 = vector.shape_cast %swap3A_91 : vector<16xi32> to vector<16xi32>
    %swap3A_93 = vector.shape_cast %get3A_89 : vector<16xi32> to vector<16xi32>
    tpu.vector_store %arg8[%swap3A_90], %swap3A_93 {strides = array<i32>} : memref<112xi32, #tpu.memory_space<vmem>>, vector<16xi32>,
    %get3A_94 = arith.constant 16 : index
    %get3A_95 = tpu.vector_load %arg7[%get3A_94] {strides = array<i32>} : memref<10000xi32, #tpu.memory_space<vmem>>, vector<16xi32>,
    %get3A_96 = vector.shape_cast %get3A_95 : vector<16xi32> to vector<16xi32>
    %swap3A_97 = arith.constant 16 : index
    %swap3A_98 = tpu.vector_load %arg10[%swap3A_97] {strides = array<i32>} : memref<112xi32, #tpu.memory_space<vmem>>, vector<16xi32>,
    %swap3A_99 = vector.shape_cast %swap3A_98 : vector<16xi32> to vector<16xi32>
    %swap3A_100 = vector.shape_cast %get3A_96 : vector<16xi32> to vector<16xi32>
    tpu.vector_store %arg10[%swap3A_97], %swap3A_100 {strides = array<i32>} : memref<112xi32, #tpu.memory_space<vmem>>, vector<16xi32>,
    %get3A_101 = arith.constant 32 : index
    %get3A_102 = tpu.vector_load %arg6[%get3A_101] {strides = array<i32>} : memref<10000xi32, #tpu.memory_space<vmem>>, vector<16xi32>,
    %get3A_103 = vector.shape_cast %get3A_102 : vector<16xi32> to vector<16xi32>
    %swap3A_104 = arith.constant 32 : index
    %swap3A_105 = tpu.vector_load %arg8[%swap3A_104] {strides = array<i32>} : memref<112xi32, #tpu.memory_space<vmem>>, vector<16xi32>,
    %swap3A_106 = vector.shape_cast %swap3A_105 : vector<16xi32> to vector<16xi32>
    %swap3A_107 = vector.shape_cast %get3A_103 : vector<16xi32> to vector<16xi32>
    tpu.vector_store %arg8[%swap3A_104], %swap3A_107 {strides = array<i32>} : memref<112xi32, #tpu.memory_space<vmem>>, vector<16xi32>,
    %get3A_108 = arith.constant 32 : index
    %get3A_109 = tpu.vector_load %arg7[%get3A_108] {strides = array<i32>} : memref<10000xi32, #tpu.memory_space<vmem>>, vector<16xi32>,
    %get3A_110 = vector.shape_cast %get3A_109 : vector<16xi32> to vector<16xi32>
    %swap3A_111 = arith.constant 32 : index
    %swap3A_112 = tpu.vector_load %arg10[%swap3A_111] {strides = array<i32>} : memref<112xi32, #tpu.memory_space<vmem>>, vector<16xi32>,
    %swap3A_113 = vector.shape_cast %swap3A_112 : vector<16xi32> to vector<16xi32>
    %swap3A_114 = vector.shape_cast %get3A_110 : vector<16xi32> to vector<16xi32>
    tpu.vector_store %arg10[%swap3A_111], %swap3A_114 {strides = array<i32>} : memref<112xi32, #tpu.memory_space<vmem>>, vector<16xi32>,
    %get3A_115 = arith.constant 48 : index
    %get3A_116 = tpu.vector_load %arg6[%get3A_115] {strides = array<i32>} : memref<10000xi32, #tpu.memory_space<vmem>>, vector<16xi32>,
    %get3A_117 = vector.shape_cast %get3A_116 : vector<16xi32> to vector<16xi32>
    %swap3A_118 = arith.constant 48 : index
    %swap3A_119 = tpu.vector_load %arg8[%swap3A_118] {strides = array<i32>} : memref<112xi32, #tpu.memory_space<vmem>>, vector<16xi32>,
    %swap3A_120 = vector.shape_cast %swap3A_119 : vector<16xi32> to vector<16xi32>
    %swap3A_121 = vector.shape_cast %get3A_117 : vector<16xi32> to vector<16xi32>
    tpu.vector_store %arg8[%swap3A_118], %swap3A_121 {strides = array<i32>} : memref<112xi32, #tpu.memory_space<vmem>>, vector<16xi32>,
    %get3A_122 = arith.constant 48 : index
    %get3A_123 = tpu.vector_load %arg7[%get3A_122] {strides = array<i32>} : memref<10000xi32, #tpu.memory_space<vmem>>, vector<16xi32>,
    %get3A_124 = vector.shape_cast %get3A_123 : vector<16xi32> to vector<16xi32>
    %swap3A_125 = arith.constant 48 : index
    %swap3A_126 = tpu.vector_load %arg10[%swap3A_125] {strides = array<i32>} : memref<112xi32, #tpu.memory_space<vmem>>, vector<16xi32>,
    %swap3A_127 = vector.shape_cast %swap3A_126 : vector<16xi32> to vector<16xi32>
    %swap3A_128 = vector.shape_cast %get3A_124 : vector<16xi32> to vector<16xi32>
    tpu.vector_store %arg10[%swap3A_125], %swap3A_128 {strides = array<i32>} : memref<112xi32, #tpu.memory_space<vmem>>, vector<16xi32>,
    %get3A_129 = arith.constant 64 : index
    %get3A_130 = tpu.vector_load %arg6[%get3A_129] {strides = array<i32>} : memref<10000xi32, #tpu.memory_space<vmem>>, vector<16xi32>,
    %get3A_131 = vector.shape_cast %get3A_130 : vector<16xi32> to vector<16xi32>
    %swap3A_132 = arith.constant 64 : index
    %swap3A_133 = tpu.vector_load %arg8[%swap3A_132] {strides = array<i32>} : memref<112xi32, #tpu.memory_space<vmem>>, vector<16xi32>,
    %swap3A_134 = vector.shape_cast %swap3A_133 : vector<16xi32> to vector<16xi32>
    %swap3A_135 = vector.shape_cast %get3A_131 : vector<16xi32> to vector<16xi32>
    tpu.vector_store %arg8[%swap3A_132], %swap3A_135 {strides = array<i32>} : memref<112xi32, #tpu.memory_space<vmem>>, vector<16xi32>,
    %get3A_136 = arith.constant 64 : index
    %get3A_137 = tpu.vector_load %arg7[%get3A_136] {strides = array<i32>} : memref<10000xi32, #tpu.memory_space<vmem>>, vector<16xi32>,
    %get3A_138 = vector.shape_cast %get3A_137 : vector<16xi32> to vector<16xi32>
    %swap3A_139 = arith.constant 64 : index
    %swap3A_140 = tpu.vector_load %arg10[%swap3A_139] {strides = array<i32>} : memref<112xi32, #tpu.memory_space<vmem>>, vector<16xi32>,
    %swap3A_141 = vector.shape_cast %swap3A_140 : vector<16xi32> to vector<16xi32>
    %swap3A_142 = vector.shape_cast %get3A_138 : vector<16xi32> to vector<16xi32>
    tpu.vector_store %arg10[%swap3A_139], %swap3A_142 {strides = array<i32>} : memref<112xi32, #tpu.memory_space<vmem>>, vector<16xi32>,
    %get3A_143 = arith.constant 80 : index
    %get3A_144 = tpu.vector_load %arg6[%get3A_143] {strides = array<i32>} : memref<10000xi32, #tpu.memory_space<vmem>>, vector<16xi32>,
    %get3A_145 = vector.shape_cast %get3A_144 : vector<16xi32> to vector<16xi32>
    %swap3A_146 = arith.constant 80 : index
    %swap3A_147 = tpu.vector_load %arg8[%swap3A_146] {strides = array<i32>} : memref<112xi32, #tpu.memory_space<vmem>>, vector<16xi32>,
    %swap3A_148 = vector.shape_cast %swap3A_147 : vector<16xi32> to vector<16xi32>
    %swap3A_149 = vector.shape_cast %get3A_145 : vector<16xi32> to vector<16xi32>
    tpu.vector_store %arg8[%swap3A_146], %swap3A_149 {strides = array<i32>} : memref<112xi32, #tpu.memory_space<vmem>>, vector<16xi32>,
    %get3A_150 = arith.constant 80 : index
    %get3A_151 = tpu.vector_load %arg7[%get3A_150] {strides = array<i32>} : memref<10000xi32, #tpu.memory_space<vmem>>, vector<16xi32>,
    %get3A_152 = vector.shape_cast %get3A_151 : vector<16xi32> to vector<16xi32>
    %swap3A_153 = arith.constant 80 : index
    %swap3A_154 = tpu.vector_load %arg10[%swap3A_153] {strides = array<i32>} : memref<112xi32, #tpu.memory_space<vmem>>, vector<16xi32>,
    %swap3A_155 = vector.shape_cast %swap3A_154 : vector<16xi32> to vector<16xi32>
    %swap3A_156 = vector.shape_cast %get3A_152 : vector<16xi32> to vector<16xi32>
    tpu.vector_store %arg10[%swap3A_153], %swap3A_156 {strides = array<i32>} : memref<112xi32, #tpu.memory_space<vmem>>, vector<16xi32>,
    %get3A_157 = arith.constant 96 : index
    %get3A_158 = tpu.vector_load %arg6[%get3A_157] {strides = array<i32>} : memref<10000xi32, #tpu.memory_space<vmem>>, vector<16xi32>,
    %get3A_159 = vector.shape_cast %get3A_158 : vector<16xi32> to vector<16xi32>
    %swap3A_160 = arith.constant 96 : index
    %swap3A_161 = tpu.vector_load %arg8[%swap3A_160] {strides = array<i32>} : memref<112xi32, #tpu.memory_space<vmem>>, vector<16xi32>,
    %swap3A_162 = vector.shape_cast %swap3A_161 : vector<16xi32> to vector<16xi32>
    %swap3A_163 = vector.shape_cast %get3A_159 : vector<16xi32> to vector<16xi32>
    tpu.vector_store %arg8[%swap3A_160], %swap3A_163 {strides = array<i32>} : memref<112xi32, #tpu.memory_space<vmem>>, vector<16xi32>,
    %get3A_164 = arith.constant 96 : index
    %get3A_165 = tpu.vector_load %arg7[%get3A_164] {strides = array<i32>} : memref<10000xi32, #tpu.memory_space<vmem>>, vector<16xi32>,
    %get3A_166 = vector.shape_cast %get3A_165 : vector<16xi32> to vector<16xi32>
    %swap3A_167 = arith.constant 96 : index
    %swap3A_168 = tpu.vector_load %arg10[%swap3A_167] {strides = array<i32>} : memref<112xi32, #tpu.memory_space<vmem>>, vector<16xi32>,
    %swap3A_169 = vector.shape_cast %swap3A_168 : vector<16xi32> to vector<16xi32>
    %swap3A_170 = vector.shape_cast %get3A_166 : vector<16xi32> to vector<16xi32>
    tpu.vector_store %arg10[%swap3A_167], %swap3A_170 {strides = array<i32>} : memref<112xi32, #tpu.memory_space<vmem>>, vector<16xi32>,
    %dma_start3A_171 = arith.constant 0 : i32
    %dma_start3A_172 = arith.constant 0 : i32
    %dma_start3A_173 = tpu.memref_slice %arg2[%dma_start3A_171, %dma_start3A_172] : memref<10000x128xf32, #tpu.memory_space<hbm>> -> memref<10000x128xf32, #tpu.memory_space<hbm>>
    tpu.enqueue_indirect_dma source(%dma_start3A_173 : memref<10000x128xf32, #tpu.memory_space<hbm>>) target(%arg14 : memref<112x128xf32, #tpu.memory_space<vmem>>) offsets(%arg8 : memref<112xi32, #tpu.memory_space<vmem>>) semaphore(%arg17 : memref<!tpu.dma_semaphore, #tpu.memory_space<semaphore_mem>>)
    %mul3A_174 = arith.constant 632 : i32
    %mul3A_175 = arith.muli %arg1, %mul3A_174 : i32
    %add3A_176 = arith.constant 0 : i32
    %add3A_177 = arith.addi %mul3A_175, %add3A_176 : i32
    %dma_wait3A_178 = arith.constant 0 : i32
    %dma_wait3A_179 = tpu.memref_slice %arg16[%add3A_177, %dma_wait3A_178] : memref<10112x128xf32, #tpu.memory_space<vmem_shared>> -> memref<112x128xf32, #tpu.memory_space<vmem_shared>>
    %dma_wait3A_180 = arith.constant 0 : i32
    %dma_wait3A_181 = tpu.memref_slice %arg16[%add3A_177, %dma_wait3A_180] : memref<10112x128xf32, #tpu.memory_space<vmem_shared>> -> memref<112x128xf32, #tpu.memory_space<vmem_shared>>
    tpu.wait_dma2 semaphore(%arg20 : memref<!tpu.dma_semaphore, #tpu.memory_space<semaphore_mem>>) src(%arg15 : memref<112x128xf32, #tpu.memory_space<vmem>>) dst(%dma_wait3A_181 : memref<112x128xf32, #tpu.memory_space<vmem_shared>>)
    %mul3A_182 = arith.constant 632 : i32
    %mul3A_183 = arith.muli %arg1, %mul3A_182 : i32
    %add3A_184 = arith.constant 112 : i32
    %add3A_185 = arith.addi %mul3A_183, %add3A_184 : i32
    %dma_wait3A_186 = arith.constant 0 : i32
    %dma_wait3A_187 = tpu.memref_slice %arg16[%add3A_185, %dma_wait3A_186] : memref<10112x128xf32, #tpu.memory_space<vmem_shared>> -> memref<112x128xf32, #tpu.memory_space<vmem_shared>>
    %dma_wait3A_188 = arith.constant 0 : i32
    %dma_wait3A_189 = tpu.memref_slice %arg16[%add3A_185, %dma_wait3A_188] : memref<10112x128xf32, #tpu.memory_space<vmem_shared>> -> memref<112x128xf32, #tpu.memory_space<vmem_shared>>
    tpu.wait_dma2 semaphore(%arg20 : memref<!tpu.dma_semaphore, #tpu.memory_space<semaphore_mem>>) src(%arg15 : memref<112x128xf32, #tpu.memory_space<vmem>>) dst(%dma_wait3A_189 : memref<112x128xf32, #tpu.memory_space<vmem_shared>>)
    %mul3A_190 = arith.constant 632 : i32
    %mul3A_191 = arith.muli %arg1, %mul3A_190 : i32
    %add3A_192 = arith.constant 224 : i32
    %add3A_193 = arith.addi %mul3A_191, %add3A_192 : i32
    %dma_wait3A_194 = arith.constant 0 : i32
    %dma_wait3A_195 = tpu.memref_slice %arg16[%add3A_193, %dma_wait3A_194] : memref<10112x128xf32, #tpu.memory_space<vmem_shared>> -> memref<112x128xf32, #tpu.memory_space<vmem_shared>>
    %dma_wait3A_196 = arith.constant 0 : i32
    %dma_wait3A_197 = tpu.memref_slice %arg16[%add3A_193, %dma_wait3A_196] : memref<10112x128xf32, #tpu.memory_space<vmem_shared>> -> memref<112x128xf32, #tpu.memory_space<vmem_shared>>
    tpu.wait_dma2 semaphore(%arg20 : memref<!tpu.dma_semaphore, #tpu.memory_space<semaphore_mem>>) src(%arg15 : memref<112x128xf32, #tpu.memory_space<vmem>>) dst(%dma_wait3A_197 : memref<112x128xf32, #tpu.memory_space<vmem_shared>>)
    %mul3A_198 = arith.constant 632 : i32
    %mul3A_199 = arith.muli %arg1, %mul3A_198 : i32
    %add3A_200 = arith.constant 336 : i32
    %add3A_201 = arith.addi %mul3A_199, %add3A_200 : i32
    %dma_wait3A_202 = arith.constant 0 : i32
    %dma_wait3A_203 = tpu.memref_slice %arg16[%add3A_201, %dma_wait3A_202] : memref<10112x128xf32, #tpu.memory_space<vmem_shared>> -> memref<112x128xf32, #tpu.memory_space<vmem_shared>>
    %dma_wait3A_204 = arith.constant 0 : i32
    %dma_wait3A_205 = tpu.memref_slice %arg16[%add3A_201, %dma_wait3A_204] : memref<10112x128xf32, #tpu.memory_space<vmem_shared>> -> memref<112x128xf32, #tpu.memory_space<vmem_shared>>
    tpu.wait_dma2 semaphore(%arg20 : memref<!tpu.dma_semaphore, #tpu.memory_space<semaphore_mem>>) src(%arg15 : memref<112x128xf32, #tpu.memory_space<vmem>>) dst(%dma_wait3A_205 : memref<112x128xf32, #tpu.memory_space<vmem_shared>>)
    %mul3A_206 = arith.constant 632 : i32
    %mul3A_207 = arith.muli %arg1, %mul3A_206 : i32
    %add3A_208 = arith.constant 448 : i32
    %add3A_209 = arith.addi %mul3A_207, %add3A_208 : i32
    %dma_wait3A_210 = arith.constant 0 : i32
    %dma_wait3A_211 = tpu.memref_slice %arg16[%add3A_209, %dma_wait3A_210] : memref<10112x128xf32, #tpu.memory_space<vmem_shared>> -> memref<112x128xf32, #tpu.memory_space<vmem_shared>>
    %dma_wait3A_212 = arith.constant 0 : i32
    %dma_wait3A_213 = tpu.memref_slice %arg16[%add3A_209, %dma_wait3A_212] : memref<10112x128xf32, #tpu.memory_space<vmem_shared>> -> memref<112x128xf32, #tpu.memory_space<vmem_shared>>
    tpu.wait_dma2 semaphore(%arg20 : memref<!tpu.dma_semaphore, #tpu.memory_space<semaphore_mem>>) src(%arg15 : memref<112x128xf32, #tpu.memory_space<vmem>>) dst(%dma_wait3A_213 : memref<112x128xf32, #tpu.memory_space<vmem_shared>>)
    %mul3A_214 = arith.constant 632 : i32
    %mul3A_215 = arith.muli %arg1, %mul3A_214 : i32
    %add3A_216 = arith.constant 560 : i32
    %add3A_217 = arith.addi %mul3A_215, %add3A_216 : i32
    %dma_wait3A_218 = arith.constant 0 : i32
    %dma_wait3A_219 = arith.constant 0 : i32
    %dma_wait3A_220 = tpu.memref_slice %arg15[%dma_wait3A_218, %dma_wait3A_219] : memref<112x128xf32, #tpu.memory_space<vmem>> -> memref<72x128xf32, #tpu.memory_space<vmem>>
    %dma_wait3A_221 = arith.constant 0 : i32
    %dma_wait3A_222 = tpu.memref_slice %arg16[%add3A_217, %dma_wait3A_221] : memref<10112x128xf32, #tpu.memory_space<vmem_shared>> -> memref<72x128xf32, #tpu.memory_space<vmem_shared>>
    %dma_wait3A_223 = arith.constant 0 : i32
    %dma_wait3A_224 = tpu.memref_slice %arg16[%add3A_217, %dma_wait3A_223] : memref<10112x128xf32, #tpu.memory_space<vmem_shared>> -> memref<72x128xf32, #tpu.memory_space<vmem_shared>>
    %dma_wait3A_225 = arith.constant 0 : i32
    %dma_wait3A_226 = arith.constant 0 : i32
    %dma_wait3A_227 = tpu.memref_slice %arg15[%dma_wait3A_225, %dma_wait3A_226] : memref<112x128xf32, #tpu.memory_space<vmem>> -> memref<72x128xf32, #tpu.memory_space<vmem>>
    tpu.wait_dma2 semaphore(%arg20 : memref<!tpu.dma_semaphore, #tpu.memory_space<semaphore_mem>>) src(%dma_wait3A_227 : memref<72x128xf32, #tpu.memory_space<vmem>>) dst(%dma_wait3A_224 : memref<72x128xf32, #tpu.memory_space<vmem_shared>>)
    %barrier3A = arith.constant 0 : index
    tpu.barrier barrier_id(%barrier3A)
    %get3A_228 = arith.constant 112 : index
    %get3A_229 = tpu.vector_load %arg6[%get3A_228] {strides = array<i32>} : memref<10000xi32, #tpu.memory_space<vmem>>, vector<16xi32>,
    %get3A_230 = vector.shape_cast %get3A_229 : vector<16xi32> to vector<16xi32>
    %swap3A_231 = arith.constant 0 : index
    %swap3A_232 = tpu.vector_load %arg9[%swap3A_231] {strides = array<i32>} : memref<112xi32, #tpu.memory_space<vmem>>, vector<16xi32>,
    %swap3A_233 = vector.shape_cast %swap3A_232 : vector<16xi32> to vector<16xi32>
    %swap3A_234 = vector.shape_cast %get3A_230 : vector<16xi32> to vector<16xi32>
    tpu.vector_store %arg9[%swap3A_231], %swap3A_234 {strides = array<i32>} : memref<112xi32, #tpu.memory_space<vmem>>, vector<16xi32>,
    %get3A_235 = arith.constant 112 : index
    %get3A_236 = tpu.vector_load %arg7[%get3A_235] {strides = array<i32>} : memref<10000xi32, #tpu.memory_space<vmem>>, vector<16xi32>,
    %get3A_237 = vector.shape_cast %get3A_236 : vector<16xi32> to vector<16xi32>
    %swap3A_238 = arith.constant 0 : index
    %swap3A_239 = tpu.vector_load %arg11[%swap3A_238] {strides = array<i32>} : memref<112xi32, #tpu.memory_space<vmem>>, vector<16xi32>,
    %swap3A_240 = vector.shape_cast %swap3A_239 : vector<16xi32> to vector<16xi32>
    %swap3A_241 = vector.shape_cast %get3A_237 : vector<16xi32> to vector<16xi32>
    tpu.vector_store %arg11[%swap3A_238], %swap3A_241 {strides = array<i32>} : memref<112xi32, #tpu.memory_space<vmem>>, vector<16xi32>,
    %get3A_242 = arith.constant 128 : index
    %get3A_243 = tpu.vector_load %arg6[%get3A_242] {strides = array<i32>} : memref<10000xi32, #tpu.memory_space<vmem>>, vector<16xi32>,
    %get3A_244 = vector.shape_cast %get3A_243 : vector<16xi32> to vector<16xi32>
    %swap3A_245 = arith.constant 16 : index
    %swap3A_246 = tpu.vector_load %arg9[%swap3A_245] {strides = array<i32>} : memref<112xi32, #tpu.memory_space<vmem>>, vector<16xi32>,
    %swap3A_247 = vector.shape_cast %swap3A_246 : vector<16xi32> to vector<16xi32>
    %swap3A_248 = vector.shape_cast %get3A_244 : vector<16xi32> to vector<16xi32>
    tpu.vector_store %arg9[%swap3A_245], %swap3A_248 {strides = array<i32>} : memref<112xi32, #tpu.memory_space<vmem>>, vector<16xi32>,
    %get3A_249 = arith.constant 128 : index
    %get3A_250 = tpu.vector_load %arg7[%get3A_249] {strides = array<i32>} : memref<10000xi32, #tpu.memory_space<vmem>>, vector<16xi32>,
    %get3A_251 = vector.shape_cast %get3A_250 : vector<16xi32> to vector<16xi32>
    %swap3A_252 = arith.constant 16 : index
    %swap3A_253 = tpu.vector_load %arg11[%swap3A_252] {strides = array<i32>} : memref<112xi32, #tpu.memory_space<vmem>>, vector<16xi32>,
    %swap3A_254 = vector.shape_cast %swap3A_253 : vector<16xi32> to vector<16xi32>
    %swap3A_255 = vector.shape_cast %get3A_251 : vector<16xi32> to vector<16xi32>
    tpu.vector_store %arg11[%swap3A_252], %swap3A_255 {strides = array<i32>} : memref<112xi32, #tpu.memory_space<vmem>>, vector<16xi32>,
    %get3A_256 = arith.constant 144 : index
    %get3A_257 = tpu.vector_load %arg6[%get3A_256] {strides = array<i32>} : memref<10000xi32, #tpu.memory_space<vmem>>, vector<16xi32>,
    %get3A_258 = vector.shape_cast %get3A_257 : vector<16xi32> to vector<16xi32>
    %swap3A_259 = arith.constant 32 : index
    %swap3A_260 = tpu.vector_load %arg9[%swap3A_259] {strides = array<i32>} : memref<112xi32, #tpu.memory_space<vmem>>, vector<16xi32>,
    %swap3A_261 = vector.shape_cast %swap3A_260 : vector<16xi32> to vector<16xi32>
    %swap3A_262 = vector.shape_cast %get3A_258 : vector<16xi32> to vector<16xi32>
    tpu.vector_store %arg9[%swap3A_259], %swap3A_262 {strides = array<i32>} : memref<112xi32, #tpu.memory_space<vmem>>, vector<16xi32>,
    %get3A_263 = arith.constant 144 : index
    %get3A_264 = tpu.vector_load %arg7[%get3A_263] {strides = array<i32>} : memref<10000xi32, #tpu.memory_space<vmem>>, vector<16xi32>,
    %get3A_265 = vector.shape_cast %get3A_264 : vector<16xi32> to vector<16xi32>
    %swap3A_266 = arith.constant 32 : index
    %swap3A_267 = tpu.vector_load %arg11[%swap3A_266] {strides = array<i32>} : memref<112xi32, #tpu.memory_space<vmem>>, vector<16xi32>,
    %swap3A_268 = vector.shape_cast %swap3A_267 : vector<16xi32> to vector<16xi32>
    %swap3A_269 = vector.shape_cast %get3A_265 : vector<16xi32> to vector<16xi32>
    tpu.vector_store %arg11[%swap3A_266], %swap3A_269 {strides = array<i32>} : memref<112xi32, #tpu.memory_space<vmem>>, vector<16xi32>,
    %get3A_270 = arith.constant 160 : index
    %get3A_271 = tpu.vector_load %arg6[%get3A_270] {strides = array<i32>} : memref<10000xi32, #tpu.memory_space<vmem>>, vector<16xi32>,
    %get3A_272 = vector.shape_cast %get3A_271 : vector<16xi32> to vector<16xi32>
    %swap3A_273 = arith.constant 48 : index
    %swap3A_274 = tpu.vector_load %arg9[%swap3A_273] {strides = array<i32>} : memref<112xi32, #tpu.memory_space<vmem>>, vector<16xi32>,
    %swap3A_275 = vector.shape_cast %swap3A_274 : vector<16xi32> to vector<16xi32>
    %swap3A_276 = vector.shape_cast %get3A_272 : vector<16xi32> to vector<16xi32>
    tpu.vector_store %arg9[%swap3A_273], %swap3A_276 {strides = array<i32>} : memref<112xi32, #tpu.memory_space<vmem>>, vector<16xi32>,
    %get3A_277 = arith.constant 160 : index
    %get3A_278 = tpu.vector_load %arg7[%get3A_277] {strides = array<i32>} : memref<10000xi32, #tpu.memory_space<vmem>>, vector<16xi32>,
    %get3A_279 = vector.shape_cast %get3A_278 : vector<16xi32> to vector<16xi32>
    %swap3A_280 = arith.constant 48 : index
    %swap3A_281 = tpu.vector_load %arg11[%swap3A_280] {strides = array<i32>} : memref<112xi32, #tpu.memory_space<vmem>>, vector<16xi32>,
    %swap3A_282 = vector.shape_cast %swap3A_281 : vector<16xi32> to vector<16xi32>
    %swap3A_283 = vector.shape_cast %get3A_279 : vector<16xi32> to vector<16xi32>
    tpu.vector_store %arg11[%swap3A_280], %swap3A_283 {strides = array<i32>} : memref<112xi32, #tpu.memory_space<vmem>>, vector<16xi32>,
    %get3A_284 = arith.constant 176 : index
    %get3A_285 = tpu.vector_load %arg6[%get3A_284] {strides = array<i32>} : memref<10000xi32, #tpu.memory_space<vmem>>, vector<16xi32>,
    %get3A_286 = vector.shape_cast %get3A_285 : vector<16xi32> to vector<16xi32>
    %swap3A_287 = arith.constant 64 : index
    %swap3A_288 = tpu.vector_load %arg9[%swap3A_287] {strides = array<i32>} : memref<112xi32, #tpu.memory_space<vmem>>, vector<16xi32>,
    %swap3A_289 = vector.shape_cast %swap3A_288 : vector<16xi32> to vector<16xi32>
    %swap3A_290 = vector.shape_cast %get3A_286 : vector<16xi32> to vector<16xi32>
    tpu.vector_store %arg9[%swap3A_287], %swap3A_290 {strides = array<i32>} : memref<112xi32, #tpu.memory_space<vmem>>, vector<16xi32>,
    %get3A_291 = arith.constant 176 : index
    %get3A_292 = tpu.vector_load %arg7[%get3A_291] {strides = array<i32>} : memref<10000xi32, #tpu.memory_space<vmem>>, vector<16xi32>,
    %get3A_293 = vector.shape_cast %get3A_292 : vector<16xi32> to vector<16xi32>
    %swap3A_294 = arith.constant 64 : index
    %swap3A_295 = tpu.vector_load %arg11[%swap3A_294] {strides = array<i32>} : memref<112xi32, #tpu.memory_space<vmem>>, vector<16xi32>,
    %swap3A_296 = vector.shape_cast %swap3A_295 : vector<16xi32> to vector<16xi32>
    %swap3A_297 = vector.shape_cast %get3A_293 : vector<16xi32> to vector<16xi32>
    tpu.vector_store %arg11[%swap3A_294], %swap3A_297 {strides = array<i32>} : memref<112xi32, #tpu.memory_space<vmem>>, vector<16xi32>,
    %get3A_298 = arith.constant 192 : index
    %get3A_299 = tpu.vector_load %arg6[%get3A_298] {strides = array<i32>} : memref<10000xi32, #tpu.memory_space<vmem>>, vector<16xi32>,
    %get3A_300 = vector.shape_cast %get3A_299 : vector<16xi32> to vector<16xi32>
    %swap3A_301 = arith.constant 80 : index
    %swap3A_302 = tpu.vector_load %arg9[%swap3A_301] {strides = array<i32>} : memref<112xi32, #tpu.memory_space<vmem>>, vector<16xi32>,
    %swap3A_303 = vector.shape_cast %swap3A_302 : vector<16xi32> to vector<16xi32>
    %swap3A_304 = vector.shape_cast %get3A_300 : vector<16xi32> to vector<16xi32>
    tpu.vector_store %arg9[%swap3A_301], %swap3A_304 {strides = array<i32>} : memref<112xi32, #tpu.memory_space<vmem>>, vector<16xi32>,
    %get3A_305 = arith.constant 192 : index
    %get3A_306 = tpu.vector_load %arg7[%get3A_305] {strides = array<i32>} : memref<10000xi32, #tpu.memory_space<vmem>>, vector<16xi32>,
    %get3A_307 = vector.shape_cast %get3A_306 : vector<16xi32> to vector<16xi32>
    %swap3A_308 = arith.constant 80 : index
    %swap3A_309 = tpu.vector_load %arg11[%swap3A_308] {strides = array<i32>} : memref<112xi32, #tpu.memory_space<vmem>>, vector<16xi32>,
    %swap3A_310 = vector.shape_cast %swap3A_309 : vector<16xi32> to vector<16xi32>
    %swap3A_311 = vector.shape_cast %get3A_307 : vector<16xi32> to vector<16xi32>
    tpu.vector_store %arg11[%swap3A_308], %swap3A_311 {strides = array<i32>} : memref<112xi32, #tpu.memory_space<vmem>>, vector<16xi32>,
    %get3A_312 = arith.constant 208 : index
    %get3A_313 = tpu.vector_load %arg6[%get3A_312] {strides = array<i32>} : memref<10000xi32, #tpu.memory_space<vmem>>, vector<16xi32>,
    %get3A_314 = vector.shape_cast %get3A_313 : vector<16xi32> to vector<16xi32>
    %swap3A_315 = arith.constant 96 : index
    %swap3A_316 = tpu.vector_load %arg9[%swap3A_315] {strides = array<i32>} : memref<112xi32, #tpu.memory_space<vmem>>, vector<16xi32>,
    %swap3A_317 = vector.shape_cast %swap3A_316 : vector<16xi32> to vector<16xi32>
    %swap3A_318 = vector.shape_cast %get3A_314 : vector<16xi32> to vector<16xi32>
    tpu.vector_store %arg9[%swap3A_315], %swap3A_318 {strides = array<i32>} : memref<112xi32, #tpu.memory_space<vmem>>, vector<16xi32>,
    %get3A_319 = arith.constant 208 : index
    %get3A_320 = tpu.vector_load %arg7[%get3A_319] {strides = array<i32>} : memref<10000xi32, #tpu.memory_space<vmem>>, vector<16xi32>,
    %get3A_321 = vector.shape_cast %get3A_320 : vector<16xi32> to vector<16xi32>
    %swap3A_322 = arith.constant 96 : index
    %swap3A_323 = tpu.vector_load %arg11[%swap3A_322] {strides = array<i32>} : memref<112xi32, #tpu.memory_space<vmem>>, vector<16xi32>,
    %swap3A_324 = vector.shape_cast %swap3A_323 : vector<16xi32> to vector<16xi32>
    %swap3A_325 = vector.shape_cast %get3A_321 : vector<16xi32> to vector<16xi32>
    tpu.vector_store %arg11[%swap3A_322], %swap3A_325 {strides = array<i32>} : memref<112xi32, #tpu.memory_space<vmem>>, vector<16xi32>,
    %dma_start3A_326 = arith.constant 0 : i32
    %dma_start3A_327 = arith.constant 0 : i32
    %dma_start3A_328 = tpu.memref_slice %arg2[%dma_start3A_326, %dma_start3A_327] : memref<10000x128xf32, #tpu.memory_space<hbm>> -> memref<10000x128xf32, #tpu.memory_space<hbm>>
    tpu.enqueue_indirect_dma source(%dma_start3A_328 : memref<10000x128xf32, #tpu.memory_space<hbm>>) target(%arg15 : memref<112x128xf32, #tpu.memory_space<vmem>>) offsets(%arg9 : memref<112xi32, #tpu.memory_space<vmem>>) semaphore(%arg18 : memref<!tpu.dma_semaphore, #tpu.memory_space<semaphore_mem>>)
    %scan3A_329 = arith.constant 0 : i32
    %scan3A_330 = arith.constant 0 : i32
    %scan3A_331 = arith.constant 44 : i32
    %scan3A_332 = arith.addi %scan3A_330, %scan3A_331 : i32
    %scan3A_333 = arith.constant 1 : i32
    scf.for %scan3A_401 = %scan3A_330 to %scan3A_332 step %scan3A_333  : i32 {
      %mul3A_402 = arith.constant 2 : i32
      %mul3A_403 = arith.muli %scan3A_401, %mul3A_402 : i32
      %add3A_404 = arith.constant 0 : i32
      %add3A_405 = arith.addi %mul3A_403, %add3A_404 : i32
      %dma_wait3A_406 = arith.constant 0 : i32
      %dma_wait3A_407 = arith.constant 0 : i32
      %dma_wait3A_408 = tpu.memref_slice %arg2[%dma_wait3A_406, %dma_wait3A_407] : memref<10000x128xf32, #tpu.memory_space<hbm>> -> memref<10000x128xf32, #tpu.memory_space<hbm>>
      tpu.wait_indirect_dma semaphore(%arg17 : memref<!tpu.dma_semaphore, #tpu.memory_space<semaphore_mem>>) src(%dma_wait3A_408 : memref<10000x128xf32, #tpu.memory_space<hbm>>) dst(%arg14 : memref<112x128xf32, #tpu.memory_space<vmem>>)
      %dma_start3A_409 = arith.constant 0 : i32
      %dma_start3A_410 = arith.constant 0 : i32
      %dma_start3A_411 = tpu.memref_slice %arg16[%dma_start3A_409, %dma_start3A_410] : memref<10112x128xf32, #tpu.memory_space<vmem_shared>> -> memref<10112x128xf32, #tpu.memory_space<vmem_shared>>
      tpu.enqueue_indirect_dma source(%arg14 : memref<112x128xf32, #tpu.memory_space<vmem>>) target(%dma_start3A_411 : memref<10112x128xf32, #tpu.memory_space<vmem_shared>>) offsets(%arg10 : memref<112xi32, #tpu.memory_space<vmem>>) semaphore(%arg19 : memref<!tpu.dma_semaphore, #tpu.memory_space<semaphore_mem>>) {add = true}
      %dma_wait3A_412 = arith.constant 0 : i32
      %dma_wait3A_413 = arith.constant 0 : i32
      %dma_wait3A_414 = tpu.memref_slice %arg16[%dma_wait3A_412, %dma_wait3A_413] : memref<10112x128xf32, #tpu.memory_space<vmem_shared>> -> memref<10112x128xf32, #tpu.memory_space<vmem_shared>>
      tpu.wait_indirect_dma semaphore(%arg19 : memref<!tpu.dma_semaphore, #tpu.memory_space<semaphore_mem>>) src(%arg14 : memref<112x128xf32, #tpu.memory_space<vmem>>) dst(%dma_wait3A_414 : memref<10112x128xf32, #tpu.memory_space<vmem_shared>>)
      %add3A_415 = arith.constant 2 : i32
      %add3A_416 = arith.addi %add3A_405, %add3A_415 : i32
      %lt3A = arith.constant 89 : i32
      %lt3A_417 = arith.cmpi slt, %add3A_416, %lt3A : i32
      %convert_element_type3A = arith.extui %lt3A_417 : i1 to i32
      %cond3A = arith.constant 0 : i32
      %cond3A_418 = arith.cmpi ne, %convert_element_type3A, %cond3A : i32
      scf.if %cond3A_418 {
        %add3A_439 = arith.constant 2 : i32
        %add3A_440 = arith.addi %add3A_405, %add3A_439 : i32
        %mul3A_441 = arith.constant 112 : i32
        %mul3A_442 = arith.muli %add3A_440, %mul3A_441 : i32
        %add3A_443 = arith.constant 0 : i32
        %add3A_444 = arith.addi %mul3A_442, %add3A_443 : i32
        %get3A_445 = arith.index_cast %add3A_444 : i32 to index
        %get3A_446 = tpu.vector_load %arg6[%get3A_445] {strides = array<i32>} : memref<10000xi32, #tpu.memory_space<vmem>>, vector<16xi32>,
        %swap3A_447 = arith.constant 0 : index
        %swap3A_448 = tpu.vector_load %arg8[%swap3A_447] {strides = array<i32>} : memref<112xi32, #tpu.memory_space<vmem>>, vector<16xi32>,
        %swap3A_449 = vector.shape_cast %swap3A_448 : vector<16xi32> to vector<16xi32>
        %swap3A_450 = vector.shape_cast %get3A_446 : vector<16xi32> to vector<16xi32>
        tpu.vector_store %arg8[%swap3A_447], %swap3A_450 {strides = array<i32>} : memref<112xi32, #tpu.memory_space<vmem>>, vector<16xi32>,
        %mul3A_451 = arith.constant 112 : i32
        %mul3A_452 = arith.muli %add3A_440, %mul3A_451 : i32
        %add3A_453 = arith.constant 0 : i32
        %add3A_454 = arith.addi %mul3A_452, %add3A_453 : i32
        %get3A_455 = arith.index_cast %add3A_454 : i32 to index
        %get3A_456 = tpu.vector_load %arg7[%get3A_455] {strides = array<i32>} : memref<10000xi32, #tpu.memory_space<vmem>>, vector<16xi32>,
        %swap3A_457 = arith.constant 0 : index
        %swap3A_458 = tpu.vector_load %arg10[%swap3A_457] {strides = array<i32>} : memref<112xi32, #tpu.memory_space<vmem>>, vector<16xi32>,
        %swap3A_459 = vector.shape_cast %swap3A_458 : vector<16xi32> to vector<16xi32>
        %swap3A_460 = vector.shape_cast %get3A_456 : vector<16xi32> to vector<16xi32>
        tpu.vector_store %arg10[%swap3A_457], %swap3A_460 {strides = array<i32>} : memref<112xi32, #tpu.memory_space<vmem>>, vector<16xi32>,
        %mul3A_461 = arith.constant 112 : i32
        %mul3A_462 = arith.muli %add3A_440, %mul3A_461 : i32
        %add3A_463 = arith.constant 16 : i32
        %add3A_464 = arith.addi %mul3A_462, %add3A_463 : i32
        %get3A_465 = arith.index_cast %add3A_464 : i32 to index
        %get3A_466 = tpu.vector_load %arg6[%get3A_465] {strides = array<i32>} : memref<10000xi32, #tpu.memory_space<vmem>>, vector<16xi32>,
        %swap3A_467 = arith.constant 16 : index
        %swap3A_468 = tpu.vector_load %arg8[%swap3A_467] {strides = array<i32>} : memref<112xi32, #tpu.memory_space<vmem>>, vector<16xi32>,
        %swap3A_469 = vector.shape_cast %swap3A_468 : vector<16xi32> to vector<16xi32>
        %swap3A_470 = vector.shape_cast %get3A_466 : vector<16xi32> to vector<16xi32>
        tpu.vector_store %arg8[%swap3A_467], %swap3A_470 {strides = array<i32>} : memref<112xi32, #tpu.memory_space<vmem>>, vector<16xi32>,
        %mul3A_471 = arith.constant 112 : i32
        %mul3A_472 = arith.muli %add3A_440, %mul3A_471 : i32
        %add3A_473 = arith.constant 16 : i32
        %add3A_474 = arith.addi %mul3A_472, %add3A_473 : i32
        %get3A_475 = arith.index_cast %add3A_474 : i32 to index
        %get3A_476 = tpu.vector_load %arg7[%get3A_475] {strides = array<i32>} : memref<10000xi32, #tpu.memory_space<vmem>>, vector<16xi32>,
        %swap3A_477 = arith.constant 16 : index
        %swap3A_478 = tpu.vector_load %arg10[%swap3A_477] {strides = array<i32>} : memref<112xi32, #tpu.memory_space<vmem>>, vector<16xi32>,
        %swap3A_479 = vector.shape_cast %swap3A_478 : vector<16xi32> to vector<16xi32>
        %swap3A_480 = vector.shape_cast %get3A_476 : vector<16xi32> to vector<16xi32>
        tpu.vector_store %arg10[%swap3A_477], %swap3A_480 {strides = array<i32>} : memref<112xi32, #tpu.memory_space<vmem>>, vector<16xi32>,
        %mul3A_481 = arith.constant 112 : i32
        %mul3A_482 = arith.muli %add3A_440, %mul3A_481 : i32
        %add3A_483 = arith.constant 32 : i32
        %add3A_484 = arith.addi %mul3A_482, %add3A_483 : i32
        %get3A_485 = arith.index_cast %add3A_484 : i32 to index
        %get3A_486 = tpu.vector_load %arg6[%get3A_485] {strides = array<i32>} : memref<10000xi32, #tpu.memory_space<vmem>>, vector<16xi32>,
        %swap3A_487 = arith.constant 32 : index
        %swap3A_488 = tpu.vector_load %arg8[%swap3A_487] {strides = array<i32>} : memref<112xi32, #tpu.memory_space<vmem>>, vector<16xi32>,
        %swap3A_489 = vector.shape_cast %swap3A_488 : vector<16xi32> to vector<16xi32>
        %swap3A_490 = vector.shape_cast %get3A_486 : vector<16xi32> to vector<16xi32>
        tpu.vector_store %arg8[%swap3A_487], %swap3A_490 {strides = array<i32>} : memref<112xi32, #tpu.memory_space<vmem>>, vector<16xi32>,
        %mul3A_491 = arith.constant 112 : i32
        %mul3A_492 = arith.muli %add3A_440, %mul3A_491 : i32
        %add3A_493 = arith.constant 32 : i32
        %add3A_494 = arith.addi %mul3A_492, %add3A_493 : i32
        %get3A_495 = arith.index_cast %add3A_494 : i32 to index
        %get3A_496 = tpu.vector_load %arg7[%get3A_495] {strides = array<i32>} : memref<10000xi32, #tpu.memory_space<vmem>>, vector<16xi32>,
        %swap3A_497 = arith.constant 32 : index
        %swap3A_498 = tpu.vector_load %arg10[%swap3A_497] {strides = array<i32>} : memref<112xi32, #tpu.memory_space<vmem>>, vector<16xi32>,
        %swap3A_499 = vector.shape_cast %swap3A_498 : vector<16xi32> to vector<16xi32>
        %swap3A_500 = vector.shape_cast %get3A_496 : vector<16xi32> to vector<16xi32>
        tpu.vector_store %arg10[%swap3A_497], %swap3A_500 {strides = array<i32>} : memref<112xi32, #tpu.memory_space<vmem>>, vector<16xi32>,
        %mul3A_501 = arith.constant 112 : i32
        %mul3A_502 = arith.muli %add3A_440, %mul3A_501 : i32
        %add3A_503 = arith.constant 48 : i32
        %add3A_504 = arith.addi %mul3A_502, %add3A_503 : i32
        %get3A_505 = arith.index_cast %add3A_504 : i32 to index
        %get3A_506 = tpu.vector_load %arg6[%get3A_505] {strides = array<i32>} : memref<10000xi32, #tpu.memory_space<vmem>>, vector<16xi32>,
        %swap3A_507 = arith.constant 48 : index
        %swap3A_508 = tpu.vector_load %arg8[%swap3A_507] {strides = array<i32>} : memref<112xi32, #tpu.memory_space<vmem>>, vector<16xi32>,
        %swap3A_509 = vector.shape_cast %swap3A_508 : vector<16xi32> to vector<16xi32>
        %swap3A_510 = vector.shape_cast %get3A_506 : vector<16xi32> to vector<16xi32>
        tpu.vector_store %arg8[%swap3A_507], %swap3A_510 {strides = array<i32>} : memref<112xi32, #tpu.memory_space<vmem>>, vector<16xi32>,
        %mul3A_511 = arith.constant 112 : i32
        %mul3A_512 = arith.muli %add3A_440, %mul3A_511 : i32
        %add3A_513 = arith.constant 48 : i32
        %add3A_514 = arith.addi %mul3A_512, %add3A_513 : i32
        %get3A_515 = arith.index_cast %add3A_514 : i32 to index
        %get3A_516 = tpu.vector_load %arg7[%get3A_515] {strides = array<i32>} : memref<10000xi32, #tpu.memory_space<vmem>>, vector<16xi32>,
        %swap3A_517 = arith.constant 48 : index
        %swap3A_518 = tpu.vector_load %arg10[%swap3A_517] {strides = array<i32>} : memref<112xi32, #tpu.memory_space<vmem>>, vector<16xi32>,
        %swap3A_519 = vector.shape_cast %swap3A_518 : vector<16xi32> to vector<16xi32>
        %swap3A_520 = vector.shape_cast %get3A_516 : vector<16xi32> to vector<16xi32>
        tpu.vector_store %arg10[%swap3A_517], %swap3A_520 {strides = array<i32>} : memref<112xi32, #tpu.memory_space<vmem>>, vector<16xi32>,
        %mul3A_521 = arith.constant 112 : i32
        %mul3A_522 = arith.muli %add3A_440, %mul3A_521 : i32
        %add3A_523 = arith.constant 64 : i32
        %add3A_524 = arith.addi %mul3A_522, %add3A_523 : i32
        %get3A_525 = arith.index_cast %add3A_524 : i32 to index
        %get3A_526 = tpu.vector_load %arg6[%get3A_525] {strides = array<i32>} : memref<10000xi32, #tpu.memory_space<vmem>>, vector<16xi32>,
        %swap3A_527 = arith.constant 64 : index
        %swap3A_528 = tpu.vector_load %arg8[%swap3A_527] {strides = array<i32>} : memref<112xi32, #tpu.memory_space<vmem>>, vector<16xi32>,
        %swap3A_529 = vector.shape_cast %swap3A_528 : vector<16xi32> to vector<16xi32>
        %swap3A_530 = vector.shape_cast %get3A_526 : vector<16xi32> to vector<16xi32>
        tpu.vector_store %arg8[%swap3A_527], %swap3A_530 {strides = array<i32>} : memref<112xi32, #tpu.memory_space<vmem>>, vector<16xi32>,
        %mul3A_531 = arith.constant 112 : i32
        %mul3A_532 = arith.muli %add3A_440, %mul3A_531 : i32
        %add3A_533 = arith.constant 64 : i32
        %add3A_534 = arith.addi %mul3A_532, %add3A_533 : i32
        %get3A_535 = arith.index_cast %add3A_534 : i32 to index
        %get3A_536 = tpu.vector_load %arg7[%get3A_535] {strides = array<i32>} : memref<10000xi32, #tpu.memory_space<vmem>>, vector<16xi32>,
        %swap3A_537 = arith.constant 64 : index
        %swap3A_538 = tpu.vector_load %arg10[%swap3A_537] {strides = array<i32>} : memref<112xi32, #tpu.memory_space<vmem>>, vector<16xi32>,
        %swap3A_539 = vector.shape_cast %swap3A_538 : vector<16xi32> to vector<16xi32>
        %swap3A_540 = vector.shape_cast %get3A_536 : vector<16xi32> to vector<16xi32>
        tpu.vector_store %arg10[%swap3A_537], %swap3A_540 {strides = array<i32>} : memref<112xi32, #tpu.memory_space<vmem>>, vector<16xi32>,
        %mul3A_541 = arith.constant 112 : i32
        %mul3A_542 = arith.muli %add3A_440, %mul3A_541 : i32
        %add3A_543 = arith.constant 80 : i32
        %add3A_544 = arith.addi %mul3A_542, %add3A_543 : i32
        %get3A_545 = arith.index_cast %add3A_544 : i32 to index
        %get3A_546 = tpu.vector_load %arg6[%get3A_545] {strides = array<i32>} : memref<10000xi32, #tpu.memory_space<vmem>>, vector<16xi32>,
        %swap3A_547 = arith.constant 80 : index
        %swap3A_548 = tpu.vector_load %arg8[%swap3A_547] {strides = array<i32>} : memref<112xi32, #tpu.memory_space<vmem>>, vector<16xi32>,
        %swap3A_549 = vector.shape_cast %swap3A_548 : vector<16xi32> to vector<16xi32>
        %swap3A_550 = vector.shape_cast %get3A_546 : vector<16xi32> to vector<16xi32>
        tpu.vector_store %arg8[%swap3A_547], %swap3A_550 {strides = array<i32>} : memref<112xi32, #tpu.memory_space<vmem>>, vector<16xi32>,
        %mul3A_551 = arith.constant 112 : i32
        %mul3A_552 = arith.muli %add3A_440, %mul3A_551 : i32
        %add3A_553 = arith.constant 80 : i32
        %add3A_554 = arith.addi %mul3A_552, %add3A_553 : i32
        %get3A_555 = arith.index_cast %add3A_554 : i32 to index
        %get3A_556 = tpu.vector_load %arg7[%get3A_555] {strides = array<i32>} : memref<10000xi32, #tpu.memory_space<vmem>>, vector<16xi32>,
        %swap3A_557 = arith.constant 80 : index
        %swap3A_558 = tpu.vector_load %arg10[%swap3A_557] {strides = array<i32>} : memref<112xi32, #tpu.memory_space<vmem>>, vector<16xi32>,
        %swap3A_559 = vector.shape_cast %swap3A_558 : vector<16xi32> to vector<16xi32>
        %swap3A_560 = vector.shape_cast %get3A_556 : vector<16xi32> to vector<16xi32>
        tpu.vector_store %arg10[%swap3A_557], %swap3A_560 {strides = array<i32>} : memref<112xi32, #tpu.memory_space<vmem>>, vector<16xi32>,
        %mul3A_561 = arith.constant 112 : i32
        %mul3A_562 = arith.muli %add3A_440, %mul3A_561 : i32
        %add3A_563 = arith.constant 96 : i32
        %add3A_564 = arith.addi %mul3A_562, %add3A_563 : i32
        %get3A_565 = arith.index_cast %add3A_564 : i32 to index
        %get3A_566 = tpu.vector_load %arg6[%get3A_565] {strides = array<i32>} : memref<10000xi32, #tpu.memory_space<vmem>>, vector<16xi32>,
        %swap3A_567 = arith.constant 96 : index
        %swap3A_568 = tpu.vector_load %arg8[%swap3A_567] {strides = array<i32>} : memref<112xi32, #tpu.memory_space<vmem>>, vector<16xi32>,
        %swap3A_569 = vector.shape_cast %swap3A_568 : vector<16xi32> to vector<16xi32>
        %swap3A_570 = vector.shape_cast %get3A_566 : vector<16xi32> to vector<16xi32>
        tpu.vector_store %arg8[%swap3A_567], %swap3A_570 {strides = array<i32>} : memref<112xi32, #tpu.memory_space<vmem>>, vector<16xi32>,
        %mul3A_571 = arith.constant 112 : i32
        %mul3A_572 = arith.muli %add3A_440, %mul3A_571 : i32
        %add3A_573 = arith.constant 96 : i32
        %add3A_574 = arith.addi %mul3A_572, %add3A_573 : i32
        %get3A_575 = arith.index_cast %add3A_574 : i32 to index
        %get3A_576 = tpu.vector_load %arg7[%get3A_575] {strides = array<i32>} : memref<10000xi32, #tpu.memory_space<vmem>>, vector<16xi32>,
        %swap3A_577 = arith.constant 96 : index
        %swap3A_578 = tpu.vector_load %arg10[%swap3A_577] {strides = array<i32>} : memref<112xi32, #tpu.memory_space<vmem>>, vector<16xi32>,
        %swap3A_579 = vector.shape_cast %swap3A_578 : vector<16xi32> to vector<16xi32>
        %swap3A_580 = vector.shape_cast %get3A_576 : vector<16xi32> to vector<16xi32>
        tpu.vector_store %arg10[%swap3A_577], %swap3A_580 {strides = array<i32>} : memref<112xi32, #tpu.memory_space<vmem>>, vector<16xi32>,
        %dma_start3A_581 = arith.constant 0 : i32
        %dma_start3A_582 = arith.constant 0 : i32
        %dma_start3A_583 = tpu.memref_slice %arg2[%dma_start3A_581, %dma_start3A_582] : memref<10000x128xf32, #tpu.memory_space<hbm>> -> memref<10000x128xf32, #tpu.memory_space<hbm>>
        tpu.enqueue_indirect_dma source(%dma_start3A_583 : memref<10000x128xf32, #tpu.memory_space<hbm>>) target(%arg14 : memref<112x128xf32, #tpu.memory_space<vmem>>) offsets(%arg8 : memref<112xi32, #tpu.memory_space<vmem>>) semaphore(%arg17 : memref<!tpu.dma_semaphore, #tpu.memory_space<semaphore_mem>>)
      } else {
      }
      %mul3A_419 = arith.constant 2 : i32
      %mul3A_420 = arith.muli %scan3A_401, %mul3A_419 : i32
      %add3A_421 = arith.constant 1 : i32
      %add3A_422 = arith.addi %mul3A_420, %add3A_421 : i32
      %dma_wait3A_423 = arith.constant 0 : i32
      %dma_wait3A_424 = arith.constant 0 : i32
      %dma_wait3A_425 = tpu.memref_slice %arg2[%dma_wait3A_423, %dma_wait3A_424] : memref<10000x128xf32, #tpu.memory_space<hbm>> -> memref<10000x128xf32, #tpu.memory_space<hbm>>
      tpu.wait_indirect_dma semaphore(%arg18 : memref<!tpu.dma_semaphore, #tpu.memory_space<semaphore_mem>>) src(%dma_wait3A_425 : memref<10000x128xf32, #tpu.memory_space<hbm>>) dst(%arg15 : memref<112x128xf32, #tpu.memory_space<vmem>>)
      %dma_start3A_426 = arith.constant 0 : i32
      %dma_start3A_427 = arith.constant 0 : i32
      %dma_start3A_428 = tpu.memref_slice %arg16[%dma_start3A_426, %dma_start3A_427] : memref<10112x128xf32, #tpu.memory_space<vmem_shared>> -> memref<10112x128xf32, #tpu.memory_space<vmem_shared>>
      tpu.enqueue_indirect_dma source(%arg15 : memref<112x128xf32, #tpu.memory_space<vmem>>) target(%dma_start3A_428 : memref<10112x128xf32, #tpu.memory_space<vmem_shared>>) offsets(%arg11 : memref<112xi32, #tpu.memory_space<vmem>>) semaphore(%arg20 : memref<!tpu.dma_semaphore, #tpu.memory_space<semaphore_mem>>) {add = true}
      %dma_wait3A_429 = arith.constant 0 : i32
      %dma_wait3A_430 = arith.constant 0 : i32
      %dma_wait3A_431 = tpu.memref_slice %arg16[%dma_wait3A_429, %dma_wait3A_430] : memref<10112x128xf32, #tpu.memory_space<vmem_shared>> -> memref<10112x128xf32, #tpu.memory_space<vmem_shared>>
      tpu.wait_indirect_dma semaphore(%arg20 : memref<!tpu.dma_semaphore, #tpu.memory_space<semaphore_mem>>) src(%arg15 : memref<112x128xf32, #tpu.memory_space<vmem>>) dst(%dma_wait3A_431 : memref<10112x128xf32, #tpu.memory_space<vmem_shared>>)
      %add3A_432 = arith.constant 2 : i32
      %add3A_433 = arith.addi %add3A_422, %add3A_432 : i32
      %lt3A_434 = arith.constant 89 : i32
      %lt3A_435 = arith.cmpi slt, %add3A_433, %lt3A_434 : i32
      %convert_element_type3A_436 = arith.extui %lt3A_435 : i1 to i32
      %cond3A_437 = arith.constant 0 : i32
      %cond3A_438 = arith.cmpi ne, %convert_element_type3A_436, %cond3A_437 : i32
      scf.if %cond3A_438 {
        %add3A_439 = arith.constant 2 : i32
        %add3A_440 = arith.addi %add3A_422, %add3A_439 : i32
        %mul3A_441 = arith.constant 112 : i32
        %mul3A_442 = arith.muli %add3A_440, %mul3A_441 : i32
        %add3A_443 = arith.constant 0 : i32
        %add3A_444 = arith.addi %mul3A_442, %add3A_443 : i32
        %get3A_445 = arith.index_cast %add3A_444 : i32 to index
        %get3A_446 = tpu.vector_load %arg6[%get3A_445] {strides = array<i32>} : memref<10000xi32, #tpu.memory_space<vmem>>, vector<16xi32>,
        %swap3A_447 = arith.constant 0 : index
        %swap3A_448 = tpu.vector_load %arg9[%swap3A_447] {strides = array<i32>} : memref<112xi32, #tpu.memory_space<vmem>>, vector<16xi32>,
        %swap3A_449 = vector.shape_cast %swap3A_448 : vector<16xi32> to vector<16xi32>
        %swap3A_450 = vector.shape_cast %get3A_446 : vector<16xi32> to vector<16xi32>
        tpu.vector_store %arg9[%swap3A_447], %swap3A_450 {strides = array<i32>} : memref<112xi32, #tpu.memory_space<vmem>>, vector<16xi32>,
        %mul3A_451 = arith.constant 112 : i32
        %mul3A_452 = arith.muli %add3A_440, %mul3A_451 : i32
        %add3A_453 = arith.constant 0 : i32
        %add3A_454 = arith.addi %mul3A_452, %add3A_453 : i32
        %get3A_455 = arith.index_cast %add3A_454 : i32 to index
        %get3A_456 = tpu.vector_load %arg7[%get3A_455] {strides = array<i32>} : memref<10000xi32, #tpu.memory_space<vmem>>, vector<16xi32>,
        %swap3A_457 = arith.constant 0 : index
        %swap3A_458 = tpu.vector_load %arg11[%swap3A_457] {strides = array<i32>} : memref<112xi32, #tpu.memory_space<vmem>>, vector<16xi32>,
        %swap3A_459 = vector.shape_cast %swap3A_458 : vector<16xi32> to vector<16xi32>
        %swap3A_460 = vector.shape_cast %get3A_456 : vector<16xi32> to vector<16xi32>
        tpu.vector_store %arg11[%swap3A_457], %swap3A_460 {strides = array<i32>} : memref<112xi32, #tpu.memory_space<vmem>>, vector<16xi32>,
        %mul3A_461 = arith.constant 112 : i32
        %mul3A_462 = arith.muli %add3A_440, %mul3A_461 : i32
        %add3A_463 = arith.constant 16 : i32
        %add3A_464 = arith.addi %mul3A_462, %add3A_463 : i32
        %get3A_465 = arith.index_cast %add3A_464 : i32 to index
        %get3A_466 = tpu.vector_load %arg6[%get3A_465] {strides = array<i32>} : memref<10000xi32, #tpu.memory_space<vmem>>, vector<16xi32>,
        %swap3A_467 = arith.constant 16 : index
        %swap3A_468 = tpu.vector_load %arg9[%swap3A_467] {strides = array<i32>} : memref<112xi32, #tpu.memory_space<vmem>>, vector<16xi32>,
        %swap3A_469 = vector.shape_cast %swap3A_468 : vector<16xi32> to vector<16xi32>
        %swap3A_470 = vector.shape_cast %get3A_466 : vector<16xi32> to vector<16xi32>
        tpu.vector_store %arg9[%swap3A_467], %swap3A_470 {strides = array<i32>} : memref<112xi32, #tpu.memory_space<vmem>>, vector<16xi32>,
        %mul3A_471 = arith.constant 112 : i32
        %mul3A_472 = arith.muli %add3A_440, %mul3A_471 : i32
        %add3A_473 = arith.constant 16 : i32
        %add3A_474 = arith.addi %mul3A_472, %add3A_473 : i32
        %get3A_475 = arith.index_cast %add3A_474 : i32 to index
        %get3A_476 = tpu.vector_load %arg7[%get3A_475] {strides = array<i32>} : memref<10000xi32, #tpu.memory_space<vmem>>, vector<16xi32>,
        %swap3A_477 = arith.constant 16 : index
        %swap3A_478 = tpu.vector_load %arg11[%swap3A_477] {strides = array<i32>} : memref<112xi32, #tpu.memory_space<vmem>>, vector<16xi32>,
        %swap3A_479 = vector.shape_cast %swap3A_478 : vector<16xi32> to vector<16xi32>
        %swap3A_480 = vector.shape_cast %get3A_476 : vector<16xi32> to vector<16xi32>
        tpu.vector_store %arg11[%swap3A_477], %swap3A_480 {strides = array<i32>} : memref<112xi32, #tpu.memory_space<vmem>>, vector<16xi32>,
        %mul3A_481 = arith.constant 112 : i32
        %mul3A_482 = arith.muli %add3A_440, %mul3A_481 : i32
        %add3A_483 = arith.constant 32 : i32
        %add3A_484 = arith.addi %mul3A_482, %add3A_483 : i32
        %get3A_485 = arith.index_cast %add3A_484 : i32 to index
        %get3A_486 = tpu.vector_load %arg6[%get3A_485] {strides = array<i32>} : memref<10000xi32, #tpu.memory_space<vmem>>, vector<16xi32>,
        %swap3A_487 = arith.constant 32 : index
        %swap3A_488 = tpu.vector_load %arg9[%swap3A_487] {strides = array<i32>} : memref<112xi32, #tpu.memory_space<vmem>>, vector<16xi32>,
        %swap3A_489 = vector.shape_cast %swap3A_488 : vector<16xi32> to vector<16xi32>
        %swap3A_490 = vector.shape_cast %get3A_486 : vector<16xi32> to vector<16xi32>
        tpu.vector_store %arg9[%swap3A_487], %swap3A_490 {strides = array<i32>} : memref<112xi32, #tpu.memory_space<vmem>>, vector<16xi32>,
        %mul3A_491 = arith.constant 112 : i32
        %mul3A_492 = arith.muli %add3A_440, %mul3A_491 : i32
        %add3A_493 = arith.constant 32 : i32
        %add3A_494 = arith.addi %mul3A_492, %add3A_493 : i32
        %get3A_495 = arith.index_cast %add3A_494 : i32 to index
        %get3A_496 = tpu.vector_load %arg7[%get3A_495] {strides = array<i32>} : memref<10000xi32, #tpu.memory_space<vmem>>, vector<16xi32>,
        %swap3A_497 = arith.constant 32 : index
        %swap3A_498 = tpu.vector_load %arg11[%swap3A_497] {strides = array<i32>} : memref<112xi32, #tpu.memory_space<vmem>>, vector<16xi32>,
        %swap3A_499 = vector.shape_cast %swap3A_498 : vector<16xi32> to vector<16xi32>
        %swap3A_500 = vector.shape_cast %get3A_496 : vector<16xi32> to vector<16xi32>
        tpu.vector_store %arg11[%swap3A_497], %swap3A_500 {strides = array<i32>} : memref<112xi32, #tpu.memory_space<vmem>>, vector<16xi32>,
        %mul3A_501 = arith.constant 112 : i32
        %mul3A_502 = arith.muli %add3A_440, %mul3A_501 : i32
        %add3A_503 = arith.constant 48 : i32
        %add3A_504 = arith.addi %mul3A_502, %add3A_503 : i32
        %get3A_505 = arith.index_cast %add3A_504 : i32 to index
        %get3A_506 = tpu.vector_load %arg6[%get3A_505] {strides = array<i32>} : memref<10000xi32, #tpu.memory_space<vmem>>, vector<16xi32>,
        %swap3A_507 = arith.constant 48 : index
        %swap3A_508 = tpu.vector_load %arg9[%swap3A_507] {strides = array<i32>} : memref<112xi32, #tpu.memory_space<vmem>>, vector<16xi32>,
        %swap3A_509 = vector.shape_cast %swap3A_508 : vector<16xi32> to vector<16xi32>
        %swap3A_510 = vector.shape_cast %get3A_506 : vector<16xi32> to vector<16xi32>
        tpu.vector_store %arg9[%swap3A_507], %swap3A_510 {strides = array<i32>} : memref<112xi32, #tpu.memory_space<vmem>>, vector<16xi32>,
        %mul3A_511 = arith.constant 112 : i32
        %mul3A_512 = arith.muli %add3A_440, %mul3A_511 : i32
        %add3A_513 = arith.constant 48 : i32
        %add3A_514 = arith.addi %mul3A_512, %add3A_513 : i32
        %get3A_515 = arith.index_cast %add3A_514 : i32 to index
        %get3A_516 = tpu.vector_load %arg7[%get3A_515] {strides = array<i32>} : memref<10000xi32, #tpu.memory_space<vmem>>, vector<16xi32>,
        %swap3A_517 = arith.constant 48 : index
        %swap3A_518 = tpu.vector_load %arg11[%swap3A_517] {strides = array<i32>} : memref<112xi32, #tpu.memory_space<vmem>>, vector<16xi32>,
        %swap3A_519 = vector.shape_cast %swap3A_518 : vector<16xi32> to vector<16xi32>
        %swap3A_520 = vector.shape_cast %get3A_516 : vector<16xi32> to vector<16xi32>
        tpu.vector_store %arg11[%swap3A_517], %swap3A_520 {strides = array<i32>} : memref<112xi32, #tpu.memory_space<vmem>>, vector<16xi32>,
        %mul3A_521 = arith.constant 112 : i32
        %mul3A_522 = arith.muli %add3A_440, %mul3A_521 : i32
        %add3A_523 = arith.constant 64 : i32
        %add3A_524 = arith.addi %mul3A_522, %add3A_523 : i32
        %get3A_525 = arith.index_cast %add3A_524 : i32 to index
        %get3A_526 = tpu.vector_load %arg6[%get3A_525] {strides = array<i32>} : memref<10000xi32, #tpu.memory_space<vmem>>, vector<16xi32>,
        %swap3A_527 = arith.constant 64 : index
        %swap3A_528 = tpu.vector_load %arg9[%swap3A_527] {strides = array<i32>} : memref<112xi32, #tpu.memory_space<vmem>>, vector<16xi32>,
        %swap3A_529 = vector.shape_cast %swap3A_528 : vector<16xi32> to vector<16xi32>
        %swap3A_530 = vector.shape_cast %get3A_526 : vector<16xi32> to vector<16xi32>
        tpu.vector_store %arg9[%swap3A_527], %swap3A_530 {strides = array<i32>} : memref<112xi32, #tpu.memory_space<vmem>>, vector<16xi32>,
        %mul3A_531 = arith.constant 112 : i32
        %mul3A_532 = arith.muli %add3A_440, %mul3A_531 : i32
        %add3A_533 = arith.constant 64 : i32
        %add3A_534 = arith.addi %mul3A_532, %add3A_533 : i32
        %get3A_535 = arith.index_cast %add3A_534 : i32 to index
        %get3A_536 = tpu.vector_load %arg7[%get3A_535] {strides = array<i32>} : memref<10000xi32, #tpu.memory_space<vmem>>, vector<16xi32>,
        %swap3A_537 = arith.constant 64 : index
        %swap3A_538 = tpu.vector_load %arg11[%swap3A_537] {strides = array<i32>} : memref<112xi32, #tpu.memory_space<vmem>>, vector<16xi32>,
        %swap3A_539 = vector.shape_cast %swap3A_538 : vector<16xi32> to vector<16xi32>
        %swap3A_540 = vector.shape_cast %get3A_536 : vector<16xi32> to vector<16xi32>
        tpu.vector_store %arg11[%swap3A_537], %swap3A_540 {strides = array<i32>} : memref<112xi32, #tpu.memory_space<vmem>>, vector<16xi32>,
        %mul3A_541 = arith.constant 112 : i32
        %mul3A_542 = arith.muli %add3A_440, %mul3A_541 : i32
        %add3A_543 = arith.constant 80 : i32
        %add3A_544 = arith.addi %mul3A_542, %add3A_543 : i32
        %get3A_545 = arith.index_cast %add3A_544 : i32 to index
        %get3A_546 = tpu.vector_load %arg6[%get3A_545] {strides = array<i32>} : memref<10000xi32, #tpu.memory_space<vmem>>, vector<16xi32>,
        %swap3A_547 = arith.constant 80 : index
        %swap3A_548 = tpu.vector_load %arg9[%swap3A_547] {strides = array<i32>} : memref<112xi32, #tpu.memory_space<vmem>>, vector<16xi32>,
        %swap3A_549 = vector.shape_cast %swap3A_548 : vector<16xi32> to vector<16xi32>
        %swap3A_550 = vector.shape_cast %get3A_546 : vector<16xi32> to vector<16xi32>
        tpu.vector_store %arg9[%swap3A_547], %swap3A_550 {strides = array<i32>} : memref<112xi32, #tpu.memory_space<vmem>>, vector<16xi32>,
        %mul3A_551 = arith.constant 112 : i32
        %mul3A_552 = arith.muli %add3A_440, %mul3A_551 : i32
        %add3A_553 = arith.constant 80 : i32
        %add3A_554 = arith.addi %mul3A_552, %add3A_553 : i32
        %get3A_555 = arith.index_cast %add3A_554 : i32 to index
        %get3A_556 = tpu.vector_load %arg7[%get3A_555] {strides = array<i32>} : memref<10000xi32, #tpu.memory_space<vmem>>, vector<16xi32>,
        %swap3A_557 = arith.constant 80 : index
        %swap3A_558 = tpu.vector_load %arg11[%swap3A_557] {strides = array<i32>} : memref<112xi32, #tpu.memory_space<vmem>>, vector<16xi32>,
        %swap3A_559 = vector.shape_cast %swap3A_558 : vector<16xi32> to vector<16xi32>
        %swap3A_560 = vector.shape_cast %get3A_556 : vector<16xi32> to vector<16xi32>
        tpu.vector_store %arg11[%swap3A_557], %swap3A_560 {strides = array<i32>} : memref<112xi32, #tpu.memory_space<vmem>>, vector<16xi32>,
        %mul3A_561 = arith.constant 112 : i32
        %mul3A_562 = arith.muli %add3A_440, %mul3A_561 : i32
        %add3A_563 = arith.constant 96 : i32
        %add3A_564 = arith.addi %mul3A_562, %add3A_563 : i32
        %get3A_565 = arith.index_cast %add3A_564 : i32 to index
        %get3A_566 = tpu.vector_load %arg6[%get3A_565] {strides = array<i32>} : memref<10000xi32, #tpu.memory_space<vmem>>, vector<16xi32>,
        %swap3A_567 = arith.constant 96 : index
        %swap3A_568 = tpu.vector_load %arg9[%swap3A_567] {strides = array<i32>} : memref<112xi32, #tpu.memory_space<vmem>>, vector<16xi32>,
        %swap3A_569 = vector.shape_cast %swap3A_568 : vector<16xi32> to vector<16xi32>
        %swap3A_570 = vector.shape_cast %get3A_566 : vector<16xi32> to vector<16xi32>
        tpu.vector_store %arg9[%swap3A_567], %swap3A_570 {strides = array<i32>} : memref<112xi32, #tpu.memory_space<vmem>>, vector<16xi32>,
        %mul3A_571 = arith.constant 112 : i32
        %mul3A_572 = arith.muli %add3A_440, %mul3A_571 : i32
        %add3A_573 = arith.constant 96 : i32
        %add3A_574 = arith.addi %mul3A_572, %add3A_573 : i32
        %get3A_575 = arith.index_cast %add3A_574 : i32 to index
        %get3A_576 = tpu.vector_load %arg7[%get3A_575] {strides = array<i32>} : memref<10000xi32, #tpu.memory_space<vmem>>, vector<16xi32>,
        %swap3A_577 = arith.constant 96 : index
        %swap3A_578 = tpu.vector_load %arg11[%swap3A_577] {strides = array<i32>} : memref<112xi32, #tpu.memory_space<vmem>>, vector<16xi32>,
        %swap3A_579 = vector.shape_cast %swap3A_578 : vector<16xi32> to vector<16xi32>
        %swap3A_580 = vector.shape_cast %get3A_576 : vector<16xi32> to vector<16xi32>
        tpu.vector_store %arg11[%swap3A_577], %swap3A_580 {strides = array<i32>} : memref<112xi32, #tpu.memory_space<vmem>>, vector<16xi32>,
        %dma_start3A_581 = arith.constant 0 : i32
        %dma_start3A_582 = arith.constant 0 : i32
        %dma_start3A_583 = tpu.memref_slice %arg2[%dma_start3A_581, %dma_start3A_582] : memref<10000x128xf32, #tpu.memory_space<hbm>> -> memref<10000x128xf32, #tpu.memory_space<hbm>>
        tpu.enqueue_indirect_dma source(%dma_start3A_583 : memref<10000x128xf32, #tpu.memory_space<hbm>>) target(%arg15 : memref<112x128xf32, #tpu.memory_space<vmem>>) offsets(%arg9 : memref<112xi32, #tpu.memory_space<vmem>>) semaphore(%arg18 : memref<!tpu.dma_semaphore, #tpu.memory_space<semaphore_mem>>)
      } else {
      }
    }
    %scan3A_334 = arith.constant 44 : i32
    %dma_wait3A_335 = arith.constant 0 : i32
    %dma_wait3A_336 = arith.constant 0 : i32
    %dma_wait3A_337 = tpu.memref_slice %arg2[%dma_wait3A_335, %dma_wait3A_336] : memref<10000x128xf32, #tpu.memory_space<hbm>> -> memref<10000x128xf32, #tpu.memory_space<hbm>>
    tpu.wait_indirect_dma semaphore(%arg17 : memref<!tpu.dma_semaphore, #tpu.memory_space<semaphore_mem>>) src(%dma_wait3A_337 : memref<10000x128xf32, #tpu.memory_space<hbm>>) dst(%arg14 : memref<112x128xf32, #tpu.memory_space<vmem>>)
    %dma_start3A_338 = arith.constant 0 : i32
    %dma_start3A_339 = arith.constant 0 : i32
    %dma_start3A_340 = tpu.memref_slice %arg16[%dma_start3A_338, %dma_start3A_339] : memref<10112x128xf32, #tpu.memory_space<vmem_shared>> -> memref<10112x128xf32, #tpu.memory_space<vmem_shared>>
    tpu.enqueue_indirect_dma source(%arg14 : memref<112x128xf32, #tpu.memory_space<vmem>>) target(%dma_start3A_340 : memref<10112x128xf32, #tpu.memory_space<vmem_shared>>) offsets(%arg10 : memref<112xi32, #tpu.memory_space<vmem>>) semaphore(%arg19 : memref<!tpu.dma_semaphore, #tpu.memory_space<semaphore_mem>>) {add = true}
    %dma_wait3A_341 = arith.constant 0 : i32
    %dma_wait3A_342 = arith.constant 0 : i32
    %dma_wait3A_343 = tpu.memref_slice %arg16[%dma_wait3A_341, %dma_wait3A_342] : memref<10112x128xf32, #tpu.memory_space<vmem_shared>> -> memref<10112x128xf32, #tpu.memory_space<vmem_shared>>
    tpu.wait_indirect_dma semaphore(%arg19 : memref<!tpu.dma_semaphore, #tpu.memory_space<semaphore_mem>>) src(%arg14 : memref<112x128xf32, #tpu.memory_space<vmem>>) dst(%dma_wait3A_343 : memref<10112x128xf32, #tpu.memory_space<vmem_shared>>)
    %get3A_344 = arith.constant 9968 : index
    %get3A_345 = tpu.vector_load %arg6[%get3A_344] {strides = array<i32>} : memref<10000xi32, #tpu.memory_space<vmem>>, vector<16xi32>,
    %get3A_346 = vector.shape_cast %get3A_345 : vector<16xi32> to vector<16xi32>
    %swap3A_347 = arith.constant 0 : index
    %swap3A_348 = tpu.vector_load %arg12[%swap3A_347] {strides = array<i32>} : memref<32xi32, #tpu.memory_space<vmem>>, vector<16xi32>,
    %swap3A_349 = vector.shape_cast %swap3A_348 : vector<16xi32> to vector<16xi32>
    %swap3A_350 = vector.shape_cast %get3A_346 : vector<16xi32> to vector<16xi32>
    tpu.vector_store %arg12[%swap3A_347], %swap3A_350 {strides = array<i32>} : memref<32xi32, #tpu.memory_space<vmem>>, vector<16xi32>,
    %get3A_351 = arith.constant 9968 : index
    %get3A_352 = tpu.vector_load %arg7[%get3A_351] {strides = array<i32>} : memref<10000xi32, #tpu.memory_space<vmem>>, vector<16xi32>,
    %get3A_353 = vector.shape_cast %get3A_352 : vector<16xi32> to vector<16xi32>
    %swap3A_354 = arith.constant 0 : index
    %swap3A_355 = tpu.vector_load %arg13[%swap3A_354] {strides = array<i32>} : memref<32xi32, #tpu.memory_space<vmem>>, vector<16xi32>,
    %swap3A_356 = vector.shape_cast %swap3A_355 : vector<16xi32> to vector<16xi32>
    %swap3A_357 = vector.shape_cast %get3A_353 : vector<16xi32> to vector<16xi32>
    tpu.vector_store %arg13[%swap3A_354], %swap3A_357 {strides = array<i32>} : memref<32xi32, #tpu.memory_space<vmem>>, vector<16xi32>,
    %get3A_358 = arith.constant 9984 : index
    %get3A_359 = tpu.vector_load %arg6[%get3A_358] {strides = array<i32>} : memref<10000xi32, #tpu.memory_space<vmem>>, vector<16xi32>,
    %get3A_360 = vector.shape_cast %get3A_359 : vector<16xi32> to vector<16xi32>
    %swap3A_361 = arith.constant 16 : index
    %swap3A_362 = tpu.vector_load %arg12[%swap3A_361] {strides = array<i32>} : memref<32xi32, #tpu.memory_space<vmem>>, vector<16xi32>,
    %swap3A_363 = vector.shape_cast %swap3A_362 : vector<16xi32> to vector<16xi32>
    %swap3A_364 = vector.shape_cast %get3A_360 : vector<16xi32> to vector<16xi32>
    tpu.vector_store %arg12[%swap3A_361], %swap3A_364 {strides = array<i32>} : memref<32xi32, #tpu.memory_space<vmem>>, vector<16xi32>,
    %get3A_365 = arith.constant 9984 : index
    %get3A_366 = tpu.vector_load %arg7[%get3A_365] {strides = array<i32>} : memref<10000xi32, #tpu.memory_space<vmem>>, vector<16xi32>,
    %get3A_367 = vector.shape_cast %get3A_366 : vector<16xi32> to vector<16xi32>
    %swap3A_368 = arith.constant 16 : index
    %swap3A_369 = tpu.vector_load %arg13[%swap3A_368] {strides = array<i32>} : memref<32xi32, #tpu.memory_space<vmem>>, vector<16xi32>,
    %swap3A_370 = vector.shape_cast %swap3A_369 : vector<16xi32> to vector<16xi32>
    %swap3A_371 = vector.shape_cast %get3A_367 : vector<16xi32> to vector<16xi32>
    tpu.vector_store %arg13[%swap3A_368], %swap3A_371 {strides = array<i32>} : memref<32xi32, #tpu.memory_space<vmem>>, vector<16xi32>,
    %dma_start3A_372 = arith.constant 0 : i32
    %dma_start3A_373 = arith.constant 0 : i32
    %dma_start3A_374 = tpu.memref_slice %arg14[%dma_start3A_372, %dma_start3A_373] : memref<112x128xf32, #tpu.memory_space<vmem>> -> memref<32x128xf32, #tpu.memory_space<vmem>>
    %dma_start3A_375 = arith.constant 0 : i32
    %dma_start3A_376 = arith.constant 0 : i32
    %dma_start3A_377 = tpu.memref_slice %arg2[%dma_start3A_375, %dma_start3A_376] : memref<10000x128xf32, #tpu.memory_space<hbm>> -> memref<10000x128xf32, #tpu.memory_space<hbm>>
    tpu.enqueue_indirect_dma source(%dma_start3A_377 : memref<10000x128xf32, #tpu.memory_space<hbm>>) target(%dma_start3A_374 : memref<32x128xf32, #tpu.memory_space<vmem>>) offsets(%arg12 : memref<32xi32, #tpu.memory_space<vmem>>) semaphore(%arg17 : memref<!tpu.dma_semaphore, #tpu.memory_space<semaphore_mem>>)
    %dma_wait3A_378 = arith.constant 0 : i32
    %dma_wait3A_379 = arith.constant 0 : i32
    %dma_wait3A_380 = tpu.memref_slice %arg14[%dma_wait3A_378, %dma_wait3A_379] : memref<112x128xf32, #tpu.memory_space<vmem>> -> memref<32x128xf32, #tpu.memory_space<vmem>>
    %dma_wait3A_381 = arith.constant 0 : i32
    %dma_wait3A_382 = arith.constant 0 : i32
    %dma_wait3A_383 = tpu.memref_slice %arg2[%dma_wait3A_381, %dma_wait3A_382] : memref<10000x128xf32, #tpu.memory_space<hbm>> -> memref<10000x128xf32, #tpu.memory_space<hbm>>
    tpu.wait_indirect_dma semaphore(%arg17 : memref<!tpu.dma_semaphore, #tpu.memory_space<semaphore_mem>>) src(%dma_wait3A_383 : memref<10000x128xf32, #tpu.memory_space<hbm>>) dst(%dma_wait3A_380 : memref<32x128xf32, #tpu.memory_space<vmem>>)
    %dma_start3A_384 = arith.constant 0 : i32
    %dma_start3A_385 = arith.constant 0 : i32
    %dma_start3A_386 = tpu.memref_slice %arg14[%dma_start3A_384, %dma_start3A_385] : memref<112x128xf32, #tpu.memory_space<vmem>> -> memref<32x128xf32, #tpu.memory_space<vmem>>
    %dma_start3A_387 = arith.constant 0 : i32
    %dma_start3A_388 = arith.constant 0 : i32
    %dma_start3A_389 = tpu.memref_slice %arg16[%dma_start3A_387, %dma_start3A_388] : memref<10112x128xf32, #tpu.memory_space<vmem_shared>> -> memref<10112x128xf32, #tpu.memory_space<vmem_shared>>
    tpu.enqueue_indirect_dma source(%dma_start3A_386 : memref<32x128xf32, #tpu.memory_space<vmem>>) target(%dma_start3A_389 : memref<10112x128xf32, #tpu.memory_space<vmem_shared>>) offsets(%arg13 : memref<32xi32, #tpu.memory_space<vmem>>) semaphore(%arg19 : memref<!tpu.dma_semaphore, #tpu.memory_space<semaphore_mem>>) {add = true}
    %dma_wait3A_390 = arith.constant 0 : i32
    %dma_wait3A_391 = arith.constant 0 : i32
    %dma_wait3A_392 = tpu.memref_slice %arg14[%dma_wait3A_390, %dma_wait3A_391] : memref<112x128xf32, #tpu.memory_space<vmem>> -> memref<32x128xf32, #tpu.memory_space<vmem>>
    %dma_wait3A_393 = arith.constant 0 : i32
    %dma_wait3A_394 = arith.constant 0 : i32
    %dma_wait3A_395 = tpu.memref_slice %arg16[%dma_wait3A_393, %dma_wait3A_394] : memref<10112x128xf32, #tpu.memory_space<vmem_shared>> -> memref<10112x128xf32, #tpu.memory_space<vmem_shared>>
    tpu.wait_indirect_dma semaphore(%arg19 : memref<!tpu.dma_semaphore, #tpu.memory_space<semaphore_mem>>) src(%dma_wait3A_392 : memref<32x128xf32, #tpu.memory_space<vmem>>) dst(%dma_wait3A_395 : memref<10112x128xf32, #tpu.memory_space<vmem_shared>>)
    %barrier3A_396 = arith.constant 0 : index
    tpu.barrier barrier_id(%barrier3A_396)
    %mul3A_397 = arith.constant 632 : i32
    %mul3A_398 = arith.muli %arg1, %mul3A_397 : i32
    %mul3A_399 = arith.constant 632 : i32
    %mul3A_400 = arith.muli %arg1, %mul3A_399 : i32
    "tpu.region"() ({
      %run_scoped3A = tpu.sem_alloc : memref<!tpu.dma_semaphore, #tpu.memory_space<semaphore_mem>>
      %dma_start3A_401 = arith.constant 0 : i32
      %dma_start3A_402 = tpu.memref_slice %arg5[%arg0, %mul3A_400, %dma_start3A_401] : memref<2x10112x128xf32, #tpu.memory_space<hbm>> -> memref<1x632x128xf32, #tpu.memory_space<hbm>>
      %dma_start3A_403 = tpu.memref_squeeze %dma_start3A_402 : memref<1x632x128xf32, #tpu.memory_space<hbm>> -> memref<632x128xf32, #tpu.memory_space<hbm>>
      %dma_start3A_404 = arith.constant 0 : i32
      %dma_start3A_405 = tpu.memref_slice %arg16[%mul3A_398, %dma_start3A_404] : memref<10112x128xf32, #tpu.memory_space<vmem_shared>> -> memref<632x128xf32, #tpu.memory_space<vmem_shared>>
      tpu.enqueue_dma source(%dma_start3A_405 : memref<632x128xf32, #tpu.memory_space<vmem_shared>>) target(%dma_start3A_403 : memref<632x128xf32, #tpu.memory_space<hbm>>) target_semaphore(%run_scoped3A : memref<!tpu.dma_semaphore, #tpu.memory_space<semaphore_mem>>)
      %dma_wait3A_406 = arith.constant 0 : i32
      %dma_wait3A_407 = tpu.memref_slice %arg5[%arg0, %mul3A_400, %dma_wait3A_406] : memref<2x10112x128xf32, #tpu.memory_space<hbm>> -> memref<1x632x128xf32, #tpu.memory_space<hbm>>
      %dma_wait3A_408 = tpu.memref_squeeze %dma_wait3A_407 : memref<1x632x128xf32, #tpu.memory_space<hbm>> -> memref<632x128xf32, #tpu.memory_space<hbm>>
      %dma_wait3A_409 = arith.constant 0 : i32
      %dma_wait3A_410 = tpu.memref_slice %arg16[%mul3A_398, %dma_wait3A_409] : memref<10112x128xf32, #tpu.memory_space<vmem_shared>> -> memref<632x128xf32, #tpu.memory_space<vmem_shared>>
      tpu.wait_dma2 semaphore(%run_scoped3A : memref<!tpu.dma_semaphore, #tpu.memory_space<semaphore_mem>>) src(%dma_wait3A_410 : memref<632x128xf32, #tpu.memory_space<vmem_shared>>) dst(%dma_wait3A_408 : memref<632x128xf32, #tpu.memory_space<hbm>>)
      tpu.yield
    }) : () -> ()
    return
  }
}

#map = affine_map<(d0, d1) -> (0)>
module attributes {stable_mosaic.version = 14 : i64} {
  func.func @_sc_degree_body(%arg0: i32, %arg1: i32, %arg2: memref<320000xi32, #tpu.memory_space<hbm>>, %arg3: memref<323584xf32, #tpu.memory_space<hbm>>, %arg4: memref<10000xi32, #tpu.memory_space<vmem>>, %arg5: memref<10112xf32, #tpu.memory_space<vmem>>) attributes {dimension_semantics = [#tpu.dimension_semantics<core_parallel>, #tpu.dimension_semantics<subcore_parallel>], iteration_bounds = array<i64: 2, 16>, scalar_prefetch = 0 : i64, scratch_operands = 2 : i64, tpu.core_type = #tpu.core_type<sc_vector_subcore>, window_params = [{transform_indices = #map}, {transform_indices = #map}]} {
    %mul3A = arith.constant 2 : i32
    %mul3A_0 = arith.muli %arg1, %mul3A : i32
    %add3A = arith.addi %mul3A_0, %arg0 : i32
    %broadcast_in_dim3A = arith.constant 0.000000e+00 : f32
    %broadcast_in_dim3A_1 = vector.broadcast %broadcast_in_dim3A : f32 to vector<16xf32>
    %broadcast_in_dim3A_2 = arith.constant 1.000000e+00 : f32
    %broadcast_in_dim3A_3 = vector.broadcast %broadcast_in_dim3A_2 : f32 to vector<16xf32>
    %mul3A_4 = arith.constant 10000 : i32
    %mul3A_5 = arith.muli %add3A, %mul3A_4 : i32
    "tpu.region"() ({
      %run_scoped3A = tpu.sem_alloc : memref<!tpu.dma_semaphore, #tpu.memory_space<semaphore_mem>>
      %dma_start3A = tpu.memref_slice %arg2[%mul3A_5] : memref<320000xi32, #tpu.memory_space<hbm>> -> memref<10000xi32, #tpu.memory_space<hbm>>
      %dma_start3A_19 = tpu.memref_slice %arg2[%mul3A_5] : memref<320000xi32, #tpu.memory_space<hbm>> -> memref<10000xi32, #tpu.memory_space<hbm>>
      tpu.enqueue_dma source(%dma_start3A_19 : memref<10000xi32, #tpu.memory_space<hbm>>) target(%arg4 : memref<10000xi32, #tpu.memory_space<vmem>>) target_semaphore(%run_scoped3A : memref<!tpu.dma_semaphore, #tpu.memory_space<semaphore_mem>>)
      %dma_wait3A = tpu.memref_slice %arg2[%mul3A_5] : memref<320000xi32, #tpu.memory_space<hbm>> -> memref<10000xi32, #tpu.memory_space<hbm>>
      %dma_wait3A_20 = tpu.memref_slice %arg2[%mul3A_5] : memref<320000xi32, #tpu.memory_space<hbm>> -> memref<10000xi32, #tpu.memory_space<hbm>>
      tpu.wait_dma2 semaphore(%run_scoped3A : memref<!tpu.dma_semaphore, #tpu.memory_space<semaphore_mem>>) src(%dma_wait3A_20 : memref<10000xi32, #tpu.memory_space<hbm>>) dst(%arg4 : memref<10000xi32, #tpu.memory_space<vmem>>)
      tpu.yield
    }) : () -> ()
    %scan3A = arith.constant 0 : i32
    %scan3A_6 = arith.constant 0 : i32
    %scan3A_7 = arith.constant 632 : i32
    %scan3A_8 = arith.addi %scan3A_6, %scan3A_7 : i32
    %scan3A_9 = arith.constant 1 : i32
    scf.for %scan3A_19 = %scan3A_6 to %scan3A_8 step %scan3A_9  : i32 {
      %mul3A_20 = arith.constant 16 : i32
      %mul3A_21 = arith.muli %scan3A_19, %mul3A_20 : i32
      %swap3A = arith.index_cast %mul3A_21 : i32 to index
      %swap3A_22 = tpu.vector_load %arg5[%swap3A] {strides = array<i32>} : memref<10112xf32, #tpu.memory_space<vmem>>, vector<16xf32>,
      tpu.vector_store %arg5[%swap3A], %broadcast_in_dim3A_1 {strides = array<i32>} : memref<10112xf32, #tpu.memory_space<vmem>>, vector<16xf32>,
    }
    %scan3A_10 = arith.constant 632 : i32
    %scan3A_11 = arith.constant 0 : i32
    %scan3A_12 = arith.constant 0 : i32
    %scan3A_13 = arith.constant 625 : i32
    %scan3A_14 = arith.addi %scan3A_12, %scan3A_13 : i32
    %scan3A_15 = arith.constant 1 : i32
    scf.for %scan3A_19 = %scan3A_12 to %scan3A_14 step %scan3A_15  : i32 {
      %mul3A_20 = arith.constant 16 : i32
      %mul3A_21 = arith.muli %scan3A_19, %mul3A_20 : i32
      %get3A = arith.index_cast %mul3A_21 : i32 to index
      %get3A_22 = tpu.vector_load %arg4[%get3A] {strides = array<i32>} : memref<10000xi32, #tpu.memory_space<vmem>>, vector<16xi32>,
      tpu.vector_store_idx %arg5[%get3A_22], %broadcast_in_dim3A_3 {add = true} : memref<10112xf32, #tpu.memory_space<vmem>>[vector<16xi32>], vector<16xf32>,
    }
    %scan3A_16 = arith.constant 625 : i32
    %mul3A_17 = arith.constant 10112 : i32
    %mul3A_18 = arith.muli %add3A, %mul3A_17 : i32
    "tpu.region"() ({
      %run_scoped3A = tpu.sem_alloc : memref<!tpu.dma_semaphore, #tpu.memory_space<semaphore_mem>>
      %dma_start3A = tpu.memref_slice %arg3[%mul3A_18] : memref<323584xf32, #tpu.memory_space<hbm>> -> memref<10112xf32, #tpu.memory_space<hbm>>
      %dma_start3A_19 = tpu.memref_slice %arg3[%mul3A_18] : memref<323584xf32, #tpu.memory_space<hbm>> -> memref<10112xf32, #tpu.memory_space<hbm>>
      tpu.enqueue_dma source(%arg5 : memref<10112xf32, #tpu.memory_space<vmem>>) target(%dma_start3A_19 : memref<10112xf32, #tpu.memory_space<hbm>>) target_semaphore(%run_scoped3A : memref<!tpu.dma_semaphore, #tpu.memory_space<semaphore_mem>>)
      %dma_wait3A = tpu.memref_slice %arg3[%mul3A_18] : memref<323584xf32, #tpu.memory_space<hbm>> -> memref<10112xf32, #tpu.memory_space<hbm>>
      %dma_wait3A_20 = tpu.memref_slice %arg3[%mul3A_18] : memref<323584xf32, #tpu.memory_space<hbm>> -> memref<10112xf32, #tpu.memory_space<hbm>>
      tpu.wait_dma2 semaphore(%run_scoped3A : memref<!tpu.dma_semaphore, #tpu.memory_space<semaphore_mem>>) src(%arg5 : memref<10112xf32, #tpu.memory_space<vmem>>) dst(%dma_wait3A_20 : memref<10112xf32, #tpu.memory_space<hbm>>)
      tpu.yield
    }) : () -> ()
    return
  }
}

#map = affine_map<(d0, d1) -> (0, 0)>
#map1 = affine_map<(d0, d1) -> (0)>
#map2 = affine_map<(d0, d1) -> (0, 0, 0)>
module attributes {stable_mosaic.version = 14 : i64} {
  func.func @_sc_aggregate_body(%arg0: i32, %arg1: i32, %arg2: memref<10000x128xf32, #tpu.memory_space<hbm>>, %arg3: memref<320000xi32, #tpu.memory_space<hbm>>, %arg4: memref<320000xi32, #tpu.memory_space<hbm>>, %arg5: memref<2x10112x128xf32, #tpu.memory_space<hbm>>, %arg6: memref<10000xi32, #tpu.memory_space<vmem>>, %arg7: memref<10000xi32, #tpu.memory_space<vmem>>, %arg8: memref<112xi32, #tpu.memory_space<vmem>>, %arg9: memref<112xi32, #tpu.memory_space<vmem>>, %arg10: memref<112xi32, #tpu.memory_space<vmem>>, %arg11: memref<112xi32, #tpu.memory_space<vmem>>, %arg12: memref<32xi32, #tpu.memory_space<vmem>>, %arg13: memref<32xi32, #tpu.memory_space<vmem>>, %arg14: memref<112x128xf32, #tpu.memory_space<vmem>>, %arg15: memref<112x128xf32, #tpu.memory_space<vmem>>, %arg16: memref<10112x128xf32, #tpu.memory_space<vmem_shared>>, %arg17: memref<!tpu.dma_semaphore, #tpu.memory_space<semaphore_mem>>, %arg18: memref<!tpu.dma_semaphore, #tpu.memory_space<semaphore_mem>>, %arg19: memref<!tpu.dma_semaphore, #tpu.memory_space<semaphore_mem>>, %arg20: memref<!tpu.dma_semaphore, #tpu.memory_space<semaphore_mem>>) attributes {dimension_semantics = [#tpu.dimension_semantics<core_parallel>, #tpu.dimension_semantics<subcore_parallel>], iteration_bounds = array<i64: 2, 16>, scalar_prefetch = 0 : i64, scratch_operands = 15 : i64, tpu.core_type = #tpu.core_type<sc_vector_subcore>, window_params = [{transform_indices = #map}, {transform_indices = #map1}, {transform_indices = #map1}, {transform_indices = #map2}]} {
    %mul3A = arith.constant 2 : i32
    %mul3A_0 = arith.muli %arg1, %mul3A : i32
    %add3A = arith.addi %mul3A_0, %arg0 : i32
    %mul3A_1 = arith.constant 10000 : i32
    %mul3A_2 = arith.muli %add3A, %mul3A_1 : i32
    %dma_start3A = tpu.memref_slice %arg3[%mul3A_2] : memref<320000xi32, #tpu.memory_space<hbm>> -> memref<10000xi32, #tpu.memory_space<hbm>>
    %dma_start3A_3 = tpu.memref_slice %arg3[%mul3A_2] : memref<320000xi32, #tpu.memory_space<hbm>> -> memref<10000xi32, #tpu.memory_space<hbm>>
    tpu.enqueue_dma source(%dma_start3A_3 : memref<10000xi32, #tpu.memory_space<hbm>>) target(%arg6 : memref<10000xi32, #tpu.memory_space<vmem>>) target_semaphore(%arg17 : memref<!tpu.dma_semaphore, #tpu.memory_space<semaphore_mem>>)
    %mul3A_4 = arith.constant 10000 : i32
    %mul3A_5 = arith.muli %add3A, %mul3A_4 : i32
    %dma_start3A_6 = tpu.memref_slice %arg4[%mul3A_5] : memref<320000xi32, #tpu.memory_space<hbm>> -> memref<10000xi32, #tpu.memory_space<hbm>>
    %dma_start3A_7 = tpu.memref_slice %arg4[%mul3A_5] : memref<320000xi32, #tpu.memory_space<hbm>> -> memref<10000xi32, #tpu.memory_space<hbm>>
    tpu.enqueue_dma source(%dma_start3A_7 : memref<10000xi32, #tpu.memory_space<hbm>>) target(%arg7 : memref<10000xi32, #tpu.memory_space<vmem>>) target_semaphore(%arg18 : memref<!tpu.dma_semaphore, #tpu.memory_space<semaphore_mem>>)
    %broadcast_in_dim3A = arith.constant 0.000000e+00 : f32
    %broadcast_in_dim3A_8 = vector.broadcast %broadcast_in_dim3A : f32 to vector<16xf32>
    %scan3A = arith.constant 0 : i32
    %scan3A_9 = arith.constant 0 : i32
    %scan3A_10 = arith.constant 112 : i32
    %scan3A_11 = arith.addi %scan3A_9, %scan3A_10 : i32
    %scan3A_12 = arith.constant 1 : i32
    scf.for %scan3A_401 = %scan3A_9 to %scan3A_11 step %scan3A_12  : i32 {
      %scan3A_402 = arith.constant 0 : i32
      %scan3A_403 = arith.constant 8 : i32
      %scan3A_404 = arith.addi %scan3A_402, %scan3A_403 : i32
      %scan3A_405 = arith.constant 1 : i32
      scf.for %scan3A_407 = %scan3A_402 to %scan3A_404 step %scan3A_405  : i32 {
        %mul3A_408 = arith.constant 16 : i32
        %mul3A_409 = arith.muli %scan3A_407, %mul3A_408 : i32
        %swap3A_410 = arith.index_cast %scan3A_401 : i32 to index
        %swap3A_411 = arith.index_cast %mul3A_409 : i32 to index
        %swap3A_412 = tpu.vector_load %arg15[%swap3A_410, %swap3A_411] {strides = array<i32>} : memref<112x128xf32, #tpu.memory_space<vmem>>, vector<1x16xf32>,
        %swap3A_413 = vector.shape_cast %swap3A_412 : vector<1x16xf32> to vector<16xf32>
        %swap3A_414 = vector.shape_cast %broadcast_in_dim3A_8 : vector<16xf32> to vector<1x16xf32>
        tpu.vector_store %arg15[%swap3A_410, %swap3A_411], %swap3A_414 {strides = array<i32>} : memref<112x128xf32, #tpu.memory_space<vmem>>, vector<1x16xf32>,
      }
      %scan3A_406 = arith.constant 8 : i32
    }
    %scan3A_13 = arith.constant 112 : i32
    %mul3A_14 = arith.constant 632 : i32
    %mul3A_15 = arith.muli %arg1, %mul3A_14 : i32
    %add3A_16 = arith.constant 0 : i32
    %add3A_17 = arith.addi %mul3A_15, %add3A_16 : i32
    %dma_start3A_18 = arith.constant 0 : i32
    %dma_start3A_19 = tpu.memref_slice %arg16[%add3A_17, %dma_start3A_18] : memref<10112x128xf32, #tpu.memory_space<vmem_shared>> -> memref<112x128xf32, #tpu.memory_space<vmem_shared>>
    %dma_start3A_20 = arith.constant 0 : i32
    %dma_start3A_21 = tpu.memref_slice %arg16[%add3A_17, %dma_start3A_20] : memref<10112x128xf32, #tpu.memory_space<vmem_shared>> -> memref<112x128xf32, #tpu.memory_space<vmem_shared>>
    tpu.enqueue_dma source(%arg15 : memref<112x128xf32, #tpu.memory_space<vmem>>) target(%dma_start3A_21 : memref<112x128xf32, #tpu.memory_space<vmem_shared>>) target_semaphore(%arg20 : memref<!tpu.dma_semaphore, #tpu.memory_space<semaphore_mem>>)
    %mul3A_22 = arith.constant 632 : i32
    %mul3A_23 = arith.muli %arg1, %mul3A_22 : i32
    %add3A_24 = arith.constant 112 : i32
    %add3A_25 = arith.addi %mul3A_23, %add3A_24 : i32
    %dma_start3A_26 = arith.constant 0 : i32
    %dma_start3A_27 = tpu.memref_slice %arg16[%add3A_25, %dma_start3A_26] : memref<10112x128xf32, #tpu.memory_space<vmem_shared>> -> memref<112x128xf32, #tpu.memory_space<vmem_shared>>
    %dma_start3A_28 = arith.constant 0 : i32
    %dma_start3A_29 = tpu.memref_slice %arg16[%add3A_25, %dma_start3A_28] : memref<10112x128xf32, #tpu.memory_space<vmem_shared>> -> memref<112x128xf32, #tpu.memory_space<vmem_shared>>
    tpu.enqueue_dma source(%arg15 : memref<112x128xf32, #tpu.memory_space<vmem>>) target(%dma_start3A_29 : memref<112x128xf32, #tpu.memory_space<vmem_shared>>) target_semaphore(%arg20 : memref<!tpu.dma_semaphore, #tpu.memory_space<semaphore_mem>>)
    %mul3A_30 = arith.constant 632 : i32
    %mul3A_31 = arith.muli %arg1, %mul3A_30 : i32
    %add3A_32 = arith.constant 224 : i32
    %add3A_33 = arith.addi %mul3A_31, %add3A_32 : i32
    %dma_start3A_34 = arith.constant 0 : i32
    %dma_start3A_35 = tpu.memref_slice %arg16[%add3A_33, %dma_start3A_34] : memref<10112x128xf32, #tpu.memory_space<vmem_shared>> -> memref<112x128xf32, #tpu.memory_space<vmem_shared>>
    %dma_start3A_36 = arith.constant 0 : i32
    %dma_start3A_37 = tpu.memref_slice %arg16[%add3A_33, %dma_start3A_36] : memref<10112x128xf32, #tpu.memory_space<vmem_shared>> -> memref<112x128xf32, #tpu.memory_space<vmem_shared>>
    tpu.enqueue_dma source(%arg15 : memref<112x128xf32, #tpu.memory_space<vmem>>) target(%dma_start3A_37 : memref<112x128xf32, #tpu.memory_space<vmem_shared>>) target_semaphore(%arg20 : memref<!tpu.dma_semaphore, #tpu.memory_space<semaphore_mem>>)
    %mul3A_38 = arith.constant 632 : i32
    %mul3A_39 = arith.muli %arg1, %mul3A_38 : i32
    %add3A_40 = arith.constant 336 : i32
    %add3A_41 = arith.addi %mul3A_39, %add3A_40 : i32
    %dma_start3A_42 = arith.constant 0 : i32
    %dma_start3A_43 = tpu.memref_slice %arg16[%add3A_41, %dma_start3A_42] : memref<10112x128xf32, #tpu.memory_space<vmem_shared>> -> memref<112x128xf32, #tpu.memory_space<vmem_shared>>
    %dma_start3A_44 = arith.constant 0 : i32
    %dma_start3A_45 = tpu.memref_slice %arg16[%add3A_41, %dma_start3A_44] : memref<10112x128xf32, #tpu.memory_space<vmem_shared>> -> memref<112x128xf32, #tpu.memory_space<vmem_shared>>
    tpu.enqueue_dma source(%arg15 : memref<112x128xf32, #tpu.memory_space<vmem>>) target(%dma_start3A_45 : memref<112x128xf32, #tpu.memory_space<vmem_shared>>) target_semaphore(%arg20 : memref<!tpu.dma_semaphore, #tpu.memory_space<semaphore_mem>>)
    %mul3A_46 = arith.constant 632 : i32
    %mul3A_47 = arith.muli %arg1, %mul3A_46 : i32
    %add3A_48 = arith.constant 448 : i32
    %add3A_49 = arith.addi %mul3A_47, %add3A_48 : i32
    %dma_start3A_50 = arith.constant 0 : i32
    %dma_start3A_51 = tpu.memref_slice %arg16[%add3A_49, %dma_start3A_50] : memref<10112x128xf32, #tpu.memory_space<vmem_shared>> -> memref<112x128xf32, #tpu.memory_space<vmem_shared>>
    %dma_start3A_52 = arith.constant 0 : i32
    %dma_start3A_53 = tpu.memref_slice %arg16[%add3A_49, %dma_start3A_52] : memref<10112x128xf32, #tpu.memory_space<vmem_shared>> -> memref<112x128xf32, #tpu.memory_space<vmem_shared>>
    tpu.enqueue_dma source(%arg15 : memref<112x128xf32, #tpu.memory_space<vmem>>) target(%dma_start3A_53 : memref<112x128xf32, #tpu.memory_space<vmem_shared>>) target_semaphore(%arg20 : memref<!tpu.dma_semaphore, #tpu.memory_space<semaphore_mem>>)
    %mul3A_54 = arith.constant 632 : i32
    %mul3A_55 = arith.muli %arg1, %mul3A_54 : i32
    %add3A_56 = arith.constant 560 : i32
    %add3A_57 = arith.addi %mul3A_55, %add3A_56 : i32
    %dma_start3A_58 = arith.constant 0 : i32
    %dma_start3A_59 = arith.constant 0 : i32
    %dma_start3A_60 = tpu.memref_slice %arg15[%dma_start3A_58, %dma_start3A_59] : memref<112x128xf32, #tpu.memory_space<vmem>> -> memref<72x128xf32, #tpu.memory_space<vmem>>
    %dma_start3A_61 = arith.constant 0 : i32
    %dma_start3A_62 = tpu.memref_slice %arg16[%add3A_57, %dma_start3A_61] : memref<10112x128xf32, #tpu.memory_space<vmem_shared>> -> memref<72x128xf32, #tpu.memory_space<vmem_shared>>
    %dma_start3A_63 = arith.constant 0 : i32
    %dma_start3A_64 = tpu.memref_slice %arg16[%add3A_57, %dma_start3A_63] : memref<10112x128xf32, #tpu.memory_space<vmem_shared>> -> memref<72x128xf32, #tpu.memory_space<vmem_shared>>
    %dma_start3A_65 = arith.constant 0 : i32
    %dma_start3A_66 = arith.constant 0 : i32
    %dma_start3A_67 = tpu.memref_slice %arg15[%dma_start3A_65, %dma_start3A_66] : memref<112x128xf32, #tpu.memory_space<vmem>> -> memref<72x128xf32, #tpu.memory_space<vmem>>
    tpu.enqueue_dma source(%dma_start3A_67 : memref<72x128xf32, #tpu.memory_space<vmem>>) target(%dma_start3A_64 : memref<72x128xf32, #tpu.memory_space<vmem_shared>>) target_semaphore(%arg20 : memref<!tpu.dma_semaphore, #tpu.memory_space<semaphore_mem>>)
    %mul3A_68 = arith.constant 10000 : i32
    %mul3A_69 = arith.muli %add3A, %mul3A_68 : i32
    %dma_wait3A = tpu.memref_slice %arg3[%mul3A_69] : memref<320000xi32, #tpu.memory_space<hbm>> -> memref<10000xi32, #tpu.memory_space<hbm>>
    %dma_wait3A_70 = tpu.memref_slice %arg3[%mul3A_69] : memref<320000xi32, #tpu.memory_space<hbm>> -> memref<10000xi32, #tpu.memory_space<hbm>>
    tpu.wait_dma2 semaphore(%arg17 : memref<!tpu.dma_semaphore, #tpu.memory_space<semaphore_mem>>) src(%dma_wait3A_70 : memref<10000xi32, #tpu.memory_space<hbm>>) dst(%arg6 : memref<10000xi32, #tpu.memory_space<vmem>>)
    %mul3A_71 = arith.constant 10000 : i32
    %mul3A_72 = arith.muli %add3A, %mul3A_71 : i32
    %dma_wait3A_73 = tpu.memref_slice %arg4[%mul3A_72] : memref<320000xi32, #tpu.memory_space<hbm>> -> memref<10000xi32, #tpu.memory_space<hbm>>
    %dma_wait3A_74 = tpu.memref_slice %arg4[%mul3A_72] : memref<320000xi32, #tpu.memory_space<hbm>> -> memref<10000xi32, #tpu.memory_space<hbm>>
    tpu.wait_dma2 semaphore(%arg18 : memref<!tpu.dma_semaphore, #tpu.memory_space<semaphore_mem>>) src(%dma_wait3A_74 : memref<10000xi32, #tpu.memory_space<hbm>>) dst(%arg7 : memref<10000xi32, #tpu.memory_space<vmem>>)
    %get3A = arith.constant 0 : index
    %get3A_75 = tpu.vector_load %arg6[%get3A] {strides = array<i32>} : memref<10000xi32, #tpu.memory_space<vmem>>, vector<16xi32>,
    %get3A_76 = vector.shape_cast %get3A_75 : vector<16xi32> to vector<16xi32>
    %swap3A = arith.constant 0 : index
    %swap3A_77 = tpu.vector_load %arg8[%swap3A] {strides = array<i32>} : memref<112xi32, #tpu.memory_space<vmem>>, vector<16xi32>,
    %swap3A_78 = vector.shape_cast %swap3A_77 : vector<16xi32> to vector<16xi32>
    %swap3A_79 = vector.shape_cast %get3A_76 : vector<16xi32> to vector<16xi32>
    tpu.vector_store %arg8[%swap3A], %swap3A_79 {strides = array<i32>} : memref<112xi32, #tpu.memory_space<vmem>>, vector<16xi32>,
    %get3A_80 = arith.constant 0 : index
    %get3A_81 = tpu.vector_load %arg7[%get3A_80] {strides = array<i32>} : memref<10000xi32, #tpu.memory_space<vmem>>, vector<16xi32>,
    %get3A_82 = vector.shape_cast %get3A_81 : vector<16xi32> to vector<16xi32>
    %swap3A_83 = arith.constant 0 : index
    %swap3A_84 = tpu.vector_load %arg10[%swap3A_83] {strides = array<i32>} : memref<112xi32, #tpu.memory_space<vmem>>, vector<16xi32>,
    %swap3A_85 = vector.shape_cast %swap3A_84 : vector<16xi32> to vector<16xi32>
    %swap3A_86 = vector.shape_cast %get3A_82 : vector<16xi32> to vector<16xi32>
    tpu.vector_store %arg10[%swap3A_83], %swap3A_86 {strides = array<i32>} : memref<112xi32, #tpu.memory_space<vmem>>, vector<16xi32>,
    %get3A_87 = arith.constant 16 : index
    %get3A_88 = tpu.vector_load %arg6[%get3A_87] {strides = array<i32>} : memref<10000xi32, #tpu.memory_space<vmem>>, vector<16xi32>,
    %get3A_89 = vector.shape_cast %get3A_88 : vector<16xi32> to vector<16xi32>
    %swap3A_90 = arith.constant 16 : index
    %swap3A_91 = tpu.vector_load %arg8[%swap3A_90] {strides = array<i32>} : memref<112xi32, #tpu.memory_space<vmem>>, vector<16xi32>,
    %swap3A_92 = vector.shape_cast %swap3A_91 : vector<16xi32> to vector<16xi32>
    %swap3A_93 = vector.shape_cast %get3A_89 : vector<16xi32> to vector<16xi32>
    tpu.vector_store %arg8[%swap3A_90], %swap3A_93 {strides = array<i32>} : memref<112xi32, #tpu.memory_space<vmem>>, vector<16xi32>,
    %get3A_94 = arith.constant 16 : index
    %get3A_95 = tpu.vector_load %arg7[%get3A_94] {strides = array<i32>} : memref<10000xi32, #tpu.memory_space<vmem>>, vector<16xi32>,
    %get3A_96 = vector.shape_cast %get3A_95 : vector<16xi32> to vector<16xi32>
    %swap3A_97 = arith.constant 16 : index
    %swap3A_98 = tpu.vector_load %arg10[%swap3A_97] {strides = array<i32>} : memref<112xi32, #tpu.memory_space<vmem>>, vector<16xi32>,
    %swap3A_99 = vector.shape_cast %swap3A_98 : vector<16xi32> to vector<16xi32>
    %swap3A_100 = vector.shape_cast %get3A_96 : vector<16xi32> to vector<16xi32>
    tpu.vector_store %arg10[%swap3A_97], %swap3A_100 {strides = array<i32>} : memref<112xi32, #tpu.memory_space<vmem>>, vector<16xi32>,
    %get3A_101 = arith.constant 32 : index
    %get3A_102 = tpu.vector_load %arg6[%get3A_101] {strides = array<i32>} : memref<10000xi32, #tpu.memory_space<vmem>>, vector<16xi32>,
    %get3A_103 = vector.shape_cast %get3A_102 : vector<16xi32> to vector<16xi32>
    %swap3A_104 = arith.constant 32 : index
    %swap3A_105 = tpu.vector_load %arg8[%swap3A_104] {strides = array<i32>} : memref<112xi32, #tpu.memory_space<vmem>>, vector<16xi32>,
    %swap3A_106 = vector.shape_cast %swap3A_105 : vector<16xi32> to vector<16xi32>
    %swap3A_107 = vector.shape_cast %get3A_103 : vector<16xi32> to vector<16xi32>
    tpu.vector_store %arg8[%swap3A_104], %swap3A_107 {strides = array<i32>} : memref<112xi32, #tpu.memory_space<vmem>>, vector<16xi32>,
    %get3A_108 = arith.constant 32 : index
    %get3A_109 = tpu.vector_load %arg7[%get3A_108] {strides = array<i32>} : memref<10000xi32, #tpu.memory_space<vmem>>, vector<16xi32>,
    %get3A_110 = vector.shape_cast %get3A_109 : vector<16xi32> to vector<16xi32>
    %swap3A_111 = arith.constant 32 : index
    %swap3A_112 = tpu.vector_load %arg10[%swap3A_111] {strides = array<i32>} : memref<112xi32, #tpu.memory_space<vmem>>, vector<16xi32>,
    %swap3A_113 = vector.shape_cast %swap3A_112 : vector<16xi32> to vector<16xi32>
    %swap3A_114 = vector.shape_cast %get3A_110 : vector<16xi32> to vector<16xi32>
    tpu.vector_store %arg10[%swap3A_111], %swap3A_114 {strides = array<i32>} : memref<112xi32, #tpu.memory_space<vmem>>, vector<16xi32>,
    %get3A_115 = arith.constant 48 : index
    %get3A_116 = tpu.vector_load %arg6[%get3A_115] {strides = array<i32>} : memref<10000xi32, #tpu.memory_space<vmem>>, vector<16xi32>,
    %get3A_117 = vector.shape_cast %get3A_116 : vector<16xi32> to vector<16xi32>
    %swap3A_118 = arith.constant 48 : index
    %swap3A_119 = tpu.vector_load %arg8[%swap3A_118] {strides = array<i32>} : memref<112xi32, #tpu.memory_space<vmem>>, vector<16xi32>,
    %swap3A_120 = vector.shape_cast %swap3A_119 : vector<16xi32> to vector<16xi32>
    %swap3A_121 = vector.shape_cast %get3A_117 : vector<16xi32> to vector<16xi32>
    tpu.vector_store %arg8[%swap3A_118], %swap3A_121 {strides = array<i32>} : memref<112xi32, #tpu.memory_space<vmem>>, vector<16xi32>,
    %get3A_122 = arith.constant 48 : index
    %get3A_123 = tpu.vector_load %arg7[%get3A_122] {strides = array<i32>} : memref<10000xi32, #tpu.memory_space<vmem>>, vector<16xi32>,
    %get3A_124 = vector.shape_cast %get3A_123 : vector<16xi32> to vector<16xi32>
    %swap3A_125 = arith.constant 48 : index
    %swap3A_126 = tpu.vector_load %arg10[%swap3A_125] {strides = array<i32>} : memref<112xi32, #tpu.memory_space<vmem>>, vector<16xi32>,
    %swap3A_127 = vector.shape_cast %swap3A_126 : vector<16xi32> to vector<16xi32>
    %swap3A_128 = vector.shape_cast %get3A_124 : vector<16xi32> to vector<16xi32>
    tpu.vector_store %arg10[%swap3A_125], %swap3A_128 {strides = array<i32>} : memref<112xi32, #tpu.memory_space<vmem>>, vector<16xi32>,
    %get3A_129 = arith.constant 64 : index
    %get3A_130 = tpu.vector_load %arg6[%get3A_129] {strides = array<i32>} : memref<10000xi32, #tpu.memory_space<vmem>>, vector<16xi32>,
    %get3A_131 = vector.shape_cast %get3A_130 : vector<16xi32> to vector<16xi32>
    %swap3A_132 = arith.constant 64 : index
    %swap3A_133 = tpu.vector_load %arg8[%swap3A_132] {strides = array<i32>} : memref<112xi32, #tpu.memory_space<vmem>>, vector<16xi32>,
    %swap3A_134 = vector.shape_cast %swap3A_133 : vector<16xi32> to vector<16xi32>
    %swap3A_135 = vector.shape_cast %get3A_131 : vector<16xi32> to vector<16xi32>
    tpu.vector_store %arg8[%swap3A_132], %swap3A_135 {strides = array<i32>} : memref<112xi32, #tpu.memory_space<vmem>>, vector<16xi32>,
    %get3A_136 = arith.constant 64 : index
    %get3A_137 = tpu.vector_load %arg7[%get3A_136] {strides = array<i32>} : memref<10000xi32, #tpu.memory_space<vmem>>, vector<16xi32>,
    %get3A_138 = vector.shape_cast %get3A_137 : vector<16xi32> to vector<16xi32>
    %swap3A_139 = arith.constant 64 : index
    %swap3A_140 = tpu.vector_load %arg10[%swap3A_139] {strides = array<i32>} : memref<112xi32, #tpu.memory_space<vmem>>, vector<16xi32>,
    %swap3A_141 = vector.shape_cast %swap3A_140 : vector<16xi32> to vector<16xi32>
    %swap3A_142 = vector.shape_cast %get3A_138 : vector<16xi32> to vector<16xi32>
    tpu.vector_store %arg10[%swap3A_139], %swap3A_142 {strides = array<i32>} : memref<112xi32, #tpu.memory_space<vmem>>, vector<16xi32>,
    %get3A_143 = arith.constant 80 : index
    %get3A_144 = tpu.vector_load %arg6[%get3A_143] {strides = array<i32>} : memref<10000xi32, #tpu.memory_space<vmem>>, vector<16xi32>,
    %get3A_145 = vector.shape_cast %get3A_144 : vector<16xi32> to vector<16xi32>
    %swap3A_146 = arith.constant 80 : index
    %swap3A_147 = tpu.vector_load %arg8[%swap3A_146] {strides = array<i32>} : memref<112xi32, #tpu.memory_space<vmem>>, vector<16xi32>,
    %swap3A_148 = vector.shape_cast %swap3A_147 : vector<16xi32> to vector<16xi32>
    %swap3A_149 = vector.shape_cast %get3A_145 : vector<16xi32> to vector<16xi32>
    tpu.vector_store %arg8[%swap3A_146], %swap3A_149 {strides = array<i32>} : memref<112xi32, #tpu.memory_space<vmem>>, vector<16xi32>,
    %get3A_150 = arith.constant 80 : index
    %get3A_151 = tpu.vector_load %arg7[%get3A_150] {strides = array<i32>} : memref<10000xi32, #tpu.memory_space<vmem>>, vector<16xi32>,
    %get3A_152 = vector.shape_cast %get3A_151 : vector<16xi32> to vector<16xi32>
    %swap3A_153 = arith.constant 80 : index
    %swap3A_154 = tpu.vector_load %arg10[%swap3A_153] {strides = array<i32>} : memref<112xi32, #tpu.memory_space<vmem>>, vector<16xi32>,
    %swap3A_155 = vector.shape_cast %swap3A_154 : vector<16xi32> to vector<16xi32>
    %swap3A_156 = vector.shape_cast %get3A_152 : vector<16xi32> to vector<16xi32>
    tpu.vector_store %arg10[%swap3A_153], %swap3A_156 {strides = array<i32>} : memref<112xi32, #tpu.memory_space<vmem>>, vector<16xi32>,
    %get3A_157 = arith.constant 96 : index
    %get3A_158 = tpu.vector_load %arg6[%get3A_157] {strides = array<i32>} : memref<10000xi32, #tpu.memory_space<vmem>>, vector<16xi32>,
    %get3A_159 = vector.shape_cast %get3A_158 : vector<16xi32> to vector<16xi32>
    %swap3A_160 = arith.constant 96 : index
    %swap3A_161 = tpu.vector_load %arg8[%swap3A_160] {strides = array<i32>} : memref<112xi32, #tpu.memory_space<vmem>>, vector<16xi32>,
    %swap3A_162 = vector.shape_cast %swap3A_161 : vector<16xi32> to vector<16xi32>
    %swap3A_163 = vector.shape_cast %get3A_159 : vector<16xi32> to vector<16xi32>
    tpu.vector_store %arg8[%swap3A_160], %swap3A_163 {strides = array<i32>} : memref<112xi32, #tpu.memory_space<vmem>>, vector<16xi32>,
    %get3A_164 = arith.constant 96 : index
    %get3A_165 = tpu.vector_load %arg7[%get3A_164] {strides = array<i32>} : memref<10000xi32, #tpu.memory_space<vmem>>, vector<16xi32>,
    %get3A_166 = vector.shape_cast %get3A_165 : vector<16xi32> to vector<16xi32>
    %swap3A_167 = arith.constant 96 : index
    %swap3A_168 = tpu.vector_load %arg10[%swap3A_167] {strides = array<i32>} : memref<112xi32, #tpu.memory_space<vmem>>, vector<16xi32>,
    %swap3A_169 = vector.shape_cast %swap3A_168 : vector<16xi32> to vector<16xi32>
    %swap3A_170 = vector.shape_cast %get3A_166 : vector<16xi32> to vector<16xi32>
    tpu.vector_store %arg10[%swap3A_167], %swap3A_170 {strides = array<i32>} : memref<112xi32, #tpu.memory_space<vmem>>, vector<16xi32>,
    %dma_start3A_171 = arith.constant 0 : i32
    %dma_start3A_172 = arith.constant 0 : i32
    %dma_start3A_173 = tpu.memref_slice %arg2[%dma_start3A_171, %dma_start3A_172] : memref<10000x128xf32, #tpu.memory_space<hbm>> -> memref<10000x128xf32, #tpu.memory_space<hbm>>
    tpu.enqueue_indirect_dma source(%dma_start3A_173 : memref<10000x128xf32, #tpu.memory_space<hbm>>) target(%arg14 : memref<112x128xf32, #tpu.memory_space<vmem>>) offsets(%arg8 : memref<112xi32, #tpu.memory_space<vmem>>) semaphore(%arg17 : memref<!tpu.dma_semaphore, #tpu.memory_space<semaphore_mem>>)
    %mul3A_174 = arith.constant 632 : i32
    %mul3A_175 = arith.muli %arg1, %mul3A_174 : i32
    %add3A_176 = arith.constant 0 : i32
    %add3A_177 = arith.addi %mul3A_175, %add3A_176 : i32
    %dma_wait3A_178 = arith.constant 0 : i32
    %dma_wait3A_179 = tpu.memref_slice %arg16[%add3A_177, %dma_wait3A_178] : memref<10112x128xf32, #tpu.memory_space<vmem_shared>> -> memref<112x128xf32, #tpu.memory_space<vmem_shared>>
    %dma_wait3A_180 = arith.constant 0 : i32
    %dma_wait3A_181 = tpu.memref_slice %arg16[%add3A_177, %dma_wait3A_180] : memref<10112x128xf32, #tpu.memory_space<vmem_shared>> -> memref<112x128xf32, #tpu.memory_space<vmem_shared>>
    tpu.wait_dma2 semaphore(%arg20 : memref<!tpu.dma_semaphore, #tpu.memory_space<semaphore_mem>>) src(%arg15 : memref<112x128xf32, #tpu.memory_space<vmem>>) dst(%dma_wait3A_181 : memref<112x128xf32, #tpu.memory_space<vmem_shared>>)
    %mul3A_182 = arith.constant 632 : i32
    %mul3A_183 = arith.muli %arg1, %mul3A_182 : i32
    %add3A_184 = arith.constant 112 : i32
    %add3A_185 = arith.addi %mul3A_183, %add3A_184 : i32
    %dma_wait3A_186 = arith.constant 0 : i32
    %dma_wait3A_187 = tpu.memref_slice %arg16[%add3A_185, %dma_wait3A_186] : memref<10112x128xf32, #tpu.memory_space<vmem_shared>> -> memref<112x128xf32, #tpu.memory_space<vmem_shared>>
    %dma_wait3A_188 = arith.constant 0 : i32
    %dma_wait3A_189 = tpu.memref_slice %arg16[%add3A_185, %dma_wait3A_188] : memref<10112x128xf32, #tpu.memory_space<vmem_shared>> -> memref<112x128xf32, #tpu.memory_space<vmem_shared>>
    tpu.wait_dma2 semaphore(%arg20 : memref<!tpu.dma_semaphore, #tpu.memory_space<semaphore_mem>>) src(%arg15 : memref<112x128xf32, #tpu.memory_space<vmem>>) dst(%dma_wait3A_189 : memref<112x128xf32, #tpu.memory_space<vmem_shared>>)
    %mul3A_190 = arith.constant 632 : i32
    %mul3A_191 = arith.muli %arg1, %mul3A_190 : i32
    %add3A_192 = arith.constant 224 : i32
    %add3A_193 = arith.addi %mul3A_191, %add3A_192 : i32
    %dma_wait3A_194 = arith.constant 0 : i32
    %dma_wait3A_195 = tpu.memref_slice %arg16[%add3A_193, %dma_wait3A_194] : memref<10112x128xf32, #tpu.memory_space<vmem_shared>> -> memref<112x128xf32, #tpu.memory_space<vmem_shared>>
    %dma_wait3A_196 = arith.constant 0 : i32
    %dma_wait3A_197 = tpu.memref_slice %arg16[%add3A_193, %dma_wait3A_196] : memref<10112x128xf32, #tpu.memory_space<vmem_shared>> -> memref<112x128xf32, #tpu.memory_space<vmem_shared>>
    tpu.wait_dma2 semaphore(%arg20 : memref<!tpu.dma_semaphore, #tpu.memory_space<semaphore_mem>>) src(%arg15 : memref<112x128xf32, #tpu.memory_space<vmem>>) dst(%dma_wait3A_197 : memref<112x128xf32, #tpu.memory_space<vmem_shared>>)
    %mul3A_198 = arith.constant 632 : i32
    %mul3A_199 = arith.muli %arg1, %mul3A_198 : i32
    %add3A_200 = arith.constant 336 : i32
    %add3A_201 = arith.addi %mul3A_199, %add3A_200 : i32
    %dma_wait3A_202 = arith.constant 0 : i32
    %dma_wait3A_203 = tpu.memref_slice %arg16[%add3A_201, %dma_wait3A_202] : memref<10112x128xf32, #tpu.memory_space<vmem_shared>> -> memref<112x128xf32, #tpu.memory_space<vmem_shared>>
    %dma_wait3A_204 = arith.constant 0 : i32
    %dma_wait3A_205 = tpu.memref_slice %arg16[%add3A_201, %dma_wait3A_204] : memref<10112x128xf32, #tpu.memory_space<vmem_shared>> -> memref<112x128xf32, #tpu.memory_space<vmem_shared>>
    tpu.wait_dma2 semaphore(%arg20 : memref<!tpu.dma_semaphore, #tpu.memory_space<semaphore_mem>>) src(%arg15 : memref<112x128xf32, #tpu.memory_space<vmem>>) dst(%dma_wait3A_205 : memref<112x128xf32, #tpu.memory_space<vmem_shared>>)
    %mul3A_206 = arith.constant 632 : i32
    %mul3A_207 = arith.muli %arg1, %mul3A_206 : i32
    %add3A_208 = arith.constant 448 : i32
    %add3A_209 = arith.addi %mul3A_207, %add3A_208 : i32
    %dma_wait3A_210 = arith.constant 0 : i32
    %dma_wait3A_211 = tpu.memref_slice %arg16[%add3A_209, %dma_wait3A_210] : memref<10112x128xf32, #tpu.memory_space<vmem_shared>> -> memref<112x128xf32, #tpu.memory_space<vmem_shared>>
    %dma_wait3A_212 = arith.constant 0 : i32
    %dma_wait3A_213 = tpu.memref_slice %arg16[%add3A_209, %dma_wait3A_212] : memref<10112x128xf32, #tpu.memory_space<vmem_shared>> -> memref<112x128xf32, #tpu.memory_space<vmem_shared>>
    tpu.wait_dma2 semaphore(%arg20 : memref<!tpu.dma_semaphore, #tpu.memory_space<semaphore_mem>>) src(%arg15 : memref<112x128xf32, #tpu.memory_space<vmem>>) dst(%dma_wait3A_213 : memref<112x128xf32, #tpu.memory_space<vmem_shared>>)
    %mul3A_214 = arith.constant 632 : i32
    %mul3A_215 = arith.muli %arg1, %mul3A_214 : i32
    %add3A_216 = arith.constant 560 : i32
    %add3A_217 = arith.addi %mul3A_215, %add3A_216 : i32
    %dma_wait3A_218 = arith.constant 0 : i32
    %dma_wait3A_219 = arith.constant 0 : i32
    %dma_wait3A_220 = tpu.memref_slice %arg15[%dma_wait3A_218, %dma_wait3A_219] : memref<112x128xf32, #tpu.memory_space<vmem>> -> memref<72x128xf32, #tpu.memory_space<vmem>>
    %dma_wait3A_221 = arith.constant 0 : i32
    %dma_wait3A_222 = tpu.memref_slice %arg16[%add3A_217, %dma_wait3A_221] : memref<10112x128xf32, #tpu.memory_space<vmem_shared>> -> memref<72x128xf32, #tpu.memory_space<vmem_shared>>
    %dma_wait3A_223 = arith.constant 0 : i32
    %dma_wait3A_224 = tpu.memref_slice %arg16[%add3A_217, %dma_wait3A_223] : memref<10112x128xf32, #tpu.memory_space<vmem_shared>> -> memref<72x128xf32, #tpu.memory_space<vmem_shared>>
    %dma_wait3A_225 = arith.constant 0 : i32
    %dma_wait3A_226 = arith.constant 0 : i32
    %dma_wait3A_227 = tpu.memref_slice %arg15[%dma_wait3A_225, %dma_wait3A_226] : memref<112x128xf32, #tpu.memory_space<vmem>> -> memref<72x128xf32, #tpu.memory_space<vmem>>
    tpu.wait_dma2 semaphore(%arg20 : memref<!tpu.dma_semaphore, #tpu.memory_space<semaphore_mem>>) src(%dma_wait3A_227 : memref<72x128xf32, #tpu.memory_space<vmem>>) dst(%dma_wait3A_224 : memref<72x128xf32, #tpu.memory_space<vmem_shared>>)
    %barrier3A = arith.constant 0 : index
    tpu.barrier barrier_id(%barrier3A)
    %get3A_228 = arith.constant 112 : index
    %get3A_229 = tpu.vector_load %arg6[%get3A_228] {strides = array<i32>} : memref<10000xi32, #tpu.memory_space<vmem>>, vector<16xi32>,
    %get3A_230 = vector.shape_cast %get3A_229 : vector<16xi32> to vector<16xi32>
    %swap3A_231 = arith.constant 0 : index
    %swap3A_232 = tpu.vector_load %arg9[%swap3A_231] {strides = array<i32>} : memref<112xi32, #tpu.memory_space<vmem>>, vector<16xi32>,
    %swap3A_233 = vector.shape_cast %swap3A_232 : vector<16xi32> to vector<16xi32>
    %swap3A_234 = vector.shape_cast %get3A_230 : vector<16xi32> to vector<16xi32>
    tpu.vector_store %arg9[%swap3A_231], %swap3A_234 {strides = array<i32>} : memref<112xi32, #tpu.memory_space<vmem>>, vector<16xi32>,
    %get3A_235 = arith.constant 112 : index
    %get3A_236 = tpu.vector_load %arg7[%get3A_235] {strides = array<i32>} : memref<10000xi32, #tpu.memory_space<vmem>>, vector<16xi32>,
    %get3A_237 = vector.shape_cast %get3A_236 : vector<16xi32> to vector<16xi32>
    %swap3A_238 = arith.constant 0 : index
    %swap3A_239 = tpu.vector_load %arg11[%swap3A_238] {strides = array<i32>} : memref<112xi32, #tpu.memory_space<vmem>>, vector<16xi32>,
    %swap3A_240 = vector.shape_cast %swap3A_239 : vector<16xi32> to vector<16xi32>
    %swap3A_241 = vector.shape_cast %get3A_237 : vector<16xi32> to vector<16xi32>
    tpu.vector_store %arg11[%swap3A_238], %swap3A_241 {strides = array<i32>} : memref<112xi32, #tpu.memory_space<vmem>>, vector<16xi32>,
    %get3A_242 = arith.constant 128 : index
    %get3A_243 = tpu.vector_load %arg6[%get3A_242] {strides = array<i32>} : memref<10000xi32, #tpu.memory_space<vmem>>, vector<16xi32>,
    %get3A_244 = vector.shape_cast %get3A_243 : vector<16xi32> to vector<16xi32>
    %swap3A_245 = arith.constant 16 : index
    %swap3A_246 = tpu.vector_load %arg9[%swap3A_245] {strides = array<i32>} : memref<112xi32, #tpu.memory_space<vmem>>, vector<16xi32>,
    %swap3A_247 = vector.shape_cast %swap3A_246 : vector<16xi32> to vector<16xi32>
    %swap3A_248 = vector.shape_cast %get3A_244 : vector<16xi32> to vector<16xi32>
    tpu.vector_store %arg9[%swap3A_245], %swap3A_248 {strides = array<i32>} : memref<112xi32, #tpu.memory_space<vmem>>, vector<16xi32>,
    %get3A_249 = arith.constant 128 : index
    %get3A_250 = tpu.vector_load %arg7[%get3A_249] {strides = array<i32>} : memref<10000xi32, #tpu.memory_space<vmem>>, vector<16xi32>,
    %get3A_251 = vector.shape_cast %get3A_250 : vector<16xi32> to vector<16xi32>
    %swap3A_252 = arith.constant 16 : index
    %swap3A_253 = tpu.vector_load %arg11[%swap3A_252] {strides = array<i32>} : memref<112xi32, #tpu.memory_space<vmem>>, vector<16xi32>,
    %swap3A_254 = vector.shape_cast %swap3A_253 : vector<16xi32> to vector<16xi32>
    %swap3A_255 = vector.shape_cast %get3A_251 : vector<16xi32> to vector<16xi32>
    tpu.vector_store %arg11[%swap3A_252], %swap3A_255 {strides = array<i32>} : memref<112xi32, #tpu.memory_space<vmem>>, vector<16xi32>,
    %get3A_256 = arith.constant 144 : index
    %get3A_257 = tpu.vector_load %arg6[%get3A_256] {strides = array<i32>} : memref<10000xi32, #tpu.memory_space<vmem>>, vector<16xi32>,
    %get3A_258 = vector.shape_cast %get3A_257 : vector<16xi32> to vector<16xi32>
    %swap3A_259 = arith.constant 32 : index
    %swap3A_260 = tpu.vector_load %arg9[%swap3A_259] {strides = array<i32>} : memref<112xi32, #tpu.memory_space<vmem>>, vector<16xi32>,
    %swap3A_261 = vector.shape_cast %swap3A_260 : vector<16xi32> to vector<16xi32>
    %swap3A_262 = vector.shape_cast %get3A_258 : vector<16xi32> to vector<16xi32>
    tpu.vector_store %arg9[%swap3A_259], %swap3A_262 {strides = array<i32>} : memref<112xi32, #tpu.memory_space<vmem>>, vector<16xi32>,
    %get3A_263 = arith.constant 144 : index
    %get3A_264 = tpu.vector_load %arg7[%get3A_263] {strides = array<i32>} : memref<10000xi32, #tpu.memory_space<vmem>>, vector<16xi32>,
    %get3A_265 = vector.shape_cast %get3A_264 : vector<16xi32> to vector<16xi32>
    %swap3A_266 = arith.constant 32 : index
    %swap3A_267 = tpu.vector_load %arg11[%swap3A_266] {strides = array<i32>} : memref<112xi32, #tpu.memory_space<vmem>>, vector<16xi32>,
    %swap3A_268 = vector.shape_cast %swap3A_267 : vector<16xi32> to vector<16xi32>
    %swap3A_269 = vector.shape_cast %get3A_265 : vector<16xi32> to vector<16xi32>
    tpu.vector_store %arg11[%swap3A_266], %swap3A_269 {strides = array<i32>} : memref<112xi32, #tpu.memory_space<vmem>>, vector<16xi32>,
    %get3A_270 = arith.constant 160 : index
    %get3A_271 = tpu.vector_load %arg6[%get3A_270] {strides = array<i32>} : memref<10000xi32, #tpu.memory_space<vmem>>, vector<16xi32>,
    %get3A_272 = vector.shape_cast %get3A_271 : vector<16xi32> to vector<16xi32>
    %swap3A_273 = arith.constant 48 : index
    %swap3A_274 = tpu.vector_load %arg9[%swap3A_273] {strides = array<i32>} : memref<112xi32, #tpu.memory_space<vmem>>, vector<16xi32>,
    %swap3A_275 = vector.shape_cast %swap3A_274 : vector<16xi32> to vector<16xi32>
    %swap3A_276 = vector.shape_cast %get3A_272 : vector<16xi32> to vector<16xi32>
    tpu.vector_store %arg9[%swap3A_273], %swap3A_276 {strides = array<i32>} : memref<112xi32, #tpu.memory_space<vmem>>, vector<16xi32>,
    %get3A_277 = arith.constant 160 : index
    %get3A_278 = tpu.vector_load %arg7[%get3A_277] {strides = array<i32>} : memref<10000xi32, #tpu.memory_space<vmem>>, vector<16xi32>,
    %get3A_279 = vector.shape_cast %get3A_278 : vector<16xi32> to vector<16xi32>
    %swap3A_280 = arith.constant 48 : index
    %swap3A_281 = tpu.vector_load %arg11[%swap3A_280] {strides = array<i32>} : memref<112xi32, #tpu.memory_space<vmem>>, vector<16xi32>,
    %swap3A_282 = vector.shape_cast %swap3A_281 : vector<16xi32> to vector<16xi32>
    %swap3A_283 = vector.shape_cast %get3A_279 : vector<16xi32> to vector<16xi32>
    tpu.vector_store %arg11[%swap3A_280], %swap3A_283 {strides = array<i32>} : memref<112xi32, #tpu.memory_space<vmem>>, vector<16xi32>,
    %get3A_284 = arith.constant 176 : index
    %get3A_285 = tpu.vector_load %arg6[%get3A_284] {strides = array<i32>} : memref<10000xi32, #tpu.memory_space<vmem>>, vector<16xi32>,
    %get3A_286 = vector.shape_cast %get3A_285 : vector<16xi32> to vector<16xi32>
    %swap3A_287 = arith.constant 64 : index
    %swap3A_288 = tpu.vector_load %arg9[%swap3A_287] {strides = array<i32>} : memref<112xi32, #tpu.memory_space<vmem>>, vector<16xi32>,
    %swap3A_289 = vector.shape_cast %swap3A_288 : vector<16xi32> to vector<16xi32>
    %swap3A_290 = vector.shape_cast %get3A_286 : vector<16xi32> to vector<16xi32>
    tpu.vector_store %arg9[%swap3A_287], %swap3A_290 {strides = array<i32>} : memref<112xi32, #tpu.memory_space<vmem>>, vector<16xi32>,
    %get3A_291 = arith.constant 176 : index
    %get3A_292 = tpu.vector_load %arg7[%get3A_291] {strides = array<i32>} : memref<10000xi32, #tpu.memory_space<vmem>>, vector<16xi32>,
    %get3A_293 = vector.shape_cast %get3A_292 : vector<16xi32> to vector<16xi32>
    %swap3A_294 = arith.constant 64 : index
    %swap3A_295 = tpu.vector_load %arg11[%swap3A_294] {strides = array<i32>} : memref<112xi32, #tpu.memory_space<vmem>>, vector<16xi32>,
    %swap3A_296 = vector.shape_cast %swap3A_295 : vector<16xi32> to vector<16xi32>
    %swap3A_297 = vector.shape_cast %get3A_293 : vector<16xi32> to vector<16xi32>
    tpu.vector_store %arg11[%swap3A_294], %swap3A_297 {strides = array<i32>} : memref<112xi32, #tpu.memory_space<vmem>>, vector<16xi32>,
    %get3A_298 = arith.constant 192 : index
    %get3A_299 = tpu.vector_load %arg6[%get3A_298] {strides = array<i32>} : memref<10000xi32, #tpu.memory_space<vmem>>, vector<16xi32>,
    %get3A_300 = vector.shape_cast %get3A_299 : vector<16xi32> to vector<16xi32>
    %swap3A_301 = arith.constant 80 : index
    %swap3A_302 = tpu.vector_load %arg9[%swap3A_301] {strides = array<i32>} : memref<112xi32, #tpu.memory_space<vmem>>, vector<16xi32>,
    %swap3A_303 = vector.shape_cast %swap3A_302 : vector<16xi32> to vector<16xi32>
    %swap3A_304 = vector.shape_cast %get3A_300 : vector<16xi32> to vector<16xi32>
    tpu.vector_store %arg9[%swap3A_301], %swap3A_304 {strides = array<i32>} : memref<112xi32, #tpu.memory_space<vmem>>, vector<16xi32>,
    %get3A_305 = arith.constant 192 : index
    %get3A_306 = tpu.vector_load %arg7[%get3A_305] {strides = array<i32>} : memref<10000xi32, #tpu.memory_space<vmem>>, vector<16xi32>,
    %get3A_307 = vector.shape_cast %get3A_306 : vector<16xi32> to vector<16xi32>
    %swap3A_308 = arith.constant 80 : index
    %swap3A_309 = tpu.vector_load %arg11[%swap3A_308] {strides = array<i32>} : memref<112xi32, #tpu.memory_space<vmem>>, vector<16xi32>,
    %swap3A_310 = vector.shape_cast %swap3A_309 : vector<16xi32> to vector<16xi32>
    %swap3A_311 = vector.shape_cast %get3A_307 : vector<16xi32> to vector<16xi32>
    tpu.vector_store %arg11[%swap3A_308], %swap3A_311 {strides = array<i32>} : memref<112xi32, #tpu.memory_space<vmem>>, vector<16xi32>,
    %get3A_312 = arith.constant 208 : index
    %get3A_313 = tpu.vector_load %arg6[%get3A_312] {strides = array<i32>} : memref<10000xi32, #tpu.memory_space<vmem>>, vector<16xi32>,
    %get3A_314 = vector.shape_cast %get3A_313 : vector<16xi32> to vector<16xi32>
    %swap3A_315 = arith.constant 96 : index
    %swap3A_316 = tpu.vector_load %arg9[%swap3A_315] {strides = array<i32>} : memref<112xi32, #tpu.memory_space<vmem>>, vector<16xi32>,
    %swap3A_317 = vector.shape_cast %swap3A_316 : vector<16xi32> to vector<16xi32>
    %swap3A_318 = vector.shape_cast %get3A_314 : vector<16xi32> to vector<16xi32>
    tpu.vector_store %arg9[%swap3A_315], %swap3A_318 {strides = array<i32>} : memref<112xi32, #tpu.memory_space<vmem>>, vector<16xi32>,
    %get3A_319 = arith.constant 208 : index
    %get3A_320 = tpu.vector_load %arg7[%get3A_319] {strides = array<i32>} : memref<10000xi32, #tpu.memory_space<vmem>>, vector<16xi32>,
    %get3A_321 = vector.shape_cast %get3A_320 : vector<16xi32> to vector<16xi32>
    %swap3A_322 = arith.constant 96 : index
    %swap3A_323 = tpu.vector_load %arg11[%swap3A_322] {strides = array<i32>} : memref<112xi32, #tpu.memory_space<vmem>>, vector<16xi32>,
    %swap3A_324 = vector.shape_cast %swap3A_323 : vector<16xi32> to vector<16xi32>
    %swap3A_325 = vector.shape_cast %get3A_321 : vector<16xi32> to vector<16xi32>
    tpu.vector_store %arg11[%swap3A_322], %swap3A_325 {strides = array<i32>} : memref<112xi32, #tpu.memory_space<vmem>>, vector<16xi32>,
    %dma_start3A_326 = arith.constant 0 : i32
    %dma_start3A_327 = arith.constant 0 : i32
    %dma_start3A_328 = tpu.memref_slice %arg2[%dma_start3A_326, %dma_start3A_327] : memref<10000x128xf32, #tpu.memory_space<hbm>> -> memref<10000x128xf32, #tpu.memory_space<hbm>>
    tpu.enqueue_indirect_dma source(%dma_start3A_328 : memref<10000x128xf32, #tpu.memory_space<hbm>>) target(%arg15 : memref<112x128xf32, #tpu.memory_space<vmem>>) offsets(%arg9 : memref<112xi32, #tpu.memory_space<vmem>>) semaphore(%arg18 : memref<!tpu.dma_semaphore, #tpu.memory_space<semaphore_mem>>)
    %scan3A_329 = arith.constant 0 : i32
    %scan3A_330 = arith.constant 0 : i32
    %scan3A_331 = arith.constant 44 : i32
    %scan3A_332 = arith.addi %scan3A_330, %scan3A_331 : i32
    %scan3A_333 = arith.constant 1 : i32
    scf.for %scan3A_401 = %scan3A_330 to %scan3A_332 step %scan3A_333  : i32 {
      %mul3A_402 = arith.constant 2 : i32
      %mul3A_403 = arith.muli %scan3A_401, %mul3A_402 : i32
      %add3A_404 = arith.constant 0 : i32
      %add3A_405 = arith.addi %mul3A_403, %add3A_404 : i32
      %dma_wait3A_406 = arith.constant 0 : i32
      %dma_wait3A_407 = arith.constant 0 : i32
      %dma_wait3A_408 = tpu.memref_slice %arg2[%dma_wait3A_406, %dma_wait3A_407] : memref<10000x128xf32, #tpu.memory_space<hbm>> -> memref<10000x128xf32, #tpu.memory_space<hbm>>
      tpu.wait_indirect_dma semaphore(%arg17 : memref<!tpu.dma_semaphore, #tpu.memory_space<semaphore_mem>>) src(%dma_wait3A_408 : memref<10000x128xf32, #tpu.memory_space<hbm>>) dst(%arg14 : memref<112x128xf32, #tpu.memory_space<vmem>>)
      %dma_start3A_409 = arith.constant 0 : i32
      %dma_start3A_410 = arith.constant 0 : i32
      %dma_start3A_411 = tpu.memref_slice %arg16[%dma_start3A_409, %dma_start3A_410] : memref<10112x128xf32, #tpu.memory_space<vmem_shared>> -> memref<10112x128xf32, #tpu.memory_space<vmem_shared>>
      tpu.enqueue_indirect_dma source(%arg14 : memref<112x128xf32, #tpu.memory_space<vmem>>) target(%dma_start3A_411 : memref<10112x128xf32, #tpu.memory_space<vmem_shared>>) offsets(%arg10 : memref<112xi32, #tpu.memory_space<vmem>>) semaphore(%arg19 : memref<!tpu.dma_semaphore, #tpu.memory_space<semaphore_mem>>) {add = true}
      %dma_wait3A_412 = arith.constant 0 : i32
      %dma_wait3A_413 = arith.constant 0 : i32
      %dma_wait3A_414 = tpu.memref_slice %arg16[%dma_wait3A_412, %dma_wait3A_413] : memref<10112x128xf32, #tpu.memory_space<vmem_shared>> -> memref<10112x128xf32, #tpu.memory_space<vmem_shared>>
      tpu.wait_indirect_dma semaphore(%arg19 : memref<!tpu.dma_semaphore, #tpu.memory_space<semaphore_mem>>) src(%arg14 : memref<112x128xf32, #tpu.memory_space<vmem>>) dst(%dma_wait3A_414 : memref<10112x128xf32, #tpu.memory_space<vmem_shared>>)
      %add3A_415 = arith.constant 2 : i32
      %add3A_416 = arith.addi %add3A_405, %add3A_415 : i32
      %lt3A = arith.constant 89 : i32
      %lt3A_417 = arith.cmpi slt, %add3A_416, %lt3A : i32
      %convert_element_type3A = arith.extui %lt3A_417 : i1 to i32
      %cond3A = arith.constant 0 : i32
      %cond3A_418 = arith.cmpi ne, %convert_element_type3A, %cond3A : i32
      scf.if %cond3A_418 {
        %add3A_439 = arith.constant 2 : i32
        %add3A_440 = arith.addi %add3A_405, %add3A_439 : i32
        %mul3A_441 = arith.constant 112 : i32
        %mul3A_442 = arith.muli %add3A_440, %mul3A_441 : i32
        %add3A_443 = arith.constant 0 : i32
        %add3A_444 = arith.addi %mul3A_442, %add3A_443 : i32
        %get3A_445 = arith.index_cast %add3A_444 : i32 to index
        %get3A_446 = tpu.vector_load %arg6[%get3A_445] {strides = array<i32>} : memref<10000xi32, #tpu.memory_space<vmem>>, vector<16xi32>,
        %swap3A_447 = arith.constant 0 : index
        %swap3A_448 = tpu.vector_load %arg8[%swap3A_447] {strides = array<i32>} : memref<112xi32, #tpu.memory_space<vmem>>, vector<16xi32>,
        %swap3A_449 = vector.shape_cast %swap3A_448 : vector<16xi32> to vector<16xi32>
        %swap3A_450 = vector.shape_cast %get3A_446 : vector<16xi32> to vector<16xi32>
        tpu.vector_store %arg8[%swap3A_447], %swap3A_450 {strides = array<i32>} : memref<112xi32, #tpu.memory_space<vmem>>, vector<16xi32>,
        %mul3A_451 = arith.constant 112 : i32
        %mul3A_452 = arith.muli %add3A_440, %mul3A_451 : i32
        %add3A_453 = arith.constant 0 : i32
        %add3A_454 = arith.addi %mul3A_452, %add3A_453 : i32
        %get3A_455 = arith.index_cast %add3A_454 : i32 to index
        %get3A_456 = tpu.vector_load %arg7[%get3A_455] {strides = array<i32>} : memref<10000xi32, #tpu.memory_space<vmem>>, vector<16xi32>,
        %swap3A_457 = arith.constant 0 : index
        %swap3A_458 = tpu.vector_load %arg10[%swap3A_457] {strides = array<i32>} : memref<112xi32, #tpu.memory_space<vmem>>, vector<16xi32>,
        %swap3A_459 = vector.shape_cast %swap3A_458 : vector<16xi32> to vector<16xi32>
        %swap3A_460 = vector.shape_cast %get3A_456 : vector<16xi32> to vector<16xi32>
        tpu.vector_store %arg10[%swap3A_457], %swap3A_460 {strides = array<i32>} : memref<112xi32, #tpu.memory_space<vmem>>, vector<16xi32>,
        %mul3A_461 = arith.constant 112 : i32
        %mul3A_462 = arith.muli %add3A_440, %mul3A_461 : i32
        %add3A_463 = arith.constant 16 : i32
        %add3A_464 = arith.addi %mul3A_462, %add3A_463 : i32
        %get3A_465 = arith.index_cast %add3A_464 : i32 to index
        %get3A_466 = tpu.vector_load %arg6[%get3A_465] {strides = array<i32>} : memref<10000xi32, #tpu.memory_space<vmem>>, vector<16xi32>,
        %swap3A_467 = arith.constant 16 : index
        %swap3A_468 = tpu.vector_load %arg8[%swap3A_467] {strides = array<i32>} : memref<112xi32, #tpu.memory_space<vmem>>, vector<16xi32>,
        %swap3A_469 = vector.shape_cast %swap3A_468 : vector<16xi32> to vector<16xi32>
        %swap3A_470 = vector.shape_cast %get3A_466 : vector<16xi32> to vector<16xi32>
        tpu.vector_store %arg8[%swap3A_467], %swap3A_470 {strides = array<i32>} : memref<112xi32, #tpu.memory_space<vmem>>, vector<16xi32>,
        %mul3A_471 = arith.constant 112 : i32
        %mul3A_472 = arith.muli %add3A_440, %mul3A_471 : i32
        %add3A_473 = arith.constant 16 : i32
        %add3A_474 = arith.addi %mul3A_472, %add3A_473 : i32
        %get3A_475 = arith.index_cast %add3A_474 : i32 to index
        %get3A_476 = tpu.vector_load %arg7[%get3A_475] {strides = array<i32>} : memref<10000xi32, #tpu.memory_space<vmem>>, vector<16xi32>,
        %swap3A_477 = arith.constant 16 : index
        %swap3A_478 = tpu.vector_load %arg10[%swap3A_477] {strides = array<i32>} : memref<112xi32, #tpu.memory_space<vmem>>, vector<16xi32>,
        %swap3A_479 = vector.shape_cast %swap3A_478 : vector<16xi32> to vector<16xi32>
        %swap3A_480 = vector.shape_cast %get3A_476 : vector<16xi32> to vector<16xi32>
        tpu.vector_store %arg10[%swap3A_477], %swap3A_480 {strides = array<i32>} : memref<112xi32, #tpu.memory_space<vmem>>, vector<16xi32>,
        %mul3A_481 = arith.constant 112 : i32
        %mul3A_482 = arith.muli %add3A_440, %mul3A_481 : i32
        %add3A_483 = arith.constant 32 : i32
        %add3A_484 = arith.addi %mul3A_482, %add3A_483 : i32
        %get3A_485 = arith.index_cast %add3A_484 : i32 to index
        %get3A_486 = tpu.vector_load %arg6[%get3A_485] {strides = array<i32>} : memref<10000xi32, #tpu.memory_space<vmem>>, vector<16xi32>,
        %swap3A_487 = arith.constant 32 : index
        %swap3A_488 = tpu.vector_load %arg8[%swap3A_487] {strides = array<i32>} : memref<112xi32, #tpu.memory_space<vmem>>, vector<16xi32>,
        %swap3A_489 = vector.shape_cast %swap3A_488 : vector<16xi32> to vector<16xi32>
        %swap3A_490 = vector.shape_cast %get3A_486 : vector<16xi32> to vector<16xi32>
        tpu.vector_store %arg8[%swap3A_487], %swap3A_490 {strides = array<i32>} : memref<112xi32, #tpu.memory_space<vmem>>, vector<16xi32>,
        %mul3A_491 = arith.constant 112 : i32
        %mul3A_492 = arith.muli %add3A_440, %mul3A_491 : i32
        %add3A_493 = arith.constant 32 : i32
        %add3A_494 = arith.addi %mul3A_492, %add3A_493 : i32
        %get3A_495 = arith.index_cast %add3A_494 : i32 to index
        %get3A_496 = tpu.vector_load %arg7[%get3A_495] {strides = array<i32>} : memref<10000xi32, #tpu.memory_space<vmem>>, vector<16xi32>,
        %swap3A_497 = arith.constant 32 : index
        %swap3A_498 = tpu.vector_load %arg10[%swap3A_497] {strides = array<i32>} : memref<112xi32, #tpu.memory_space<vmem>>, vector<16xi32>,
        %swap3A_499 = vector.shape_cast %swap3A_498 : vector<16xi32> to vector<16xi32>
        %swap3A_500 = vector.shape_cast %get3A_496 : vector<16xi32> to vector<16xi32>
        tpu.vector_store %arg10[%swap3A_497], %swap3A_500 {strides = array<i32>} : memref<112xi32, #tpu.memory_space<vmem>>, vector<16xi32>,
        %mul3A_501 = arith.constant 112 : i32
        %mul3A_502 = arith.muli %add3A_440, %mul3A_501 : i32
        %add3A_503 = arith.constant 48 : i32
        %add3A_504 = arith.addi %mul3A_502, %add3A_503 : i32
        %get3A_505 = arith.index_cast %add3A_504 : i32 to index
        %get3A_506 = tpu.vector_load %arg6[%get3A_505] {strides = array<i32>} : memref<10000xi32, #tpu.memory_space<vmem>>, vector<16xi32>,
        %swap3A_507 = arith.constant 48 : index
        %swap3A_508 = tpu.vector_load %arg8[%swap3A_507] {strides = array<i32>} : memref<112xi32, #tpu.memory_space<vmem>>, vector<16xi32>,
        %swap3A_509 = vector.shape_cast %swap3A_508 : vector<16xi32> to vector<16xi32>
        %swap3A_510 = vector.shape_cast %get3A_506 : vector<16xi32> to vector<16xi32>
        tpu.vector_store %arg8[%swap3A_507], %swap3A_510 {strides = array<i32>} : memref<112xi32, #tpu.memory_space<vmem>>, vector<16xi32>,
        %mul3A_511 = arith.constant 112 : i32
        %mul3A_512 = arith.muli %add3A_440, %mul3A_511 : i32
        %add3A_513 = arith.constant 48 : i32
        %add3A_514 = arith.addi %mul3A_512, %add3A_513 : i32
        %get3A_515 = arith.index_cast %add3A_514 : i32 to index
        %get3A_516 = tpu.vector_load %arg7[%get3A_515] {strides = array<i32>} : memref<10000xi32, #tpu.memory_space<vmem>>, vector<16xi32>,
        %swap3A_517 = arith.constant 48 : index
        %swap3A_518 = tpu.vector_load %arg10[%swap3A_517] {strides = array<i32>} : memref<112xi32, #tpu.memory_space<vmem>>, vector<16xi32>,
        %swap3A_519 = vector.shape_cast %swap3A_518 : vector<16xi32> to vector<16xi32>
        %swap3A_520 = vector.shape_cast %get3A_516 : vector<16xi32> to vector<16xi32>
        tpu.vector_store %arg10[%swap3A_517], %swap3A_520 {strides = array<i32>} : memref<112xi32, #tpu.memory_space<vmem>>, vector<16xi32>,
        %mul3A_521 = arith.constant 112 : i32
        %mul3A_522 = arith.muli %add3A_440, %mul3A_521 : i32
        %add3A_523 = arith.constant 64 : i32
        %add3A_524 = arith.addi %mul3A_522, %add3A_523 : i32
        %get3A_525 = arith.index_cast %add3A_524 : i32 to index
        %get3A_526 = tpu.vector_load %arg6[%get3A_525] {strides = array<i32>} : memref<10000xi32, #tpu.memory_space<vmem>>, vector<16xi32>,
        %swap3A_527 = arith.constant 64 : index
        %swap3A_528 = tpu.vector_load %arg8[%swap3A_527] {strides = array<i32>} : memref<112xi32, #tpu.memory_space<vmem>>, vector<16xi32>,
        %swap3A_529 = vector.shape_cast %swap3A_528 : vector<16xi32> to vector<16xi32>
        %swap3A_530 = vector.shape_cast %get3A_526 : vector<16xi32> to vector<16xi32>
        tpu.vector_store %arg8[%swap3A_527], %swap3A_530 {strides = array<i32>} : memref<112xi32, #tpu.memory_space<vmem>>, vector<16xi32>,
        %mul3A_531 = arith.constant 112 : i32
        %mul3A_532 = arith.muli %add3A_440, %mul3A_531 : i32
        %add3A_533 = arith.constant 64 : i32
        %add3A_534 = arith.addi %mul3A_532, %add3A_533 : i32
        %get3A_535 = arith.index_cast %add3A_534 : i32 to index
        %get3A_536 = tpu.vector_load %arg7[%get3A_535] {strides = array<i32>} : memref<10000xi32, #tpu.memory_space<vmem>>, vector<16xi32>,
        %swap3A_537 = arith.constant 64 : index
        %swap3A_538 = tpu.vector_load %arg10[%swap3A_537] {strides = array<i32>} : memref<112xi32, #tpu.memory_space<vmem>>, vector<16xi32>,
        %swap3A_539 = vector.shape_cast %swap3A_538 : vector<16xi32> to vector<16xi32>
        %swap3A_540 = vector.shape_cast %get3A_536 : vector<16xi32> to vector<16xi32>
        tpu.vector_store %arg10[%swap3A_537], %swap3A_540 {strides = array<i32>} : memref<112xi32, #tpu.memory_space<vmem>>, vector<16xi32>,
        %mul3A_541 = arith.constant 112 : i32
        %mul3A_542 = arith.muli %add3A_440, %mul3A_541 : i32
        %add3A_543 = arith.constant 80 : i32
        %add3A_544 = arith.addi %mul3A_542, %add3A_543 : i32
        %get3A_545 = arith.index_cast %add3A_544 : i32 to index
        %get3A_546 = tpu.vector_load %arg6[%get3A_545] {strides = array<i32>} : memref<10000xi32, #tpu.memory_space<vmem>>, vector<16xi32>,
        %swap3A_547 = arith.constant 80 : index
        %swap3A_548 = tpu.vector_load %arg8[%swap3A_547] {strides = array<i32>} : memref<112xi32, #tpu.memory_space<vmem>>, vector<16xi32>,
        %swap3A_549 = vector.shape_cast %swap3A_548 : vector<16xi32> to vector<16xi32>
        %swap3A_550 = vector.shape_cast %get3A_546 : vector<16xi32> to vector<16xi32>
        tpu.vector_store %arg8[%swap3A_547], %swap3A_550 {strides = array<i32>} : memref<112xi32, #tpu.memory_space<vmem>>, vector<16xi32>,
        %mul3A_551 = arith.constant 112 : i32
        %mul3A_552 = arith.muli %add3A_440, %mul3A_551 : i32
        %add3A_553 = arith.constant 80 : i32
        %add3A_554 = arith.addi %mul3A_552, %add3A_553 : i32
        %get3A_555 = arith.index_cast %add3A_554 : i32 to index
        %get3A_556 = tpu.vector_load %arg7[%get3A_555] {strides = array<i32>} : memref<10000xi32, #tpu.memory_space<vmem>>, vector<16xi32>,
        %swap3A_557 = arith.constant 80 : index
        %swap3A_558 = tpu.vector_load %arg10[%swap3A_557] {strides = array<i32>} : memref<112xi32, #tpu.memory_space<vmem>>, vector<16xi32>,
        %swap3A_559 = vector.shape_cast %swap3A_558 : vector<16xi32> to vector<16xi32>
        %swap3A_560 = vector.shape_cast %get3A_556 : vector<16xi32> to vector<16xi32>
        tpu.vector_store %arg10[%swap3A_557], %swap3A_560 {strides = array<i32>} : memref<112xi32, #tpu.memory_space<vmem>>, vector<16xi32>,
        %mul3A_561 = arith.constant 112 : i32
        %mul3A_562 = arith.muli %add3A_440, %mul3A_561 : i32
        %add3A_563 = arith.constant 96 : i32
        %add3A_564 = arith.addi %mul3A_562, %add3A_563 : i32
        %get3A_565 = arith.index_cast %add3A_564 : i32 to index
        %get3A_566 = tpu.vector_load %arg6[%get3A_565] {strides = array<i32>} : memref<10000xi32, #tpu.memory_space<vmem>>, vector<16xi32>,
        %swap3A_567 = arith.constant 96 : index
        %swap3A_568 = tpu.vector_load %arg8[%swap3A_567] {strides = array<i32>} : memref<112xi32, #tpu.memory_space<vmem>>, vector<16xi32>,
        %swap3A_569 = vector.shape_cast %swap3A_568 : vector<16xi32> to vector<16xi32>
        %swap3A_570 = vector.shape_cast %get3A_566 : vector<16xi32> to vector<16xi32>
        tpu.vector_store %arg8[%swap3A_567], %swap3A_570 {strides = array<i32>} : memref<112xi32, #tpu.memory_space<vmem>>, vector<16xi32>,
        %mul3A_571 = arith.constant 112 : i32
        %mul3A_572 = arith.muli %add3A_440, %mul3A_571 : i32
        %add3A_573 = arith.constant 96 : i32
        %add3A_574 = arith.addi %mul3A_572, %add3A_573 : i32
        %get3A_575 = arith.index_cast %add3A_574 : i32 to index
        %get3A_576 = tpu.vector_load %arg7[%get3A_575] {strides = array<i32>} : memref<10000xi32, #tpu.memory_space<vmem>>, vector<16xi32>,
        %swap3A_577 = arith.constant 96 : index
        %swap3A_578 = tpu.vector_load %arg10[%swap3A_577] {strides = array<i32>} : memref<112xi32, #tpu.memory_space<vmem>>, vector<16xi32>,
        %swap3A_579 = vector.shape_cast %swap3A_578 : vector<16xi32> to vector<16xi32>
        %swap3A_580 = vector.shape_cast %get3A_576 : vector<16xi32> to vector<16xi32>
        tpu.vector_store %arg10[%swap3A_577], %swap3A_580 {strides = array<i32>} : memref<112xi32, #tpu.memory_space<vmem>>, vector<16xi32>,
        %dma_start3A_581 = arith.constant 0 : i32
        %dma_start3A_582 = arith.constant 0 : i32
        %dma_start3A_583 = tpu.memref_slice %arg2[%dma_start3A_581, %dma_start3A_582] : memref<10000x128xf32, #tpu.memory_space<hbm>> -> memref<10000x128xf32, #tpu.memory_space<hbm>>
        tpu.enqueue_indirect_dma source(%dma_start3A_583 : memref<10000x128xf32, #tpu.memory_space<hbm>>) target(%arg14 : memref<112x128xf32, #tpu.memory_space<vmem>>) offsets(%arg8 : memref<112xi32, #tpu.memory_space<vmem>>) semaphore(%arg17 : memref<!tpu.dma_semaphore, #tpu.memory_space<semaphore_mem>>)
      } else {
      }
      %mul3A_419 = arith.constant 2 : i32
      %mul3A_420 = arith.muli %scan3A_401, %mul3A_419 : i32
      %add3A_421 = arith.constant 1 : i32
      %add3A_422 = arith.addi %mul3A_420, %add3A_421 : i32
      %dma_wait3A_423 = arith.constant 0 : i32
      %dma_wait3A_424 = arith.constant 0 : i32
      %dma_wait3A_425 = tpu.memref_slice %arg2[%dma_wait3A_423, %dma_wait3A_424] : memref<10000x128xf32, #tpu.memory_space<hbm>> -> memref<10000x128xf32, #tpu.memory_space<hbm>>
      tpu.wait_indirect_dma semaphore(%arg18 : memref<!tpu.dma_semaphore, #tpu.memory_space<semaphore_mem>>) src(%dma_wait3A_425 : memref<10000x128xf32, #tpu.memory_space<hbm>>) dst(%arg15 : memref<112x128xf32, #tpu.memory_space<vmem>>)
      %dma_start3A_426 = arith.constant 0 : i32
      %dma_start3A_427 = arith.constant 0 : i32
      %dma_start3A_428 = tpu.memref_slice %arg16[%dma_start3A_426, %dma_start3A_427] : memref<10112x128xf32, #tpu.memory_space<vmem_shared>> -> memref<10112x128xf32, #tpu.memory_space<vmem_shared>>
      tpu.enqueue_indirect_dma source(%arg15 : memref<112x128xf32, #tpu.memory_space<vmem>>) target(%dma_start3A_428 : memref<10112x128xf32, #tpu.memory_space<vmem_shared>>) offsets(%arg11 : memref<112xi32, #tpu.memory_space<vmem>>) semaphore(%arg20 : memref<!tpu.dma_semaphore, #tpu.memory_space<semaphore_mem>>) {add = true}
      %dma_wait3A_429 = arith.constant 0 : i32
      %dma_wait3A_430 = arith.constant 0 : i32
      %dma_wait3A_431 = tpu.memref_slice %arg16[%dma_wait3A_429, %dma_wait3A_430] : memref<10112x128xf32, #tpu.memory_space<vmem_shared>> -> memref<10112x128xf32, #tpu.memory_space<vmem_shared>>
      tpu.wait_indirect_dma semaphore(%arg20 : memref<!tpu.dma_semaphore, #tpu.memory_space<semaphore_mem>>) src(%arg15 : memref<112x128xf32, #tpu.memory_space<vmem>>) dst(%dma_wait3A_431 : memref<10112x128xf32, #tpu.memory_space<vmem_shared>>)
      %add3A_432 = arith.constant 2 : i32
      %add3A_433 = arith.addi %add3A_422, %add3A_432 : i32
      %lt3A_434 = arith.constant 89 : i32
      %lt3A_435 = arith.cmpi slt, %add3A_433, %lt3A_434 : i32
      %convert_element_type3A_436 = arith.extui %lt3A_435 : i1 to i32
      %cond3A_437 = arith.constant 0 : i32
      %cond3A_438 = arith.cmpi ne, %convert_element_type3A_436, %cond3A_437 : i32
      scf.if %cond3A_438 {
        %add3A_439 = arith.constant 2 : i32
        %add3A_440 = arith.addi %add3A_422, %add3A_439 : i32
        %mul3A_441 = arith.constant 112 : i32
        %mul3A_442 = arith.muli %add3A_440, %mul3A_441 : i32
        %add3A_443 = arith.constant 0 : i32
        %add3A_444 = arith.addi %mul3A_442, %add3A_443 : i32
        %get3A_445 = arith.index_cast %add3A_444 : i32 to index
        %get3A_446 = tpu.vector_load %arg6[%get3A_445] {strides = array<i32>} : memref<10000xi32, #tpu.memory_space<vmem>>, vector<16xi32>,
        %swap3A_447 = arith.constant 0 : index
        %swap3A_448 = tpu.vector_load %arg9[%swap3A_447] {strides = array<i32>} : memref<112xi32, #tpu.memory_space<vmem>>, vector<16xi32>,
        %swap3A_449 = vector.shape_cast %swap3A_448 : vector<16xi32> to vector<16xi32>
        %swap3A_450 = vector.shape_cast %get3A_446 : vector<16xi32> to vector<16xi32>
        tpu.vector_store %arg9[%swap3A_447], %swap3A_450 {strides = array<i32>} : memref<112xi32, #tpu.memory_space<vmem>>, vector<16xi32>,
        %mul3A_451 = arith.constant 112 : i32
        %mul3A_452 = arith.muli %add3A_440, %mul3A_451 : i32
        %add3A_453 = arith.constant 0 : i32
        %add3A_454 = arith.addi %mul3A_452, %add3A_453 : i32
        %get3A_455 = arith.index_cast %add3A_454 : i32 to index
        %get3A_456 = tpu.vector_load %arg7[%get3A_455] {strides = array<i32>} : memref<10000xi32, #tpu.memory_space<vmem>>, vector<16xi32>,
        %swap3A_457 = arith.constant 0 : index
        %swap3A_458 = tpu.vector_load %arg11[%swap3A_457] {strides = array<i32>} : memref<112xi32, #tpu.memory_space<vmem>>, vector<16xi32>,
        %swap3A_459 = vector.shape_cast %swap3A_458 : vector<16xi32> to vector<16xi32>
        %swap3A_460 = vector.shape_cast %get3A_456 : vector<16xi32> to vector<16xi32>
        tpu.vector_store %arg11[%swap3A_457], %swap3A_460 {strides = array<i32>} : memref<112xi32, #tpu.memory_space<vmem>>, vector<16xi32>,
        %mul3A_461 = arith.constant 112 : i32
        %mul3A_462 = arith.muli %add3A_440, %mul3A_461 : i32
        %add3A_463 = arith.constant 16 : i32
        %add3A_464 = arith.addi %mul3A_462, %add3A_463 : i32
        %get3A_465 = arith.index_cast %add3A_464 : i32 to index
        %get3A_466 = tpu.vector_load %arg6[%get3A_465] {strides = array<i32>} : memref<10000xi32, #tpu.memory_space<vmem>>, vector<16xi32>,
        %swap3A_467 = arith.constant 16 : index
        %swap3A_468 = tpu.vector_load %arg9[%swap3A_467] {strides = array<i32>} : memref<112xi32, #tpu.memory_space<vmem>>, vector<16xi32>,
        %swap3A_469 = vector.shape_cast %swap3A_468 : vector<16xi32> to vector<16xi32>
        %swap3A_470 = vector.shape_cast %get3A_466 : vector<16xi32> to vector<16xi32>
        tpu.vector_store %arg9[%swap3A_467], %swap3A_470 {strides = array<i32>} : memref<112xi32, #tpu.memory_space<vmem>>, vector<16xi32>,
        %mul3A_471 = arith.constant 112 : i32
        %mul3A_472 = arith.muli %add3A_440, %mul3A_471 : i32
        %add3A_473 = arith.constant 16 : i32
        %add3A_474 = arith.addi %mul3A_472, %add3A_473 : i32
        %get3A_475 = arith.index_cast %add3A_474 : i32 to index
        %get3A_476 = tpu.vector_load %arg7[%get3A_475] {strides = array<i32>} : memref<10000xi32, #tpu.memory_space<vmem>>, vector<16xi32>,
        %swap3A_477 = arith.constant 16 : index
        %swap3A_478 = tpu.vector_load %arg11[%swap3A_477] {strides = array<i32>} : memref<112xi32, #tpu.memory_space<vmem>>, vector<16xi32>,
        %swap3A_479 = vector.shape_cast %swap3A_478 : vector<16xi32> to vector<16xi32>
        %swap3A_480 = vector.shape_cast %get3A_476 : vector<16xi32> to vector<16xi32>
        tpu.vector_store %arg11[%swap3A_477], %swap3A_480 {strides = array<i32>} : memref<112xi32, #tpu.memory_space<vmem>>, vector<16xi32>,
        %mul3A_481 = arith.constant 112 : i32
        %mul3A_482 = arith.muli %add3A_440, %mul3A_481 : i32
        %add3A_483 = arith.constant 32 : i32
        %add3A_484 = arith.addi %mul3A_482, %add3A_483 : i32
        %get3A_485 = arith.index_cast %add3A_484 : i32 to index
        %get3A_486 = tpu.vector_load %arg6[%get3A_485] {strides = array<i32>} : memref<10000xi32, #tpu.memory_space<vmem>>, vector<16xi32>,
        %swap3A_487 = arith.constant 32 : index
        %swap3A_488 = tpu.vector_load %arg9[%swap3A_487] {strides = array<i32>} : memref<112xi32, #tpu.memory_space<vmem>>, vector<16xi32>,
        %swap3A_489 = vector.shape_cast %swap3A_488 : vector<16xi32> to vector<16xi32>
        %swap3A_490 = vector.shape_cast %get3A_486 : vector<16xi32> to vector<16xi32>
        tpu.vector_store %arg9[%swap3A_487], %swap3A_490 {strides = array<i32>} : memref<112xi32, #tpu.memory_space<vmem>>, vector<16xi32>,
        %mul3A_491 = arith.constant 112 : i32
        %mul3A_492 = arith.muli %add3A_440, %mul3A_491 : i32
        %add3A_493 = arith.constant 32 : i32
        %add3A_494 = arith.addi %mul3A_492, %add3A_493 : i32
        %get3A_495 = arith.index_cast %add3A_494 : i32 to index
        %get3A_496 = tpu.vector_load %arg7[%get3A_495] {strides = array<i32>} : memref<10000xi32, #tpu.memory_space<vmem>>, vector<16xi32>,
        %swap3A_497 = arith.constant 32 : index
        %swap3A_498 = tpu.vector_load %arg11[%swap3A_497] {strides = array<i32>} : memref<112xi32, #tpu.memory_space<vmem>>, vector<16xi32>,
        %swap3A_499 = vector.shape_cast %swap3A_498 : vector<16xi32> to vector<16xi32>
        %swap3A_500 = vector.shape_cast %get3A_496 : vector<16xi32> to vector<16xi32>
        tpu.vector_store %arg11[%swap3A_497], %swap3A_500 {strides = array<i32>} : memref<112xi32, #tpu.memory_space<vmem>>, vector<16xi32>,
        %mul3A_501 = arith.constant 112 : i32
        %mul3A_502 = arith.muli %add3A_440, %mul3A_501 : i32
        %add3A_503 = arith.constant 48 : i32
        %add3A_504 = arith.addi %mul3A_502, %add3A_503 : i32
        %get3A_505 = arith.index_cast %add3A_504 : i32 to index
        %get3A_506 = tpu.vector_load %arg6[%get3A_505] {strides = array<i32>} : memref<10000xi32, #tpu.memory_space<vmem>>, vector<16xi32>,
        %swap3A_507 = arith.constant 48 : index
        %swap3A_508 = tpu.vector_load %arg9[%swap3A_507] {strides = array<i32>} : memref<112xi32, #tpu.memory_space<vmem>>, vector<16xi32>,
        %swap3A_509 = vector.shape_cast %swap3A_508 : vector<16xi32> to vector<16xi32>
        %swap3A_510 = vector.shape_cast %get3A_506 : vector<16xi32> to vector<16xi32>
        tpu.vector_store %arg9[%swap3A_507], %swap3A_510 {strides = array<i32>} : memref<112xi32, #tpu.memory_space<vmem>>, vector<16xi32>,
        %mul3A_511 = arith.constant 112 : i32
        %mul3A_512 = arith.muli %add3A_440, %mul3A_511 : i32
        %add3A_513 = arith.constant 48 : i32
        %add3A_514 = arith.addi %mul3A_512, %add3A_513 : i32
        %get3A_515 = arith.index_cast %add3A_514 : i32 to index
        %get3A_516 = tpu.vector_load %arg7[%get3A_515] {strides = array<i32>} : memref<10000xi32, #tpu.memory_space<vmem>>, vector<16xi32>,
        %swap3A_517 = arith.constant 48 : index
        %swap3A_518 = tpu.vector_load %arg11[%swap3A_517] {strides = array<i32>} : memref<112xi32, #tpu.memory_space<vmem>>, vector<16xi32>,
        %swap3A_519 = vector.shape_cast %swap3A_518 : vector<16xi32> to vector<16xi32>
        %swap3A_520 = vector.shape_cast %get3A_516 : vector<16xi32> to vector<16xi32>
        tpu.vector_store %arg11[%swap3A_517], %swap3A_520 {strides = array<i32>} : memref<112xi32, #tpu.memory_space<vmem>>, vector<16xi32>,
        %mul3A_521 = arith.constant 112 : i32
        %mul3A_522 = arith.muli %add3A_440, %mul3A_521 : i32
        %add3A_523 = arith.constant 64 : i32
        %add3A_524 = arith.addi %mul3A_522, %add3A_523 : i32
        %get3A_525 = arith.index_cast %add3A_524 : i32 to index
        %get3A_526 = tpu.vector_load %arg6[%get3A_525] {strides = array<i32>} : memref<10000xi32, #tpu.memory_space<vmem>>, vector<16xi32>,
        %swap3A_527 = arith.constant 64 : index
        %swap3A_528 = tpu.vector_load %arg9[%swap3A_527] {strides = array<i32>} : memref<112xi32, #tpu.memory_space<vmem>>, vector<16xi32>,
        %swap3A_529 = vector.shape_cast %swap3A_528 : vector<16xi32> to vector<16xi32>
        %swap3A_530 = vector.shape_cast %get3A_526 : vector<16xi32> to vector<16xi32>
        tpu.vector_store %arg9[%swap3A_527], %swap3A_530 {strides = array<i32>} : memref<112xi32, #tpu.memory_space<vmem>>, vector<16xi32>,
        %mul3A_531 = arith.constant 112 : i32
        %mul3A_532 = arith.muli %add3A_440, %mul3A_531 : i32
        %add3A_533 = arith.constant 64 : i32
        %add3A_534 = arith.addi %mul3A_532, %add3A_533 : i32
        %get3A_535 = arith.index_cast %add3A_534 : i32 to index
        %get3A_536 = tpu.vector_load %arg7[%get3A_535] {strides = array<i32>} : memref<10000xi32, #tpu.memory_space<vmem>>, vector<16xi32>,
        %swap3A_537 = arith.constant 64 : index
        %swap3A_538 = tpu.vector_load %arg11[%swap3A_537] {strides = array<i32>} : memref<112xi32, #tpu.memory_space<vmem>>, vector<16xi32>,
        %swap3A_539 = vector.shape_cast %swap3A_538 : vector<16xi32> to vector<16xi32>
        %swap3A_540 = vector.shape_cast %get3A_536 : vector<16xi32> to vector<16xi32>
        tpu.vector_store %arg11[%swap3A_537], %swap3A_540 {strides = array<i32>} : memref<112xi32, #tpu.memory_space<vmem>>, vector<16xi32>,
        %mul3A_541 = arith.constant 112 : i32
        %mul3A_542 = arith.muli %add3A_440, %mul3A_541 : i32
        %add3A_543 = arith.constant 80 : i32
        %add3A_544 = arith.addi %mul3A_542, %add3A_543 : i32
        %get3A_545 = arith.index_cast %add3A_544 : i32 to index
        %get3A_546 = tpu.vector_load %arg6[%get3A_545] {strides = array<i32>} : memref<10000xi32, #tpu.memory_space<vmem>>, vector<16xi32>,
        %swap3A_547 = arith.constant 80 : index
        %swap3A_548 = tpu.vector_load %arg9[%swap3A_547] {strides = array<i32>} : memref<112xi32, #tpu.memory_space<vmem>>, vector<16xi32>,
        %swap3A_549 = vector.shape_cast %swap3A_548 : vector<16xi32> to vector<16xi32>
        %swap3A_550 = vector.shape_cast %get3A_546 : vector<16xi32> to vector<16xi32>
        tpu.vector_store %arg9[%swap3A_547], %swap3A_550 {strides = array<i32>} : memref<112xi32, #tpu.memory_space<vmem>>, vector<16xi32>,
        %mul3A_551 = arith.constant 112 : i32
        %mul3A_552 = arith.muli %add3A_440, %mul3A_551 : i32
        %add3A_553 = arith.constant 80 : i32
        %add3A_554 = arith.addi %mul3A_552, %add3A_553 : i32
        %get3A_555 = arith.index_cast %add3A_554 : i32 to index
        %get3A_556 = tpu.vector_load %arg7[%get3A_555] {strides = array<i32>} : memref<10000xi32, #tpu.memory_space<vmem>>, vector<16xi32>,
        %swap3A_557 = arith.constant 80 : index
        %swap3A_558 = tpu.vector_load %arg11[%swap3A_557] {strides = array<i32>} : memref<112xi32, #tpu.memory_space<vmem>>, vector<16xi32>,
        %swap3A_559 = vector.shape_cast %swap3A_558 : vector<16xi32> to vector<16xi32>
        %swap3A_560 = vector.shape_cast %get3A_556 : vector<16xi32> to vector<16xi32>
        tpu.vector_store %arg11[%swap3A_557], %swap3A_560 {strides = array<i32>} : memref<112xi32, #tpu.memory_space<vmem>>, vector<16xi32>,
        %mul3A_561 = arith.constant 112 : i32
        %mul3A_562 = arith.muli %add3A_440, %mul3A_561 : i32
        %add3A_563 = arith.constant 96 : i32
        %add3A_564 = arith.addi %mul3A_562, %add3A_563 : i32
        %get3A_565 = arith.index_cast %add3A_564 : i32 to index
        %get3A_566 = tpu.vector_load %arg6[%get3A_565] {strides = array<i32>} : memref<10000xi32, #tpu.memory_space<vmem>>, vector<16xi32>,
        %swap3A_567 = arith.constant 96 : index
        %swap3A_568 = tpu.vector_load %arg9[%swap3A_567] {strides = array<i32>} : memref<112xi32, #tpu.memory_space<vmem>>, vector<16xi32>,
        %swap3A_569 = vector.shape_cast %swap3A_568 : vector<16xi32> to vector<16xi32>
        %swap3A_570 = vector.shape_cast %get3A_566 : vector<16xi32> to vector<16xi32>
        tpu.vector_store %arg9[%swap3A_567], %swap3A_570 {strides = array<i32>} : memref<112xi32, #tpu.memory_space<vmem>>, vector<16xi32>,
        %mul3A_571 = arith.constant 112 : i32
        %mul3A_572 = arith.muli %add3A_440, %mul3A_571 : i32
        %add3A_573 = arith.constant 96 : i32
        %add3A_574 = arith.addi %mul3A_572, %add3A_573 : i32
        %get3A_575 = arith.index_cast %add3A_574 : i32 to index
        %get3A_576 = tpu.vector_load %arg7[%get3A_575] {strides = array<i32>} : memref<10000xi32, #tpu.memory_space<vmem>>, vector<16xi32>,
        %swap3A_577 = arith.constant 96 : index
        %swap3A_578 = tpu.vector_load %arg11[%swap3A_577] {strides = array<i32>} : memref<112xi32, #tpu.memory_space<vmem>>, vector<16xi32>,
        %swap3A_579 = vector.shape_cast %swap3A_578 : vector<16xi32> to vector<16xi32>
        %swap3A_580 = vector.shape_cast %get3A_576 : vector<16xi32> to vector<16xi32>
        tpu.vector_store %arg11[%swap3A_577], %swap3A_580 {strides = array<i32>} : memref<112xi32, #tpu.memory_space<vmem>>, vector<16xi32>,
        %dma_start3A_581 = arith.constant 0 : i32
        %dma_start3A_582 = arith.constant 0 : i32
        %dma_start3A_583 = tpu.memref_slice %arg2[%dma_start3A_581, %dma_start3A_582] : memref<10000x128xf32, #tpu.memory_space<hbm>> -> memref<10000x128xf32, #tpu.memory_space<hbm>>
        tpu.enqueue_indirect_dma source(%dma_start3A_583 : memref<10000x128xf32, #tpu.memory_space<hbm>>) target(%arg15 : memref<112x128xf32, #tpu.memory_space<vmem>>) offsets(%arg9 : memref<112xi32, #tpu.memory_space<vmem>>) semaphore(%arg18 : memref<!tpu.dma_semaphore, #tpu.memory_space<semaphore_mem>>)
      } else {
      }
    }
    %scan3A_334 = arith.constant 44 : i32
    %dma_wait3A_335 = arith.constant 0 : i32
    %dma_wait3A_336 = arith.constant 0 : i32
    %dma_wait3A_337 = tpu.memref_slice %arg2[%dma_wait3A_335, %dma_wait3A_336] : memref<10000x128xf32, #tpu.memory_space<hbm>> -> memref<10000x128xf32, #tpu.memory_space<hbm>>
    tpu.wait_indirect_dma semaphore(%arg17 : memref<!tpu.dma_semaphore, #tpu.memory_space<semaphore_mem>>) src(%dma_wait3A_337 : memref<10000x128xf32, #tpu.memory_space<hbm>>) dst(%arg14 : memref<112x128xf32, #tpu.memory_space<vmem>>)
    %dma_start3A_338 = arith.constant 0 : i32
    %dma_start3A_339 = arith.constant 0 : i32
    %dma_start3A_340 = tpu.memref_slice %arg16[%dma_start3A_338, %dma_start3A_339] : memref<10112x128xf32, #tpu.memory_space<vmem_shared>> -> memref<10112x128xf32, #tpu.memory_space<vmem_shared>>
    tpu.enqueue_indirect_dma source(%arg14 : memref<112x128xf32, #tpu.memory_space<vmem>>) target(%dma_start3A_340 : memref<10112x128xf32, #tpu.memory_space<vmem_shared>>) offsets(%arg10 : memref<112xi32, #tpu.memory_space<vmem>>) semaphore(%arg19 : memref<!tpu.dma_semaphore, #tpu.memory_space<semaphore_mem>>) {add = true}
    %dma_wait3A_341 = arith.constant 0 : i32
    %dma_wait3A_342 = arith.constant 0 : i32
    %dma_wait3A_343 = tpu.memref_slice %arg16[%dma_wait3A_341, %dma_wait3A_342] : memref<10112x128xf32, #tpu.memory_space<vmem_shared>> -> memref<10112x128xf32, #tpu.memory_space<vmem_shared>>
    tpu.wait_indirect_dma semaphore(%arg19 : memref<!tpu.dma_semaphore, #tpu.memory_space<semaphore_mem>>) src(%arg14 : memref<112x128xf32, #tpu.memory_space<vmem>>) dst(%dma_wait3A_343 : memref<10112x128xf32, #tpu.memory_space<vmem_shared>>)
    %get3A_344 = arith.constant 9968 : index
    %get3A_345 = tpu.vector_load %arg6[%get3A_344] {strides = array<i32>} : memref<10000xi32, #tpu.memory_space<vmem>>, vector<16xi32>,
    %get3A_346 = vector.shape_cast %get3A_345 : vector<16xi32> to vector<16xi32>
    %swap3A_347 = arith.constant 0 : index
    %swap3A_348 = tpu.vector_load %arg12[%swap3A_347] {strides = array<i32>} : memref<32xi32, #tpu.memory_space<vmem>>, vector<16xi32>,
    %swap3A_349 = vector.shape_cast %swap3A_348 : vector<16xi32> to vector<16xi32>
    %swap3A_350 = vector.shape_cast %get3A_346 : vector<16xi32> to vector<16xi32>
    tpu.vector_store %arg12[%swap3A_347], %swap3A_350 {strides = array<i32>} : memref<32xi32, #tpu.memory_space<vmem>>, vector<16xi32>,
    %get3A_351 = arith.constant 9968 : index
    %get3A_352 = tpu.vector_load %arg7[%get3A_351] {strides = array<i32>} : memref<10000xi32, #tpu.memory_space<vmem>>, vector<16xi32>,
    %get3A_353 = vector.shape_cast %get3A_352 : vector<16xi32> to vector<16xi32>
    %swap3A_354 = arith.constant 0 : index
    %swap3A_355 = tpu.vector_load %arg13[%swap3A_354] {strides = array<i32>} : memref<32xi32, #tpu.memory_space<vmem>>, vector<16xi32>,
    %swap3A_356 = vector.shape_cast %swap3A_355 : vector<16xi32> to vector<16xi32>
    %swap3A_357 = vector.shape_cast %get3A_353 : vector<16xi32> to vector<16xi32>
    tpu.vector_store %arg13[%swap3A_354], %swap3A_357 {strides = array<i32>} : memref<32xi32, #tpu.memory_space<vmem>>, vector<16xi32>,
    %get3A_358 = arith.constant 9984 : index
    %get3A_359 = tpu.vector_load %arg6[%get3A_358] {strides = array<i32>} : memref<10000xi32, #tpu.memory_space<vmem>>, vector<16xi32>,
    %get3A_360 = vector.shape_cast %get3A_359 : vector<16xi32> to vector<16xi32>
    %swap3A_361 = arith.constant 16 : index
    %swap3A_362 = tpu.vector_load %arg12[%swap3A_361] {strides = array<i32>} : memref<32xi32, #tpu.memory_space<vmem>>, vector<16xi32>,
    %swap3A_363 = vector.shape_cast %swap3A_362 : vector<16xi32> to vector<16xi32>
    %swap3A_364 = vector.shape_cast %get3A_360 : vector<16xi32> to vector<16xi32>
    tpu.vector_store %arg12[%swap3A_361], %swap3A_364 {strides = array<i32>} : memref<32xi32, #tpu.memory_space<vmem>>, vector<16xi32>,
    %get3A_365 = arith.constant 9984 : index
    %get3A_366 = tpu.vector_load %arg7[%get3A_365] {strides = array<i32>} : memref<10000xi32, #tpu.memory_space<vmem>>, vector<16xi32>,
    %get3A_367 = vector.shape_cast %get3A_366 : vector<16xi32> to vector<16xi32>
    %swap3A_368 = arith.constant 16 : index
    %swap3A_369 = tpu.vector_load %arg13[%swap3A_368] {strides = array<i32>} : memref<32xi32, #tpu.memory_space<vmem>>, vector<16xi32>,
    %swap3A_370 = vector.shape_cast %swap3A_369 : vector<16xi32> to vector<16xi32>
    %swap3A_371 = vector.shape_cast %get3A_367 : vector<16xi32> to vector<16xi32>
    tpu.vector_store %arg13[%swap3A_368], %swap3A_371 {strides = array<i32>} : memref<32xi32, #tpu.memory_space<vmem>>, vector<16xi32>,
    %dma_start3A_372 = arith.constant 0 : i32
    %dma_start3A_373 = arith.constant 0 : i32
    %dma_start3A_374 = tpu.memref_slice %arg14[%dma_start3A_372, %dma_start3A_373] : memref<112x128xf32, #tpu.memory_space<vmem>> -> memref<32x128xf32, #tpu.memory_space<vmem>>
    %dma_start3A_375 = arith.constant 0 : i32
    %dma_start3A_376 = arith.constant 0 : i32
    %dma_start3A_377 = tpu.memref_slice %arg2[%dma_start3A_375, %dma_start3A_376] : memref<10000x128xf32, #tpu.memory_space<hbm>> -> memref<10000x128xf32, #tpu.memory_space<hbm>>
    tpu.enqueue_indirect_dma source(%dma_start3A_377 : memref<10000x128xf32, #tpu.memory_space<hbm>>) target(%dma_start3A_374 : memref<32x128xf32, #tpu.memory_space<vmem>>) offsets(%arg12 : memref<32xi32, #tpu.memory_space<vmem>>) semaphore(%arg17 : memref<!tpu.dma_semaphore, #tpu.memory_space<semaphore_mem>>)
    %dma_wait3A_378 = arith.constant 0 : i32
    %dma_wait3A_379 = arith.constant 0 : i32
    %dma_wait3A_380 = tpu.memref_slice %arg14[%dma_wait3A_378, %dma_wait3A_379] : memref<112x128xf32, #tpu.memory_space<vmem>> -> memref<32x128xf32, #tpu.memory_space<vmem>>
    %dma_wait3A_381 = arith.constant 0 : i32
    %dma_wait3A_382 = arith.constant 0 : i32
    %dma_wait3A_383 = tpu.memref_slice %arg2[%dma_wait3A_381, %dma_wait3A_382] : memref<10000x128xf32, #tpu.memory_space<hbm>> -> memref<10000x128xf32, #tpu.memory_space<hbm>>
    tpu.wait_indirect_dma semaphore(%arg17 : memref<!tpu.dma_semaphore, #tpu.memory_space<semaphore_mem>>) src(%dma_wait3A_383 : memref<10000x128xf32, #tpu.memory_space<hbm>>) dst(%dma_wait3A_380 : memref<32x128xf32, #tpu.memory_space<vmem>>)
    %dma_start3A_384 = arith.constant 0 : i32
    %dma_start3A_385 = arith.constant 0 : i32
    %dma_start3A_386 = tpu.memref_slice %arg14[%dma_start3A_384, %dma_start3A_385] : memref<112x128xf32, #tpu.memory_space<vmem>> -> memref<32x128xf32, #tpu.memory_space<vmem>>
    %dma_start3A_387 = arith.constant 0 : i32
    %dma_start3A_388 = arith.constant 0 : i32
    %dma_start3A_389 = tpu.memref_slice %arg16[%dma_start3A_387, %dma_start3A_388] : memref<10112x128xf32, #tpu.memory_space<vmem_shared>> -> memref<10112x128xf32, #tpu.memory_space<vmem_shared>>
    tpu.enqueue_indirect_dma source(%dma_start3A_386 : memref<32x128xf32, #tpu.memory_space<vmem>>) target(%dma_start3A_389 : memref<10112x128xf32, #tpu.memory_space<vmem_shared>>) offsets(%arg13 : memref<32xi32, #tpu.memory_space<vmem>>) semaphore(%arg19 : memref<!tpu.dma_semaphore, #tpu.memory_space<semaphore_mem>>) {add = true}
    %dma_wait3A_390 = arith.constant 0 : i32
    %dma_wait3A_391 = arith.constant 0 : i32
    %dma_wait3A_392 = tpu.memref_slice %arg14[%dma_wait3A_390, %dma_wait3A_391] : memref<112x128xf32, #tpu.memory_space<vmem>> -> memref<32x128xf32, #tpu.memory_space<vmem>>
    %dma_wait3A_393 = arith.constant 0 : i32
    %dma_wait3A_394 = arith.constant 0 : i32
    %dma_wait3A_395 = tpu.memref_slice %arg16[%dma_wait3A_393, %dma_wait3A_394] : memref<10112x128xf32, #tpu.memory_space<vmem_shared>> -> memref<10112x128xf32, #tpu.memory_space<vmem_shared>>
    tpu.wait_indirect_dma semaphore(%arg19 : memref<!tpu.dma_semaphore, #tpu.memory_space<semaphore_mem>>) src(%dma_wait3A_392 : memref<32x128xf32, #tpu.memory_space<vmem>>) dst(%dma_wait3A_395 : memref<10112x128xf32, #tpu.memory_space<vmem_shared>>)
    %barrier3A_396 = arith.constant 0 : index
    tpu.barrier barrier_id(%barrier3A_396)
    %mul3A_397 = arith.constant 632 : i32
    %mul3A_398 = arith.muli %arg1, %mul3A_397 : i32
    %mul3A_399 = arith.constant 632 : i32
    %mul3A_400 = arith.muli %arg1, %mul3A_399 : i32
    "tpu.region"() ({
      %run_scoped3A = tpu.sem_alloc : memref<!tpu.dma_semaphore, #tpu.memory_space<semaphore_mem>>
      %dma_start3A_401 = arith.constant 0 : i32
      %dma_start3A_402 = tpu.memref_slice %arg5[%arg0, %mul3A_400, %dma_start3A_401] : memref<2x10112x128xf32, #tpu.memory_space<hbm>> -> memref<1x632x128xf32, #tpu.memory_space<hbm>>
      %dma_start3A_403 = tpu.memref_squeeze %dma_start3A_402 : memref<1x632x128xf32, #tpu.memory_space<hbm>> -> memref<632x128xf32, #tpu.memory_space<hbm>>
      %dma_start3A_404 = arith.constant 0 : i32
      %dma_start3A_405 = tpu.memref_slice %arg16[%mul3A_398, %dma_start3A_404] : memref<10112x128xf32, #tpu.memory_space<vmem_shared>> -> memref<632x128xf32, #tpu.memory_space<vmem_shared>>
      tpu.enqueue_dma source(%dma_start3A_405 : memref<632x128xf32, #tpu.memory_space<vmem_shared>>) target(%dma_start3A_403 : memref<632x128xf32, #tpu.memory_space<hbm>>) target_semaphore(%run_scoped3A : memref<!tpu.dma_semaphore, #tpu.memory_space<semaphore_mem>>)
      %dma_wait3A_406 = arith.constant 0 : i32
      %dma_wait3A_407 = tpu.memref_slice %arg5[%arg0, %mul3A_400, %dma_wait3A_406] : memref<2x10112x128xf32, #tpu.memory_space<hbm>> -> memref<1x632x128xf32, #tpu.memory_space<hbm>>
      %dma_wait3A_408 = tpu.memref_squeeze %dma_wait3A_407 : memref<1x632x128xf32, #tpu.memory_space<hbm>> -> memref<632x128xf32, #tpu.memory_space<hbm>>
      %dma_wait3A_409 = arith.constant 0 : i32
      %dma_wait3A_410 = tpu.memref_slice %arg16[%mul3A_398, %dma_wait3A_409] : memref<10112x128xf32, #tpu.memory_space<vmem_shared>> -> memref<632x128xf32, #tpu.memory_space<vmem_shared>>
      tpu.wait_dma2 semaphore(%run_scoped3A : memref<!tpu.dma_semaphore, #tpu.memory_space<semaphore_mem>>) src(%dma_wait3A_410 : memref<632x128xf32, #tpu.memory_space<vmem_shared>>) dst(%dma_wait3A_408 : memref<632x128xf32, #tpu.memory_space<hbm>>)
      tpu.yield
    }) : () -> ()
    return
  }
}

module attributes {stable_mosaic.version = 14 : i64} {
  func.func @_tc_layer_body(%arg0: i32, %arg1: memref<2x1000x128xf32, #tpu.memory_space<vmem>>, %arg2: memref<1000x32xf32, #tpu.memory_space<vmem>>, %arg3: memref<128x128xf32, #tpu.memory_space<vmem>>, %arg4: memref<1000x128xf32, #tpu.memory_space<vmem>>) attributes {dimension_semantics = [#tpu.dimension_semantics<arbitrary>], iteration_bounds = array<i64: 10>, scalar_prefetch = 0 : i64, scratch_operands = 0 : i64, tpu.core_type = #tpu.core_type<tc>, window_params = [{transform_indices = @transform_0, window_bounds = array<i64: 2, 1000, 128>}, {transform_indices = @transform_1, window_bounds = array<i64: 1000, 32>}, {pipeline_mode = #tpu.pipeline_mode<synchronous>, transform_indices = @transform_2, window_bounds = array<i64: 128, 128>}, {transform_indices = @transform_3, window_bounds = array<i64: 1000, 128>}]} {
    %get3A = arith.constant 0 : index
    %get3A_0 = arith.constant 0 : index
    %get3A_1 = arith.constant 0 : index
    %get3A_2 = vector.load %arg1[%get3A, %get3A_0, %get3A_1] : memref<2x1000x128xf32, #tpu.memory_space<vmem>>, vector<1x1000x128xf32>
    %get3A_3 = vector.shape_cast %get3A_2 : vector<1x1000x128xf32> to vector<1000x128xf32>
    %get3A_4 = arith.constant 1 : index
    %get3A_5 = arith.constant 0 : index
    %get3A_6 = arith.constant 0 : index
    %get3A_7 = vector.load %arg1[%get3A_4, %get3A_5, %get3A_6] : memref<2x1000x128xf32, #tpu.memory_space<vmem>>, vector<1x1000x128xf32>
    %get3A_8 = vector.shape_cast %get3A_7 : vector<1x1000x128xf32> to vector<1000x128xf32>
    %add3A = arith.addf %get3A_3, %get3A_8 : vector<1000x128xf32>
    %get3A_9 = arith.constant 0 : index
    %get3A_10 = arith.constant 0 : index
    %get3A_11 = vector.load %arg2[%get3A_9, %get3A_10] : memref<1000x32xf32, #tpu.memory_space<vmem>>, vector<1000x32xf32>
    %reduce_sum3A = arith.constant dense<0.000000e+00> : vector<1000xf32>
    %reduce_sum3A_12 = vector.multi_reduction <add>, %get3A_11, %reduce_sum3A [1] : vector<1000x32xf32> to vector<1000xf32>
    %broadcast_in_dim3A = vector.shape_cast %reduce_sum3A_12 : vector<1000xf32> to vector<1000x1xf32>
    %max3A = arith.constant 1.000000e+00 : f32
    %max3A_13 = vector.broadcast %max3A : f32 to vector<1000x1xf32>
    %max3A_14 = arith.maximumf %broadcast_in_dim3A, %max3A_13 : vector<1000x1xf32>
    %div3A = vector.broadcast %max3A_14 : vector<1000x1xf32> to vector<1000x128xf32>
    %div3A_15 = arith.divf %add3A, %div3A : vector<1000x128xf32>
    %get3A_16 = arith.constant 0 : index
    %get3A_17 = arith.constant 0 : index
    %get3A_18 = vector.load %arg3[%get3A_16, %get3A_17] : memref<128x128xf32, #tpu.memory_space<vmem>>, vector<128x128xf32>
    %dot_general3A = arith.constant dense<0.000000e+00> : vector<1000x128xf32>
    %dot_general3A_19 = tpu.matmul %div3A_15, %get3A_18, %dot_general3A {dimension_numbers = #tpu.dot_dimension_numbers<[1], [0], [0], [1], [0, 0, 1, 1], [], []>, transpose_lhs_hint = false} : vector<1000x128xf32>, vector<128x128xf32>, vector<1000x128xf32> -> vector<1000x128xf32>
    %max3A_20 = arith.constant 0.000000e+00 : f32
    %max3A_21 = vector.broadcast %max3A_20 : f32 to vector<1000x128xf32>
    %max3A_22 = arith.maximumf %dot_general3A_19, %max3A_21 : vector<1000x128xf32>
    %swap3A = arith.constant 0 : index
    %swap3A_23 = arith.constant 0 : index
    %swap3A_24 = vector.load %arg4[%swap3A, %swap3A_23] : memref<1000x128xf32, #tpu.memory_space<vmem>>, vector<1000x128xf32>
    tpu.vector_store %arg4[%swap3A, %swap3A_23], %max3A_22 {strides = array<i32>} : memref<1000x128xf32, #tpu.memory_space<vmem>>, vector<1000x128xf32>,
    return
  }
  func.func @transform_0(%arg0: i32) -> (i32, i32, i32) {
    %c0_i32 = arith.constant 0 : i32
    %c0_i32_0 = arith.constant 0 : i32
    %c0_i32_1 = arith.constant 0 : i32
    return %c0_i32, %arg0, %c0_i32_0 : i32, i32, i32
  }
  func.func @transform_1(%arg0: i32) -> (i32, i32) {
    %c0_i32 = arith.constant 0 : i32
    %c0_i32_0 = arith.constant 0 : i32
    return %arg0, %c0_i32 : i32, i32
  }
  func.func @transform_2(%arg0: i32) -> (i32, i32) {
    %c0_i32 = arith.constant 0 : i32
    %c0_i32_0 = arith.constant 0 : i32
    %c0_i32_1 = arith.constant 0 : i32
    return %c0_i32, %c0_i32_0 : i32, i32
  }
  func.func @transform_3(%arg0: i32) -> (i32, i32) {
    %c0_i32 = arith.constant 0 : i32
    %c0_i32_0 = arith.constant 0 : i32
    return %arg0, %c0_i32 : i32, i32
  }
}

module attributes {stable_mosaic.version = 14 : i64} {
  func.func @_tc_final_body(%arg0: i32, %arg1: i32, %arg2: memref<2x1000x128xf32, #tpu.memory_space<vmem>>, %arg3: memref<1000x32xf32, #tpu.memory_space<vmem>>, %arg4: memref<128x128xf32, #tpu.memory_space<vmem>>, %arg5: memref<1000x128xf32, #tpu.memory_space<vmem>>, %arg6: memref<10000x128xf32, #tpu.memory_space<vmem>>, %arg7: memref<8x128xf32, #tpu.memory_space<vmem>>) attributes {dimension_semantics = [#tpu.dimension_semantics<arbitrary>, #tpu.dimension_semantics<arbitrary>], iteration_bounds = array<i64: 2, 10>, scalar_prefetch = 0 : i64, scratch_operands = 2 : i64, tpu.core_type = #tpu.core_type<tc>, window_params = [{transform_indices = @transform_0, window_bounds = array<i64: 2, 1000, 128>}, {transform_indices = @transform_1, window_bounds = array<i64: 1000, 32>}, {pipeline_mode = #tpu.pipeline_mode<synchronous>, transform_indices = @transform_2, window_bounds = array<i64: 128, 128>}, {transform_indices = @transform_3, window_bounds = array<i64: 1000, 128>}]} {
    %eq3A = arith.constant 0 : i32
    %eq3A_0 = arith.cmpi eq, %arg0, %eq3A : i32
    %eq3A_1 = arith.constant 0 : i32
    %eq3A_2 = arith.cmpi eq, %arg1, %eq3A_1 : i32
    %and3A = arith.andi %eq3A_0, %eq3A_2 : i1
    %convert_element_type3A = arith.extui %and3A : i1 to i32
    %cond3A = arith.constant 0 : i32
    %cond3A_3 = arith.cmpi ne, %convert_element_type3A, %cond3A : i32
    scf.if %cond3A_3 {
      %broadcast_in_dim3A = arith.constant 0.000000e+00 : f32
      %broadcast_in_dim3A_14 = vector.broadcast %broadcast_in_dim3A : f32 to vector<8x128xf32>
      %swap3A = arith.constant 0 : index
      %swap3A_15 = arith.constant 0 : index
      %swap3A_16 = vector.load %arg7[%swap3A, %swap3A_15] : memref<8x128xf32, #tpu.memory_space<vmem>>, vector<8x128xf32>
      tpu.vector_store %arg7[%swap3A, %swap3A_15], %broadcast_in_dim3A_14 {strides = array<i32>} : memref<8x128xf32, #tpu.memory_space<vmem>>, vector<8x128xf32>,
    } else {
    }
    %eq3A_4 = arith.constant 0 : i32
    %eq3A_5 = arith.cmpi eq, %arg0, %eq3A_4 : i32
    %convert_element_type3A_6 = arith.extui %eq3A_5 : i1 to i32
    %cond3A_7 = arith.constant 0 : i32
    %cond3A_8 = arith.cmpi ne, %convert_element_type3A_6, %cond3A_7 : i32
    scf.if %cond3A_8 {
      %get3A = arith.constant 0 : index
      %get3A_14 = arith.constant 0 : index
      %get3A_15 = arith.constant 0 : index
      %get3A_16 = vector.load %arg2[%get3A, %get3A_14, %get3A_15] : memref<2x1000x128xf32, #tpu.memory_space<vmem>>, vector<1x1000x128xf32>
      %get3A_17 = vector.shape_cast %get3A_16 : vector<1x1000x128xf32> to vector<1000x128xf32>
      %get3A_18 = arith.constant 1 : index
      %get3A_19 = arith.constant 0 : index
      %get3A_20 = arith.constant 0 : index
      %get3A_21 = vector.load %arg2[%get3A_18, %get3A_19, %get3A_20] : memref<2x1000x128xf32, #tpu.memory_space<vmem>>, vector<1x1000x128xf32>
      %get3A_22 = vector.shape_cast %get3A_21 : vector<1x1000x128xf32> to vector<1000x128xf32>
      %add3A = arith.addf %get3A_17, %get3A_22 : vector<1000x128xf32>
      %get3A_23 = arith.constant 0 : index
      %get3A_24 = arith.constant 0 : index
      %get3A_25 = vector.load %arg3[%get3A_23, %get3A_24] : memref<1000x32xf32, #tpu.memory_space<vmem>>, vector<1000x32xf32>
      %reduce_sum3A = arith.constant dense<0.000000e+00> : vector<1000xf32>
      %reduce_sum3A_26 = vector.multi_reduction <add>, %get3A_25, %reduce_sum3A [1] : vector<1000x32xf32> to vector<1000xf32>
      %broadcast_in_dim3A = vector.shape_cast %reduce_sum3A_26 : vector<1000xf32> to vector<1000x1xf32>
      %max3A = arith.constant 1.000000e+00 : f32
      %max3A_27 = vector.broadcast %max3A : f32 to vector<1000x1xf32>
      %max3A_28 = arith.maximumf %broadcast_in_dim3A, %max3A_27 : vector<1000x1xf32>
      %div3A = vector.broadcast %max3A_28 : vector<1000x1xf32> to vector<1000x128xf32>
      %div3A_29 = arith.divf %add3A, %div3A : vector<1000x128xf32>
      %get3A_30 = arith.constant 0 : index
      %get3A_31 = arith.constant 0 : index
      %get3A_32 = vector.load %arg4[%get3A_30, %get3A_31] : memref<128x128xf32, #tpu.memory_space<vmem>>, vector<128x128xf32>
      %dot_general3A = arith.constant dense<0.000000e+00> : vector<1000x128xf32>
      %dot_general3A_33 = tpu.matmul %div3A_29, %get3A_32, %dot_general3A {dimension_numbers = #tpu.dot_dimension_numbers<[1], [0], [0], [1], [0, 0, 1, 1], [], []>, transpose_lhs_hint = false} : vector<1000x128xf32>, vector<128x128xf32>, vector<1000x128xf32> -> vector<1000x128xf32>
      %max3A_34 = arith.constant 0.000000e+00 : f32
      %max3A_35 = vector.broadcast %max3A_34 : f32 to vector<1000x128xf32>
      %max3A_36 = arith.maximumf %dot_general3A_33, %max3A_35 : vector<1000x128xf32>
      %mul3A = arith.constant 1000 : i32
      %mul3A_37 = arith.muli %arg1, %mul3A : i32
      %swap3A = arith.index_cast %mul3A_37 : i32 to index
      %swap3A_38 = arith.constant 0 : index
      %swap3A_39 = vector.load %arg6[%swap3A, %swap3A_38] : memref<10000x128xf32, #tpu.memory_space<vmem>>, vector<1000x128xf32>
      tpu.vector_store %arg6[%swap3A, %swap3A_38], %max3A_36 {strides = array<i32>} : memref<10000x128xf32, #tpu.memory_space<vmem>>, vector<1000x128xf32>,
      %get3A_40 = arith.constant 0 : index
      %get3A_41 = arith.constant 0 : index
      %get3A_42 = vector.load %arg7[%get3A_40, %get3A_41] : memref<8x128xf32, #tpu.memory_space<vmem>>, vector<8x128xf32>
      %reduce_sum3A_43 = arith.constant dense<0.000000e+00> : vector<128xf32>
      %reduce_sum3A_44 = vector.multi_reduction <add>, %max3A_36, %reduce_sum3A_43 [0] : vector<1000x128xf32> to vector<128xf32>
      %broadcast_in_dim3A_45 = vector.shape_cast %reduce_sum3A_44 : vector<128xf32> to vector<1x128xf32>
      %mul3A_46 = arith.mulf %max3A_36, %max3A_36 : vector<1000x128xf32>
      %reduce_sum3A_47 = arith.constant dense<0.000000e+00> : vector<128xf32>
      %reduce_sum3A_48 = vector.multi_reduction <add>, %mul3A_46, %reduce_sum3A_47 [0] : vector<1000x128xf32> to vector<128xf32>
      %broadcast_in_dim3A_49 = vector.shape_cast %reduce_sum3A_48 : vector<128xf32> to vector<1x128xf32>
      %broadcast_in_dim3A_50 = arith.constant 0.000000e+00 : f32
      %broadcast_in_dim3A_51 = vector.broadcast %broadcast_in_dim3A_50 : f32 to vector<6x128xf32>
      %concatenate3A = tpu.concatenate %broadcast_in_dim3A_45, %broadcast_in_dim3A_49, %broadcast_in_dim3A_51 in 0 : vector<1x128xf32>, vector<1x128xf32>, vector<6x128xf32> -> vector<8x128xf32>
      %add3A_52 = arith.addf %get3A_42, %concatenate3A : vector<8x128xf32>
      %swap3A_53 = arith.constant 0 : index
      %swap3A_54 = arith.constant 0 : index
      %swap3A_55 = vector.load %arg7[%swap3A_53, %swap3A_54] : memref<8x128xf32, #tpu.memory_space<vmem>>, vector<8x128xf32>
      tpu.vector_store %arg7[%swap3A_53, %swap3A_54], %add3A_52 {strides = array<i32>} : memref<8x128xf32, #tpu.memory_space<vmem>>, vector<8x128xf32>,
    } else {
    }
    %eq3A_9 = arith.constant 1 : i32
    %eq3A_10 = arith.cmpi eq, %arg0, %eq3A_9 : i32
    %convert_element_type3A_11 = arith.extui %eq3A_10 : i1 to i32
    %cond3A_12 = arith.constant 0 : i32
    %cond3A_13 = arith.cmpi ne, %convert_element_type3A_11, %cond3A_12 : i32
    scf.if %cond3A_13 {
      %get3A = arith.constant 0 : index
      %get3A_14 = arith.constant 0 : index
      %get3A_15 = vector.load %arg7[%get3A, %get3A_14] : memref<8x128xf32, #tpu.memory_space<vmem>>, vector<8x128xf32>
      %slice3A = vector.extract_strided_slice %get3A_15 {offsets = [0, 0], sizes = [1, 128], strides = [1, 1]} : vector<8x128xf32> to vector<1x128xf32>
      %div3A = arith.constant 1.000000e+04 : f32
      %div3A_16 = vector.broadcast %div3A : f32 to vector<1x128xf32>
      %div3A_17 = arith.divf %slice3A, %div3A_16 : vector<1x128xf32>
      %slice3A_18 = vector.extract_strided_slice %get3A_15 {offsets = [1, 0], sizes = [1, 128], strides = [1, 1]} : vector<8x128xf32> to vector<1x128xf32>
      %mul3A = arith.mulf %div3A_17, %div3A_17 : vector<1x128xf32>
      %mul3A_19 = arith.constant 1.000000e+04 : f32
      %mul3A_20 = vector.broadcast %mul3A_19 : f32 to vector<1x128xf32>
      %mul3A_21 = arith.mulf %mul3A, %mul3A_20 : vector<1x128xf32>
      %sub3A = arith.subf %slice3A_18, %mul3A_21 : vector<1x128xf32>
      %div3A_22 = arith.constant 9.999000e+03 : f32
      %div3A_23 = vector.broadcast %div3A_22 : f32 to vector<1x128xf32>
      %div3A_24 = arith.divf %sub3A, %div3A_23 : vector<1x128xf32>
      %max3A = arith.constant 0.000000e+00 : f32
      %max3A_25 = vector.broadcast %max3A : f32 to vector<1x128xf32>
      %max3A_26 = arith.maximumf %div3A_24, %max3A_25 : vector<1x128xf32>
      %sqrt3A = math.sqrt %max3A_26 : vector<1x128xf32>
      %add3A = arith.constant 9.99999997E-7 : f32
      %add3A_27 = vector.broadcast %add3A : f32 to vector<1x128xf32>
      %add3A_28 = arith.addf %sqrt3A, %add3A_27 : vector<1x128xf32>
      %div3A_29 = arith.constant 1.250000e-01 : f32
      %div3A_30 = vector.broadcast %div3A_29 : f32 to vector<1x128xf32>
      %div3A_31 = arith.divf %div3A_30, %add3A_28 : vector<1x128xf32>
      %mul3A_32 = arith.constant 1000 : i32
      %mul3A_33 = arith.muli %arg1, %mul3A_32 : i32
      %get3A_34 = arith.index_cast %mul3A_33 : i32 to index
      %get3A_35 = arith.constant 0 : index
      %get3A_36 = vector.load %arg6[%get3A_34, %get3A_35] : memref<10000x128xf32, #tpu.memory_space<vmem>>, vector<1000x128xf32>
      %sub3A_37 = vector.broadcast %div3A_17 : vector<1x128xf32> to vector<1000x128xf32>
      %sub3A_38 = arith.subf %get3A_36, %sub3A_37 : vector<1000x128xf32>
      %mul3A_39 = vector.broadcast %div3A_31 : vector<1x128xf32> to vector<1000x128xf32>
      %mul3A_40 = arith.mulf %sub3A_38, %mul3A_39 : vector<1000x128xf32>
      %swap3A = arith.constant 0 : index
      %swap3A_41 = arith.constant 0 : index
      %swap3A_42 = vector.load %arg5[%swap3A, %swap3A_41] : memref<1000x128xf32, #tpu.memory_space<vmem>>, vector<1000x128xf32>
      tpu.vector_store %arg5[%swap3A, %swap3A_41], %mul3A_40 {strides = array<i32>} : memref<1000x128xf32, #tpu.memory_space<vmem>>, vector<1000x128xf32>,
    } else {
    }
    return
  }
  func.func @transform_0(%arg0: i32, %arg1: i32) -> (i32, i32, i32) {
    %c0_i32 = arith.constant 0 : i32
    %c0_i32_0 = arith.constant 0 : i32
    %c0_i32_1 = arith.constant 0 : i32
    return %c0_i32, %arg1, %c0_i32_0 : i32, i32, i32
  }
  func.func @transform_1(%arg0: i32, %arg1: i32) -> (i32, i32) {
    %c0_i32 = arith.constant 0 : i32
    %c0_i32_0 = arith.constant 0 : i32
    return %arg1, %c0_i32 : i32, i32
  }
  func.func @transform_2(%arg0: i32, %arg1: i32) -> (i32, i32) {
    %c0_i32 = arith.constant 0 : i32
    %c0_i32_0 = arith.constant 0 : i32
    %c0_i32_1 = arith.constant 0 : i32
    return %c0_i32, %c0_i32_0 : i32, i32
  }
  func.func @transform_3(%arg0: i32, %arg1: i32) -> (i32, i32) {
    %c0_i32 = arith.constant 0 : i32
    %c0_i32_0 = arith.constant 0 : i32
    return %arg1, %c0_i32 : i32, i32
  }
}

</mosaic_0001>

<sc_bundles>
// kernel: kernel.10.cloned.1.call-start
scs
__scs_entry_jumppad:
0x0: {  	(pc) =	sbr.rel $0x88, $3  }
0x1: {  	(tag) =	ssettag $0x0;
	lr =	simm.s32 $0x1  }
0x2: {  	[smem:$0x3F9D] =	sst lr;
	_ =	strace $0xD0000000  }
0x3: {  	_ = 	snop  }
0x4: {  	_ = 	snop  }
0x5: {  	_ = 	snop  }
0x6: {  	_ = 	snop  }
0x7: {  	_ = 	snop  }
__scs_overlays_trampoline_lowered:
0x8: {  	[smem:$0x3FAC] =	sst s0  }
0x9: {  	[smem:$0x3FAD] =	sst s1  }
0xa: {  	[smem:$0x3FAE] =	sst s2  }
0xb: {  	[smem:$0x3FAF] =	sst s3  }
0xc: {  	[smem:$0x3FB0] =	sst s4  }
0xd: {  	[smem:$0x3FB1] =	sst s5  }
0xe: {  	[smem:$0x3FB2] =	sst s6  }
0xf: {  	[smem:$0x3FB3] =	sst s7  }
0x10: {  	[smem:$0x3FB4] =	sst s8  }
0x11: {  	[smem:$0x3FB5] =	sst s9;
	s0 =	simm.s32 @!p0 $0x0  }
0x12: {  	s1 =	sld [smem:$0x3F9B];
	s0 =	simm.s32 @p0 $0x1  }
0x13: {  	[smem:$0x3FB6] =	sst s0;
	s0 =	simm.s32 @!p1 $0x0  }
0x14: {  	s2 =	sld [smem:$0x3F9A];
	s0 =	simm.s32 @p1 $0x1  }
0x15: {  	[smem:$0x3FB7] =	sst s0;
	s0 =	simm.s32 @!p2 $0x0  }
0x16: {  	s3 =	sld [smem:$0x3FDB];
	s0 =	simm.s32 @p2 $0x1  }
0x17: {  	s4 =	simm.s32 $0x1BF5;
	[smem:$0x3FB9] =	sst s0  }
0x18: {  	s0 =	sld [smem:$0x3F9C];
	_ =	swait.ge [sflag:s4], $0x0  }
0x19: {  	s7 =	sld [smem:$0x3F9D]  }
0x1a: {  	s8 =	sadd.s32 $0xFFFFE003, lr  }
0x1b: {  	s9 =	sadd.s32 $0xFFFFFEF7, lr;
	s5 =	simm.s32 $0xFFFFFFFF;
	p2 =	slt.u32 s8, $0xFFFFF086  }
0x1c: {  	p1 =	slt.u32 s9, $0xF7A;
	s5 =	simm.s32 @!p2 $0x0  }
0x1d: {  	s5 =	simm.s32 @p1 $0x1;
	p0 =	seq.s32 s7, s2  }
0x1e: {  	s7 =	smul.u32 @!p0 $0xF7A, s2;
	p2 =	seq.s32 @!p0 s5, $0x0  }
0x1f: {  	s9 =	smul.u32 $0xF7A, s1;
	s8 =	simm.s32 @!p0 $0x1BF5;
	p2 =	por !p2, p0  }
0x20: {  	[sflag:s8] =	ssyncset.s32 @!p0 $0xFFFFF086;
	s6 =	sadd.s32 @!p0 s3, s7;
	s7 =	simm.s32 @!p0 $0x108  }
0x21: {  	s3 =	sadd.s32 s3, s9;
	s6 =	sadd.s32 @!p0 $0x88, s6;
	s7 =	simm.s32 @p2 $0x1082  }
0x22: {  	[simem:s7], [sflag:s8] =	dma.local @!p0 [hbm:s6], $0xF7A  }
0x23: {  	s9 =	sor.u32 $0xD0000000, s2;
	s6 =	simm.s32 $0x108;
	_ =	swait.ge @!p0 [sflag:s8], $0x0  }
0x24: {  	s3 =	sadd.s32 $0x88, s3;
	s6 =	simm.s32 @!p1 $0x1082;
	[sflag:s4] =	ssyncset.s32 $0xFFFFF086  }
0x25: {  	[simem:s6], [sflag:s4] =	dma.local [hbm:s3], $0xF7A  }
0x26: {  	[smem:$0x3F9D] =	sst s1;
	(tag) =	ssettag s2;
	_ =	strace s9  }
0x27: {  	s1 =	sld [smem:$0x3FAD]  }
0x28: {  	s2 =	sld [smem:$0x3FAE]  }
0x29: {  	s4 =	sld [smem:$0x3FB0]  }
0x2a: {  	p0 =	seq.s32 s5, $0x0;
	s5 =	sld [smem:$0x3FB1]  }
0x2b: {  	s6 =	sld [smem:$0x3FB2]  }
0x2c: {  	s7 =	sld [smem:$0x3FB3]  }
0x2d: {  	s3 =	simm.s32 $0x108;
	s8 =	sld [smem:$0x3FB4]  }
0x2e: {  	s3 =	simm.s32 @!p0 $0x1082;
	s9 =	sld [smem:$0x3FB5]  }
0x2f: {  	lr =	sadd.s32 s0, s3;
	s0 =	sld [smem:$0x3FAC]  }
0x30: {  	s3 =	sld [smem:$0x3FAF]  }
0x31: {  	[smem:$0x3FB8] =	sst s10  }
0x32: {  	s10 =	sld [smem:$0x3FB6];
	_ =	sdelay $0x3  }
0x33: {  	p0 =	seq.s32 s10, $0x1;
	s10 =	sld [smem:$0x3FB8];
	_ =	sdelay $0x3  }
0x34: {  	[smem:$0x3FB8] =	sst s10  }
0x35: {  	s10 =	sld [smem:$0x3FB7];
	_ =	sdelay $0x3  }
0x36: {  	p1 =	seq.s32 s10, $0x1;
	s10 =	sld [smem:$0x3FB8];
	_ =	sdelay $0x3  }
0x37: {  	[smem:$0x3FB8] =	sst s10  }
0x38: {  	s10 =	sld [smem:$0x3FB9]  }
0x39: {  	_ = 	snop;
	(pc) =	sbr.ind lr, $3  }
0x3a: {  	_ = 	snop  }
0x3b: {  	_ = 	snop  }
0x3c: {  	p2 =	seq.s32 s10, $0x1;
	s10 =	sld [smem:$0x3FB8]  }
0x3d: {  	_ =	shalt  }
0x3e: {  	_ =	shalt  }
0x3f: {  	_ =	shalt  }
0x40: {  	_ =	shalt  }
0x41: {  	_ =	shalt  }
0x42: {  	_ =	shalt  }
0x43: {  	_ =	shalt  }
0x44: {  	_ =	shalt  }
0x45: {  	_ =	shalt  }
0x46: {  	_ =	shalt  }
0x47: {  	_ =	shalt  }
0x48: {  	_ =	shalt  }
0x49: {  	_ =	shalt  }
0x4a: {  	_ =	shalt  }
0x4b: {  	_ =	shalt  }
0x4c: {  	_ =	shalt  }
0x4d: {  	_ =	shalt  }
0x4e: {  	_ =	shalt  }
0x4f: {  	_ =	shalt  }
0x50: {  	_ =	shalt  }
0x51: {  	_ =	shalt  }
0x52: {  	_ =	shalt  }
0x53: {  	_ =	shalt  }
0x54: {  	_ =	shalt  }
0x55: {  	_ =	shalt  }
0x56: {  	_ =	shalt  }
0x57: {  	_ =	shalt  }
0x58: {  	_ =	shalt  }
0x59: {  	_ =	shalt  }
0x5a: {  	_ =	shalt  }
0x5b: {  	_ =	shalt  }
0x5c: {  	_ =	shalt  }
0x5d: {  	_ =	shalt  }
0x5e: {  	_ =	shalt  }
0x5f: {  	_ =	shalt  }
0x60: {  	_ =	shalt  }
0x61: {  	_ =	shalt  }
0x62: {  	_ =	shalt  }
0x63: {  	_ =	shalt  }
0x64: {  	_ =	shalt  }
0x65: {  	_ =	shalt  }
0x66: {  	_ =	shalt  }
0x67: {  	_ =	shalt  }
0x68: {  	_ =	shalt  }
0x69: {  	_ =	shalt  }
0x6a: {  	_ =	shalt  }
0x6b: {  	_ =	shalt  }
0x6c: {  	_ =	shalt  }
0x6d: {  	_ =	shalt  }
0x6e: {  	_ =	shalt  }
0x6f: {  	_ =	shalt  }
0x70: {  	_ =	shalt  }
0x71: {  	_ =	shalt  }
0x72: {  	_ =	shalt  }
0x73: {  	_ =	shalt  }
0x74: {  	_ =	shalt  }
0x75: {  	_ =	shalt  }
0x76: {  	_ =	shalt  }
0x77: {  	_ =	shalt  }
0x78: {  	_ =	shalt  }
0x79: {  	_ =	shalt  }
0x7a: {  	_ =	shalt  }
0x7b: {  	_ =	shalt  }
0x7c: {  	_ =	shalt  }
0x7d: {  	_ =	shalt  }
0x7e: {  	_ =	shalt  }
0x7f: {  	_ =	shalt  }
0x80: {  	_ =	shalt  }
0x81: {  	_ =	shalt  }
0x82: {  	_ =	shalt  }
0x83: {  	_ =	shalt  }
0x84: {  	_ =	shalt  }
0x85: {  	_ =	shalt  }
0x86: {  	_ =	shalt  }
0x87: {  	_ =	shalt  }
.Lfunc_end0:
.L_simem_size_0:
called_computation.1_lowered:
.L_overlay_start_0:
0x88: {  	s2 =	sld [smem:$0x3FD9]  }
0x89: {  	s3 =	sld [smem:$0x3FFE];
	_ =	sdelay $0x1  }
0x8a: {  	s1 =	srdreg.scid  }
0x8b: {  	s0 =	sand.u32 $0x1, s1  }
0x8c: {  	s17 =	sshll.u32 s0, $0xA;
	s2 =	sadd.s32 s3, s2  }
0x8d: {  	s2 =	sadd.s32 s2, s17  }
0x8e: {  	[smem:$0x3FC4] =	sst s2  }
0x8f: {  	_ = 	snop  }
0x90: {  	s18 =	sld [smem:$0x3FC9];
	(tm) =	ssettm $0x1  }
0x91: {  	s19 =	sld [smem:$0x3FFB];
	_ =	sdelay $0x3  }
0x92: {  	_ =	strace s19  }
0x93: {  	s2 =	sld [smem:$0x3FFC];
	_ =	sdelay $0x3  }
0x94: {  	_ =	strace s2  }
0x95: {  	s2 =	sld [smem:$0x3FFD];
	_ =	sdelay $0x3  }
0x96: {  	_ =	strace s2  }
0x97: {  	_ =	strace $0x8FFFFFFF  }
0x98: {  	s20 =	sld [smem:$0x3FDB];
	_ =	sdelay $0x1  }
0x99: {  	s4 =	simm.s32 $_scs_section_size  }
0x9a: {  	s5 =	simm.s32 $_size__tile_overlayer_lowered;
	s6 =	simm.s32 $_tile_overlayer_lowered  }
0x9b: {  	s7 =	simm.s32 $0x1BFF;
	s21 =	sshll.u32 s6, $0x1;
	s4 =	sadd.s32 s4, s20  }
0x9c: {  	s22 =	simm.s32 $0x0;
	s5 =	sshll.u32 s5, $0x1;
	s6 =	sadd.s32 s21, s4  }
0x9d: {  	[timem:s22], [sflag:s7] =	dma.local [hbm:s6], s5  }
0x9e: {  	_ =	swait.ge [sflag:s7], s5  }
0x9f: {  	s5 =	ssub.s32 $0x0, s5;
	[sflag:s7] =	ssyncset.done $0x0  }
0xa0: {  	[sflag:s7] =	ssyncadd.s32 s5;
	_ =	sdelay $0x1  }
0xa1: {  	s23 =	simm.s32 $0x1B8B  }
0xa2: {  	_ =	swait.ge [sflag:s23], $0x1  }
0xa3: {  	[sflag:s23] =	ssyncset.done $0x0  }
0xa4: {  	[sflag:s23] =	ssyncadd.s32 $0xFFFFFFFF  }
0xa5: {  	s5 =	sld [smem:$0x0]  }
0xa6: {  	s6 =	sand.u32 $0xFFFFFFFE, s1  }
0xa7: {  	p0 =	sne.s32 s1, s6  }
0xa8: {  	s6 =	sshll.u32 @p0 s6, $0xE  }
0xa9: {  	s6 =	sadd.s32 @p0 $0x11B8D, s6;
	s7 =	sshll.u32 @p0 s5, $0x11  }
0xaa: {  	s6 =	sor.u32 @p0 s7, s6  }
0xab: {  	[sflag:s6] =	ssyncadd.remote.s32 @p0 $0x1;
	_ =	sdelay $0x1  }
0xac: {  	s6 =	simm.s32 @p0 $0x1B8D  }
0xad: {  	_ =	swait.eq @p0 [sflag:s6], $0x1  }
0xae: {  	[sflag:s6] =	ssyncadd.s32 @p0 $0xFFFFFFFF  }
0xaf: {  	s7 =	sshll.u32 @!p0 s1, $0xE  }
0xb0: {  	s7 =	sor.u32 @!p0 $0x4000, s7;
	s6 =	simm.s32 @!p0 $0x1B8D  }
0xb1: {  	s5 =	sshll.u32 @!p0 s5, $0x11;
	s7 =	sadd.s32 @!p0 $0x11B8D, s7;
	_ =	swait.eq @!p0 [sflag:s6], $0x1  }
0xb2: {  	s5 =	sor.u32 @!p0 s5, s7;
	[sflag:s6] =	ssyncadd.s32 @!p0 $0xFFFFFFFF  }
0xb3: {  	s25 =	simm.s32 $0x1B8E;
	s24 =	sld [smem:$0x3FFE];
	[sflag:s5] =	ssyncadd.remote.s32 @!p0 $0x1  }
0xb4: {  	s26 =	simm.s32 $execute0_lowered;
	[smem:$0x3FD2] =	sst s25  }
0xb5: {  	s6 =	sshll.u32 s26, $0x1;
	_ =	strace $0x80000049;
	[dreg:$0x1] =	wrdreg $0xFFFFFFFF  }
0xb6: {  	s28 =	simm.s32 $_size_execute0_lowered;
	s4 =	sadd.s32 s4, s6;
	[dreg:$0x0] =	wrdreg $0x0  }
0xb7: {  	s6 =	sshll.u32 s28, $0x1;
	[dreg:$0x2] =	wrdreg s4  }
0xb8: {  	[dreg:$0x3] =	wrdreg s6  }
0xb9: {  	[dreg:$0x4] =	wrdreg $0xC0  }
0xba: {  	_ =	task [dreg:s22], $0x5FFFF  }
0xbb: {  	[dreg:$0x1] =	wrdreg $0xFFFFFFFF  }
0xbc: {  	[dreg:$0x0] =	wrdreg $0x60  }
0xbd: {  	[dreg:$0x2] =	wrdreg s18  }
0xbe: {  	[dreg:$0x3] =	wrdreg s24  }
0xbf: {  	[dreg:$0x4] =	wrdreg $0xC2000  }
0xc0: {  	[dreg:$0x5] =	wrdreg $0xA  }
0xc1: {  	_ =	task.clear_ibuf [dreg:s22], $0x6FFFF;
	_ =	strace $0x90000049  }
0xc2: {  	s29 =	simm.s32 $0xA;
	_ =	strace $0x8000004B  }
0xc3: {  	_ =	swait.ge [sflag:s29], $0x1  }
0xc4: {  	[sflag:s29] =	ssyncadd.s32 $0xFFFFFFFF  }
0xc5: {  	_ =	strace $0x9000004B  }
0xc6: {  	_ =	sfence  }
0xc7: {  	s30 =	sld [smem:$0x0];
	_ =	sdelay $0x2  }
0xc8: {  	s31 =	sshll.u32 s1, $0xD;
	s1 =	sshrl.u32 s1, $0x2  }
0xc9: {  	s4 =	sand.u32 $0x4000, s31;
	s1 =	sadd.s32 s1, s30  }
0xca: {  	s0 =	sor.u32 s4, s0;
	s1 =	sshll.u32 s1, $0x11  }
0xcb: {  	s0 =	sor.u32 s1, s0  }
0xcc: {  	s0 =	sadd.s32 $0x8F2B, s0  }
0xcd: {  	[sflag:s0] =	ssyncadd.remote.s32 $0x1  }
0xce: {  	_ =	sfence.sel $0xFFFF  }
0xcf: {  	[dreg:$0x0] =	wrdreg $0xFFFFFFFF;
	(pc) =	sbr.abs _section_cstart, $3  }
0xd0: {  	[dreg:$0x1] =	wrdreg $0xFFFFFFFF  }
0xd1: {  	_ =	task.clear_ibuf [dreg:s22], $0x2FFFF;
	_ =	strace $0x9FFFFFFF  }
0xd2: {  	(tm) =	ssettm $0x7FFFFFFF  }
0xd3: {  	_ =	shalt  }
tec
execute0_lowered:
.L_overlay_start_1:
0x0: {  	(tag) =	ssettag $0x1  }
0x1: {  	s1 =	rddreg [dreg:$0x0]  }
0x2: {  	s0 =	rddreg [dreg:$0x1]  }
0x3: {  	s3 =	rddreg [dreg:$0x2]  }
0x4: {  	s2 =	srdreg.scid;
	s8 =	stileid.u32  }
0x5: {  	s4 =	simm.s32 $0x0;
	s16 =	simm.s32 $0x8A00;
	s17 =	simm.s32 $0x1  }
0x6: {  	s18 =	simm.s32 $0x2;
	s19 =	simm.s32 $0x70;
	s20 =	simm.s32 $0x4F00  }
0x7: {  	s21 =	simm.s32 $0x5200;
	s22 =	simm.s32 $0x4;
	s28 =	simm.s32 $0x20  }
0x8: {  	s29 =	simm.s32 $0x5100;
	s30 =	simm.s32 $0x5180;
	s7 =	smul.u32 $0x13C00, s8  }
0x9: {  	s31 =	simm.s32 $0x5;
	s2 =	sand.u32 $0x1, s2;
	s23 =	smul.u32 $0x4F000, s8  }
0xa: {  	s5 =	sshll.u32 s8, $0x1;
	[smem:$0x7FF] =	sst s4;
	s6 =	smul.u32 $0x13C000, s2  }
0xb: {  	s5 =	sor.u32 s2, s5;
	_ =	strace $0x8000004A;
	s2 =	ssub.s32 $0x2, s2  }
0xc: {  	s5 =	smul.u32 $0x4E2, s5;
	s26 =	sshrl.u32 s2, $0x1;
	s6 =	sadd.s32 s7, s6  }
0xd: {  	s2 =	ssub.s32 s2, s26;
	s7 =	sshrl.u32 s23, $0x2;
	s23 =	simm.s32 $0x4F80  }
0xe: {  	s26 =	simm.s32 $0x5080;
	s24 =	sadd.s32 s5, s0;
	s25 =	sshrl.u32 s6, $0x3  }
.Ltmp0:
0xf: {  	s7 =	sadd.s32 s7, s3;
	s14 =	smax.u32 s2, $0x1;
	(pc) =	sbr.rel .LBB2_1-.Ltmp0, $4  }
0x10: {  	s0 =	sadd.s32 s25, s0;
	s5 =	sadd.s32 $0xAC00, s24;
	s6 =	sadd.s32 $0xE00, s24  }
0x11: {  	s8 =	sadd.s32 $0x3800, s7;
	s9 =	sadd.s32 $0x7000, s7;
	s10 =	sadd.s32 $0xA800, s7  }
0x12: {  	s11 =	sadd.s32 $0xE000, s7;
	s12 =	sadd.s32 $0x11800, s7;
	s24 =	simm.s32 $0x5000  }
0x13: {  	v0 =	vimm.f32 $0.0e+00;
	s25 =	simm.s32 $0x3;
	s13 =	sadd.s32 $0x14A00, s0;
	s0 =	simm.s32 $0x0  }
.LBB2_6:
0x14: {  	_ =	swait.ge [sflag:s17], $0x3800  }
0x15: {  	[sflag:s17] =	ssyncset.done $0x0  }
0x16: {  	[sflag:s17] =	ssyncadd.s32 $0xFFFFC800  }
0x17: {  	[spmem:s3] =	stream.indirect.scatter.add.f32 [tilespmem:s21], [sflag:$0x3], $0x80, s24, s19, $0xb8;
	[tilespmem:$0x1FE00] =	vst v63  }
0x18: {  	_ =	swait.ge [sflag:s25], $0x3800  }
0x19: {  	[sflag:s25] =	ssyncset.done $0x0  }
0x1a: {  	[sflag:s25] =	ssyncadd.s32 $0xFFFFC800  }
0x1b: {  	v1 =	vld [tilespmem:$0x26F0]  }
0x1c: {  	v2 =	vld [tilespmem:$0x4E70]  }
0x1d: {  	v3 =	vld [tilespmem:$0x2700]  }
0x1e: {  	v4 =	vld [tilespmem:$0x4E80];
	_ =	sdelay $0x1  }
0x1f: {  	[tilespmem:$0x5100] =	vst v1  }
0x20: {  	[tilespmem:$0x5180] =	vst v2  }
0x21: {  	[tilespmem:$0x5110] =	vst v3  }
0x22: {  	[tilespmem:$0x5190] =	vst v4  }
0x23: {  	[tilespmem:s21], [sflag:$0x1] =	stream.indirect.gather [hbm4b:s1+s28], $0x80, s29, s28, $0xb8;
	[tilespmem:$0x1FE00] =	vst v63  }
0x24: {  	_ =	swait.ge [sflag:s17], $0x1000  }
0x25: {  	[sflag:s17] =	ssyncset.done $0x0  }
0x26: {  	[sflag:s17] =	ssyncadd.s32 $0xFFFFF000  }
0x27: {  	[spmem:s3] =	stream.indirect.scatter.add.f32 [tilespmem:s21], [sflag:$0x3], $0x80, s30, s28, $0xb8;
	[tilespmem:$0x1FE00] =	vst v63  }
0x28: {  	s2 =	stileid.u32;
	_ =	swait.ge [sflag:s25], $0x1000  }
0x29: {  	s15 =	sshrl.u32 s7, $0x3;
	s0 =	sadd.s32 $0x1, s0;
	[sflag:s25] =	ssyncset.done $0x0  }
0x2a: {  	s2 =	sshll.u32 s2, $0x6;
	p0 =	sne.s32 s0, s14;
	[sflag:s25] =	ssyncadd.s32 $0xFFFFF000  }
.Ltmp1:
0x2b: {  	s2 =	sor.u32 $0x1C05, s2;
	[bflag:$0x0] =	sbarrier.arrive $0xFFFF;
	(pc) =	sbr.rel @!p0 .LBB2_7-.Ltmp1, $4  }
0x2c: {  	[hbm:s13], [sflag:s2] =	dma.local [spmem:s15], $0x2780  }
0x2d: {  	_ =	swait.ge [sflag:s31], $0x2780  }
0x2e: {  	[sflag:s31] =	ssyncset.done $0x0  }
0x2f: {  	[sflag:s31] =	ssyncadd.s32 $0xFFFFD880  }
.LBB2_1:
0x30: {  	[tilespmem:s4], [sflag:$0x1] =	stream.linear.gather [hbm4b:s5+s4], $0x2710, $0x38;
	[tilespmem:$0x1FE00] =	vst v63  }
0x31: {  	s2 =	simm.s32 $0x2780  }
0x32: {  	[tilespmem:s2], [sflag:$0x2] =	stream.linear.gather [hbm4b:s6+s4], $0x2710, $0x38;
	[tilespmem:$0x1FE00] =	vst v63  }
0x33: {  	s15 =	simm.s32 $0x3C0;
	s2 =	simm.s32 $0x70  }
.LBB2_2:
0x34: {  	p0 =	sne.s32 s15, $0xDFC0;
	[tilespmem:s2+$0x8A00] =	vst v0  }
0x35: {  	[tilespmem:s2+$0x8990] =	vst v0  }
0x36: {  	[tilespmem:s2+$0x89A0] =	vst v0  }
.Ltmp2:
0x37: {  	[tilespmem:s2+$0x89B0] =	vst v0;
	(pc) =	sbr.rel @p0 .LBB2_2-.Ltmp2, $4  }
0x38: {  	[tilespmem:s2+$0x89C0] =	vst v0  }
0x39: {  	[tilespmem:s2+$0x89D0] =	vst v0  }
0x3a: {  	[tilespmem:s2+$0x89E0] =	vst v0  }
0x3b: {  	[tilespmem:s2+$0x89F0] =	vst v0;
	s2 =	sshra.s32 s15, $0x2;
	s15 =	sadd.s32 $0x200, s15  }
0x3c: {  	[tilespmem:s2+$0x8A00] =	vst v0  }
0x3d: {  	[tilespmem:s2+$0x8990] =	vst v0  }
0x3e: {  	[tilespmem:s2+$0x89A0] =	vst v0  }
0x3f: {  	[tilespmem:s2+$0x89B0] =	vst v0  }
0x40: {  	[tilespmem:s2+$0x89C0] =	vst v0  }
0x41: {  	[tilespmem:s2+$0x89D0] =	vst v0  }
0x42: {  	[tilespmem:s2+$0x89E0] =	vst v0  }
0x43: {  	[tilespmem:s2+$0x89F0] =	vst v0  }
0x44: {  	[spmem:s7] =	stream.linear.scatter [tilespmem:s16], [sflag:$0x4], $0x3800, $0x38;
	[tilespmem:$0x1FE00] =	vst v63  }
0x45: {  	_ = 	snop  }
0x46: {  	[spmem:s8] =	stream.linear.scatter [tilespmem:s16], [sflag:$0x4], $0x3800, $0x38;
	[tilespmem:$0x1FE00] =	vst v63  }
0x47: {  	_ = 	snop  }
0x48: {  	[spmem:s9] =	stream.linear.scatter [tilespmem:s16], [sflag:$0x4], $0x3800, $0x38;
	[tilespmem:$0x1FE00] =	vst v63  }
0x49: {  	_ = 	snop  }
0x4a: {  	[spmem:s10] =	stream.linear.scatter [tilespmem:s16], [sflag:$0x4], $0x3800, $0x38;
	[tilespmem:$0x1FE00] =	vst v63  }
0x4b: {  	_ = 	snop  }
0x4c: {  	[spmem:s11] =	stream.linear.scatter [tilespmem:s16], [sflag:$0x4], $0x3800, $0x38;
	[tilespmem:$0x1FE00] =	vst v63  }
0x4d: {  	_ = 	snop  }
0x4e: {  	[spmem:s12] =	stream.linear.scatter [tilespmem:s16], [sflag:$0x4], $0x2400, $0x38;
	[tilespmem:$0x1FE00] =	vst v63  }
0x4f: {  	_ =	swait.ge [sflag:s17], $0x2710  }
0x50: {  	[sflag:s17] =	ssyncset.done $0x0  }
0x51: {  	[sflag:s17] =	ssyncadd.s32 $0xFFFFD8F0  }
0x52: {  	_ =	swait.ge [sflag:s18], $0x2710  }
0x53: {  	[sflag:s18] =	ssyncset.done $0x0  }
0x54: {  	[sflag:s18] =	ssyncadd.s32 $0xFFFFD8F0  }
0x55: {  	v1 =	vld [tilespmem:$0x0]  }
0x56: {  	v2 =	vld [tilespmem:$0x2780]  }
0x57: {  	v3 =	vld [tilespmem:$0x10]  }
0x58: {  	v4 =	vld [tilespmem:$0x2790]  }
0x59: {  	v5 =	vld [tilespmem:$0x20]  }
0x5a: {  	v56 =	vld [tilespmem:$0x40];
	[tilespmem:$0x4F00] =	vst v1  }
0x5b: {  	v1 =	vld [tilespmem:$0x27A0];
	[tilespmem:$0x5000] =	vst v2  }
0x5c: {  	v2 =	vld [tilespmem:$0x30];
	[tilespmem:$0x4F10] =	vst v3  }
0x5d: {  	v3 =	vld [tilespmem:$0x27B0];
	[tilespmem:$0x5010] =	vst v4  }
0x5e: {  	v57 =	vld [tilespmem:$0x27C0];
	[tilespmem:$0x4F20] =	vst v5  }
0x5f: {  	v58 =	vld [tilespmem:$0x27E0];
	[tilespmem:$0x4F40] =	vst v56  }
0x60: {  	[tilespmem:$0x5020] =	vst v1;
	v1 =	vld [tilespmem:$0x50]  }
0x61: {  	[tilespmem:$0x4F30] =	vst v2;
	v2 =	vld [tilespmem:$0x27D0]  }
0x62: {  	[tilespmem:$0x5030] =	vst v3;
	v3 =	vld [tilespmem:$0x60]  }
0x63: {  	[tilespmem:$0x5040] =	vst v57  }
0x64: {  	[tilespmem:$0x5060] =	vst v58  }
0x65: {  	[tilespmem:$0x4F50] =	vst v1  }
0x66: {  	[tilespmem:$0x5050] =	vst v2  }
0x67: {  	[tilespmem:$0x4F60] =	vst v3  }
0x68: {  	[tilespmem:s21], [sflag:$0x1] =	stream.indirect.gather [hbm4b:s1+s19], $0x80, s20, s19, $0xb8;
	[tilespmem:$0x1FE00] =	vst v63  }
0x69: {  	_ =	swait.ge [sflag:s22], $0x3800  }
0x6a: {  	[sflag:s22] =	ssyncset.done $0x0  }
0x6b: {  	[sflag:s22] =	ssyncadd.s32 $0xFFFFC800  }
0x6c: {  	_ =	swait.ge [sflag:s22], $0x3800  }
0x6d: {  	[sflag:s22] =	ssyncset.done $0x0  }
0x6e: {  	[sflag:s22] =	ssyncadd.s32 $0xFFFFC800  }
0x6f: {  	_ =	swait.ge [sflag:s22], $0x3800  }
0x70: {  	[sflag:s22] =	ssyncset.done $0x0  }
0x71: {  	[sflag:s22] =	ssyncadd.s32 $0xFFFFC800  }
0x72: {  	_ =	swait.ge [sflag:s22], $0x3800  }
0x73: {  	[sflag:s22] =	ssyncset.done $0x0  }
0x74: {  	[sflag:s22] =	ssyncadd.s32 $0xFFFFC800  }
0x75: {  	_ =	swait.ge [sflag:s22], $0x3800  }
0x76: {  	[sflag:s22] =	ssyncset.done $0x0  }
0x77: {  	[sflag:s22] =	ssyncadd.s32 $0xFFFFC800  }
0x78: {  	_ =	swait.ge [sflag:s22], $0x2400  }
0x79: {  	[sflag:s22] =	ssyncset.done $0x0  }
0x7a: {  	[sflag:s22] =	ssyncadd.s32 $0xFFFFDC00  }
0x7b: {  	[bflag:$0x0] =	sbarrier.arrive $0xFFFF  }
0x7c: {  	v1 =	vld [tilespmem:$0x70]  }
0x7d: {  	v2 =	vld [tilespmem:$0x27F0]  }
0x7e: {  	v3 =	vld [tilespmem:$0x80]  }
0x7f: {  	v59 =	vld [tilespmem:$0x2800]  }
0x80: {  	v60 =	vld [tilespmem:$0x90]  }
0x81: {  	v61 =	vld [tilespmem:$0xB0];
	[tilespmem:$0x4F80] =	vst v1  }
0x82: {  	v1 =	vld [tilespmem:$0x2810];
	[tilespmem:$0x5080] =	vst v2  }
0x83: {  	v2 =	vld [tilespmem:$0xA0];
	[tilespmem:$0x4F90] =	vst v3  }
0x84: {  	v3 =	vld [tilespmem:$0x2820];
	[tilespmem:$0x5090] =	vst v59  }
0x85: {  	v62 =	vld [tilespmem:$0x2830];
	[tilespmem:$0x4FA0] =	vst v60  }
0x86: {  	v63 =	vld [tilespmem:$0x2850];
	[tilespmem:$0x4FC0] =	vst v61  }
0x87: {  	[tilespmem:$0x50A0] =	vst v1;
	v1 =	vld [tilespmem:$0xC0]  }
0x88: {  	[tilespmem:$0x4FB0] =	vst v2;
	v2 =	vld [tilespmem:$0x2840]  }
0x89: {  	[tilespmem:$0x50B0] =	vst v3;
	v3 =	vld [tilespmem:$0xD0]  }
0x8a: {  	[tilespmem:$0x50C0] =	vst v62  }
0x8b: {  	[tilespmem:$0x50E0] =	vst v63  }
0x8c: {  	[tilespmem:$0x4FD0] =	vst v1  }
0x8d: {  	[tilespmem:$0x50D0] =	vst v2  }
0x8e: {  	s15 =	simm.s32 $0x6C0;
	[tilespmem:$0x4FE0] =	vst v3  }
0x8f: {  	[tilespmem:s16], [sflag:$0x2] =	stream.indirect.gather [hbm4b:s1+s19], $0x80, s23, s19, $0xb8;
	[tilespmem:$0x1FE00] =	vst v63  }
.LBB2_4:
0x90: {  	_ =	swait.ge [sflag:s17], $0x3800  }
0x91: {  	[sflag:s17] =	ssyncset.done $0x0  }
0x92: {  	[sflag:s17] =	ssyncadd.s32 $0xFFFFC800  }
0x93: {  	[spmem:s3] =	stream.indirect.scatter.add.f32 [tilespmem:s21], [sflag:$0x3], $0x80, s24, s19, $0xb8;
	[tilespmem:$0x1FE00] =	vst v63  }
0x94: {  	_ =	swait.ge [sflag:s25], $0x3800  }
0x95: {  	[sflag:s25] =	ssyncset.done $0x0  }
0x96: {  	s2 =	sshra.s32 s15, $0x2;
	[sflag:s25] =	ssyncadd.s32 $0xFFFFC800  }
0x97: {  	v1 =	vld [tilespmem:s2+$0xFFFFFF30];
	_ =	sdelay $0x4  }
0x98: {  	[tilespmem:$0x4F00] =	vst v1  }
0x99: {  	v1 =	vld [tilespmem:s2+$0x26B0];
	_ =	sdelay $0x4  }
0x9a: {  	[tilespmem:$0x5000] =	vst v1  }
0x9b: {  	v1 =	vld [tilespmem:s2+$0xFFFFFF40];
	_ =	sdelay $0x4  }
0x9c: {  	[tilespmem:$0x4F10] =	vst v1  }
0x9d: {  	v1 =	vld [tilespmem:s2+$0x26C0];
	_ =	sdelay $0x4  }
0x9e: {  	[tilespmem:$0x5010] =	vst v1  }
0x9f: {  	v1 =	vld [tilespmem:s2+$0xFFFFFF50];
	_ =	sdelay $0x4  }
0xa0: {  	[tilespmem:$0x4F20] =	vst v1  }
0xa1: {  	v1 =	vld [tilespmem:s2+$0x26D0];
	_ =	sdelay $0x4  }
0xa2: {  	[tilespmem:$0x5020] =	vst v1  }
0xa3: {  	v1 =	vld [tilespmem:s2+$0xFFFFFF60];
	_ =	sdelay $0x4  }
0xa4: {  	[tilespmem:$0x4F30] =	vst v1  }
0xa5: {  	v1 =	vld [tilespmem:s2+$0x26E0];
	_ =	sdelay $0x4  }
0xa6: {  	[tilespmem:$0x5030] =	vst v1  }
0xa7: {  	v1 =	vld [tilespmem:s2+$0xFFFFFF70];
	_ =	sdelay $0x4  }
0xa8: {  	[tilespmem:$0x4F40] =	vst v1  }
0xa9: {  	v1 =	vld [tilespmem:s2+$0x26F0];
	_ =	sdelay $0x4  }
0xaa: {  	[tilespmem:$0x5040] =	vst v1  }
0xab: {  	v1 =	vld [tilespmem:s2+$0xFFFFFF80];
	_ =	sdelay $0x4  }
0xac: {  	[tilespmem:$0x4F50] =	vst v1  }
0xad: {  	v1 =	vld [tilespmem:s2+$0x2700];
	_ =	sdelay $0x4  }
0xae: {  	[tilespmem:$0x5050] =	vst v1  }
0xaf: {  	v1 =	vld [tilespmem:s2+$0xFFFFFF90];
	_ =	sdelay $0x4  }
0xb0: {  	[tilespmem:$0x4F60] =	vst v1  }
0xb1: {  	v1 =	vld [tilespmem:s2+$0x2710];
	_ =	sdelay $0x4  }
0xb2: {  	[tilespmem:$0x5060] =	vst v1  }
0xb3: {  	[tilespmem:s21], [sflag:$0x1] =	stream.indirect.gather [hbm4b:s1+s19], $0x80, s20, s19, $0xb8;
	[tilespmem:$0x1FE00] =	vst v63  }
0xb4: {  	_ =	swait.ge [sflag:s18], $0x3800  }
0xb5: {  	p0 =	seq.s32 s15, $0x9D40;
	[sflag:s18] =	ssyncset.done $0x0  }
.Ltmp3:
0xb6: {  	[sflag:s18] =	ssyncadd.s32 $0xFFFFC800;
	(pc) =	sbr.rel @p0 .LBB2_6-.Ltmp3, $4  }
0xb7: {  	[spmem:s3] =	stream.indirect.scatter.add.f32 [tilespmem:s16], [sflag:$0x4], $0x80, s26, s19, $0xb8;
	[tilespmem:$0x1FE00] =	vst v63  }
0xb8: {  	_ =	swait.ge [sflag:s22], $0x3800  }
0xb9: {  	[sflag:s22] =	ssyncset.done $0x0  }
0xba: {  	[sflag:s22] =	ssyncadd.s32 $0xFFFFC800  }
0xbb: {  	v1 =	vld [tilespmem:s2+$0xFFFFFFA0];
	_ =	sdelay $0x4  }
0xbc: {  	[tilespmem:$0x4F80] =	vst v1  }
0xbd: {  	v1 =	vld [tilespmem:s2+$0x2720];
	_ =	sdelay $0x4  }
0xbe: {  	[tilespmem:$0x5080] =	vst v1  }
0xbf: {  	v1 =	vld [tilespmem:s2+$0xFFFFFFB0];
	_ =	sdelay $0x4  }
0xc0: {  	[tilespmem:$0x4F90] =	vst v1  }
0xc1: {  	v1 =	vld [tilespmem:s2+$0x2730];
	_ =	sdelay $0x4  }
0xc2: {  	[tilespmem:$0x5090] =	vst v1  }
0xc3: {  	v1 =	vld [tilespmem:s2+$0xFFFFFFC0];
	_ =	sdelay $0x4  }
0xc4: {  	[tilespmem:$0x4FA0] =	vst v1  }
0xc5: {  	v1 =	vld [tilespmem:s2+$0x2740];
	_ =	sdelay $0x4  }
0xc6: {  	[tilespmem:$0x50A0] =	vst v1  }
0xc7: {  	v1 =	vld [tilespmem:s2+$0xFFFFFFD0];
	_ =	sdelay $0x4  }
0xc8: {  	[tilespmem:$0x4FB0] =	vst v1  }
0xc9: {  	v1 =	vld [tilespmem:s2+$0x2750];
	_ =	sdelay $0x4  }
0xca: {  	[tilespmem:$0x50B0] =	vst v1  }
0xcb: {  	v1 =	vld [tilespmem:s2+$0xFFFFFFE0];
	_ =	sdelay $0x4  }
0xcc: {  	[tilespmem:$0x4FC0] =	vst v1  }
0xcd: {  	v1 =	vld [tilespmem:s2+$0x2760];
	_ =	sdelay $0x4  }
0xce: {  	[tilespmem:$0x50C0] =	vst v1  }
0xcf: {  	v1 =	vld [tilespmem:s2+$0xFFFFFFF0];
	_ =	sdelay $0x4  }
0xd0: {  	[tilespmem:$0x4FD0] =	vst v1  }
0xd1: {  	v1 =	vld [tilespmem:s2+$0x2770];
	_ =	sdelay $0x4  }
0xd2: {  	[tilespmem:$0x50D0] =	vst v1  }
0xd3: {  	v1 =	vld [tilespmem:s2+$0x0];
	_ =	sdelay $0x4  }
0xd4: {  	[tilespmem:$0x4FE0] =	vst v1  }
0xd5: {  	v1 =	vld [tilespmem:s2+$0x2780];
	_ =	sdelay $0x1  }
.Ltmp4:
0xd6: {  	_ = 	snop;
	(pc) =	sbr.rel .LBB2_4-.Ltmp4, $3  }
0xd7: {  	_ =	sdelay $0x1  }
0xd8: {  	s15 =	sadd.s32 $0x380, s15;
	[tilespmem:$0x50E0] =	vst v1  }
0xd9: {  	[tilespmem:s16], [sflag:$0x2] =	stream.indirect.gather [hbm4b:s1+s19], $0x80, s23, s19, $0xb8;
	[tilespmem:$0x1FE00] =	vst v63  }
.LBB2_7:
0xda: {  	_ =	sfence.sel $0x180000  }
0xdb: {  	[bflag:$0x0] =	sbarrier.arrive $0xFFFF  }
0xdc: {  	_ =	strace $0x9000004A  }
0xdd: {  	s0 =	stileid.u32;
	[bflag:$0x2] =	sbarrier.arrive $0xFFFF  }
0xde: {  	p0 =	sne.s32 s0, $0x0;
	s0 =	rddreg [dreg:$0x3]  }
0xdf: {  	s0 =	sadd.s32 @!p0 $0x100000, s0  }
0xe0: {  	[sflag:s0] =	ssyncadd.tile.s32 @!p0 $0x1;
	_ =	shalt  }
.Lfunc_end2:
_tile_overlayer_lowered:
.L_overlay_start_2:
0xe1: {  	(tag) =	ssettag $0x2  }
0xe2: {  	s0 =	rddreg [dreg:$0x0];
	s2 =	stileid.u32  }
0xe3: {  	s1 =	rddreg [dreg:$0x1];
	p0 =	sne.s32 s2, $0x0  }
0xe4: {  	s3 =	rddreg [dreg:$0x2];
	[bflag:$0x3] =	sbarrier.arrive $0xFFFF;
	s2 =	simm.s32 @!p0 $0x1C05  }
0xe5: {  	[timem:s3], [sflag:s2] =	dma.local @!p0 [hbm:s0], s1  }
0xe6: {  	s0 =	simm.s32 @!p0 $0x5  }
0xe7: {  	_ =	swait.ge @!p0 [sflag:s0], s1  }
0xe8: {  	s1 =	ssub.s32 @!p0 $0x0, s1;
	[sflag:s0] =	ssyncset.done @!p0 $0x0  }
0xe9: {  	[sflag:s0] =	ssyncadd.s32 @!p0 s1  }
0xea: {  	[bflag:$0x3] =	sbarrier.arrive $0xFFFF  }
0xeb: {  	_ =	shalt  }

// kernel: kernel.13.cloned.1.call-start
scs
__scs_entry_jumppad:
0x0: {  	(pc) =	sbr.rel $0x88, $3  }
0x1: {  	(tag) =	ssettag $0x0;
	lr =	simm.s32 $0x1  }
0x2: {  	[smem:$0x3F9D] =	sst lr;
	_ =	strace $0xD0000000  }
0x3: {  	_ = 	snop  }
0x4: {  	_ = 	snop  }
0x5: {  	_ = 	snop  }
0x6: {  	_ = 	snop  }
0x7: {  	_ = 	snop  }
__scs_overlays_trampoline_lowered:
0x8: {  	[smem:$0x3FAC] =	sst s0  }
0x9: {  	[smem:$0x3FAD] =	sst s1  }
0xa: {  	[smem:$0x3FAE] =	sst s2  }
0xb: {  	[smem:$0x3FAF] =	sst s3  }
0xc: {  	[smem:$0x3FB0] =	sst s4  }
0xd: {  	[smem:$0x3FB1] =	sst s5  }
0xe: {  	[smem:$0x3FB2] =	sst s6  }
0xf: {  	[smem:$0x3FB3] =	sst s7  }
0x10: {  	[smem:$0x3FB4] =	sst s8  }
0x11: {  	[smem:$0x3FB5] =	sst s9;
	s0 =	simm.s32 @!p0 $0x0  }
0x12: {  	s1 =	sld [smem:$0x3F9B];
	s0 =	simm.s32 @p0 $0x1  }
0x13: {  	[smem:$0x3FB6] =	sst s0;
	s0 =	simm.s32 @!p1 $0x0  }
0x14: {  	s2 =	sld [smem:$0x3F9A];
	s0 =	simm.s32 @p1 $0x1  }
0x15: {  	[smem:$0x3FB7] =	sst s0;
	s0 =	simm.s32 @!p2 $0x0  }
0x16: {  	s3 =	sld [smem:$0x3FDB];
	s0 =	simm.s32 @p2 $0x1  }
0x17: {  	s4 =	simm.s32 $0x1BF5;
	[smem:$0x3FB9] =	sst s0  }
0x18: {  	s0 =	sld [smem:$0x3F9C];
	_ =	swait.ge [sflag:s4], $0x0  }
0x19: {  	s7 =	sld [smem:$0x3F9D]  }
0x1a: {  	s8 =	sadd.s32 $0xFFFFE003, lr  }
0x1b: {  	s9 =	sadd.s32 $0xFFFFFEF7, lr;
	s5 =	simm.s32 $0xFFFFFFFF;
	p2 =	slt.u32 s8, $0xFFFFF086  }
0x1c: {  	p1 =	slt.u32 s9, $0xF7A;
	s5 =	simm.s32 @!p2 $0x0  }
0x1d: {  	s5 =	simm.s32 @p1 $0x1;
	p0 =	seq.s32 s7, s2  }
0x1e: {  	s7 =	smul.u32 @!p0 $0xF7A, s2;
	p2 =	seq.s32 @!p0 s5, $0x0  }
0x1f: {  	s9 =	smul.u32 $0xF7A, s1;
	s8 =	simm.s32 @!p0 $0x1BF5;
	p2 =	por !p2, p0  }
0x20: {  	[sflag:s8] =	ssyncset.s32 @!p0 $0xFFFFF086;
	s6 =	sadd.s32 @!p0 s3, s7;
	s7 =	simm.s32 @!p0 $0x108  }
0x21: {  	s3 =	sadd.s32 s3, s9;
	s6 =	sadd.s32 @!p0 $0x88, s6;
	s7 =	simm.s32 @p2 $0x1082  }
0x22: {  	[simem:s7], [sflag:s8] =	dma.local @!p0 [hbm:s6], $0xF7A  }
0x23: {  	s9 =	sor.u32 $0xD0000000, s2;
	s6 =	simm.s32 $0x108;
	_ =	swait.ge @!p0 [sflag:s8], $0x0  }
0x24: {  	s3 =	sadd.s32 $0x88, s3;
	s6 =	simm.s32 @!p1 $0x1082;
	[sflag:s4] =	ssyncset.s32 $0xFFFFF086  }
0x25: {  	[simem:s6], [sflag:s4] =	dma.local [hbm:s3], $0xF7A  }
0x26: {  	[smem:$0x3F9D] =	sst s1;
	(tag) =	ssettag s2;
	_ =	strace s9  }
0x27: {  	s1 =	sld [smem:$0x3FAD]  }
0x28: {  	s2 =	sld [smem:$0x3FAE]  }
0x29: {  	s4 =	sld [smem:$0x3FB0]  }
0x2a: {  	p0 =	seq.s32 s5, $0x0;
	s5 =	sld [smem:$0x3FB1]  }
0x2b: {  	s6 =	sld [smem:$0x3FB2]  }
0x2c: {  	s7 =	sld [smem:$0x3FB3]  }
0x2d: {  	s3 =	simm.s32 $0x108;
	s8 =	sld [smem:$0x3FB4]  }
0x2e: {  	s3 =	simm.s32 @!p0 $0x1082;
	s9 =	sld [smem:$0x3FB5]  }
0x2f: {  	lr =	sadd.s32 s0, s3;
	s0 =	sld [smem:$0x3FAC]  }
0x30: {  	s3 =	sld [smem:$0x3FAF]  }
0x31: {  	[smem:$0x3FB8] =	sst s10  }
0x32: {  	s10 =	sld [smem:$0x3FB6];
	_ =	sdelay $0x3  }
0x33: {  	p0 =	seq.s32 s10, $0x1;
	s10 =	sld [smem:$0x3FB8];
	_ =	sdelay $0x3  }
0x34: {  	[smem:$0x3FB8] =	sst s10  }
0x35: {  	s10 =	sld [smem:$0x3FB7];
	_ =	sdelay $0x3  }
0x36: {  	p1 =	seq.s32 s10, $0x1;
	s10 =	sld [smem:$0x3FB8];
	_ =	sdelay $0x3  }
0x37: {  	[smem:$0x3FB8] =	sst s10  }
0x38: {  	s10 =	sld [smem:$0x3FB9]  }
0x39: {  	_ = 	snop;
	(pc) =	sbr.ind lr, $3  }
0x3a: {  	_ = 	snop  }
0x3b: {  	_ = 	snop  }
0x3c: {  	p2 =	seq.s32 s10, $0x1;
	s10 =	sld [smem:$0x3FB8]  }
0x3d: {  	_ =	shalt  }
0x3e: {  	_ =	shalt  }
0x3f: {  	_ =	shalt  }
0x40: {  	_ =	shalt  }
0x41: {  	_ =	shalt  }
0x42: {  	_ =	shalt  }
0x43: {  	_ =	shalt  }
0x44: {  	_ =	shalt  }
0x45: {  	_ =	shalt  }
0x46: {  	_ =	shalt  }
0x47: {  	_ =	shalt  }
0x48: {  	_ =	shalt  }
0x49: {  	_ =	shalt  }
0x4a: {  	_ =	shalt  }
0x4b: {  	_ =	shalt  }
0x4c: {  	_ =	shalt  }
0x4d: {  	_ =	shalt  }
0x4e: {  	_ =	shalt  }
0x4f: {  	_ =	shalt  }
0x50: {  	_ =	shalt  }
0x51: {  	_ =	shalt  }
0x52: {  	_ =	shalt  }
0x53: {  	_ =	shalt  }
0x54: {  	_ =	shalt  }
0x55: {  	_ =	shalt  }
0x56: {  	_ =	shalt  }
0x57: {  	_ =	shalt  }
0x58: {  	_ =	shalt  }
0x59: {  	_ =	shalt  }
0x5a: {  	_ =	shalt  }
0x5b: {  	_ =	shalt  }
0x5c: {  	_ =	shalt  }
0x5d: {  	_ =	shalt  }
0x5e: {  	_ =	shalt  }
0x5f: {  	_ =	shalt  }
0x60: {  	_ =	shalt  }
0x61: {  	_ =	shalt  }
0x62: {  	_ =	shalt  }
0x63: {  	_ =	shalt  }
0x64: {  	_ =	shalt  }
0x65: {  	_ =	shalt  }
0x66: {  	_ =	shalt  }
0x67: {  	_ =	shalt  }
0x68: {  	_ =	shalt  }
0x69: {  	_ =	shalt  }
0x6a: {  	_ =	shalt  }
0x6b: {  	_ =	shalt  }
0x6c: {  	_ =	shalt  }
0x6d: {  	_ =	shalt  }
0x6e: {  	_ =	shalt  }
0x6f: {  	_ =	shalt  }
0x70: {  	_ =	shalt  }
0x71: {  	_ =	shalt  }
0x72: {  	_ =	shalt  }
0x73: {  	_ =	shalt  }
0x74: {  	_ =	shalt  }
0x75: {  	_ =	shalt  }
0x76: {  	_ =	shalt  }
0x77: {  	_ =	shalt  }
0x78: {  	_ =	shalt  }
0x79: {  	_ =	shalt  }
0x7a: {  	_ =	shalt  }
0x7b: {  	_ =	shalt  }
0x7c: {  	_ =	shalt  }
0x7d: {  	_ =	shalt  }
0x7e: {  	_ =	shalt  }
0x7f: {  	_ =	shalt  }
0x80: {  	_ =	shalt  }
0x81: {  	_ =	shalt  }
0x82: {  	_ =	shalt  }
0x83: {  	_ =	shalt  }
0x84: {  	_ =	shalt  }
0x85: {  	_ =	shalt  }
0x86: {  	_ =	shalt  }
0x87: {  	_ =	shalt  }
.Lfunc_end0:
.L_simem_size_0:
called_computation.2_lowered:
.L_overlay_start_0:
0x88: {  	s2 =	sld [smem:$0x3FD9]  }
0x89: {  	s3 =	sld [smem:$0x3FFE];
	_ =	sdelay $0x1  }
0x8a: {  	s1 =	srdreg.scid  }
0x8b: {  	s0 =	sand.u32 $0x1, s1  }
0x8c: {  	s17 =	sshll.u32 s0, $0xA;
	s2 =	sadd.s32 s3, s2  }
0x8d: {  	s2 =	sadd.s32 s2, s17  }
0x8e: {  	[smem:$0x3FC4] =	sst s2  }
0x8f: {  	_ = 	snop  }
0x90: {  	s2 =	sld [smem:$0x3FD0];
	(tm) =	ssettm $0x1  }
0x91: {  	s18 =	sld [smem:$0x3FFB];
	_ =	sdelay $0x3  }
0x92: {  	_ =	strace s18  }
0x93: {  	s3 =	sld [smem:$0x3FFC];
	_ =	sdelay $0x3  }
0x94: {  	_ =	strace s3  }
0x95: {  	s3 =	sld [smem:$0x3FFD];
	_ =	sdelay $0x3  }
0x96: {  	_ =	strace s3  }
0x97: {  	_ =	strace $0x8FFFFFFF  }
0x98: {  	s19 =	sld [smem:$0x3FDB];
	_ =	sdelay $0x1  }
0x99: {  	s4 =	simm.s32 $_scs_section_size  }
0x9a: {  	s5 =	simm.s32 $_size__tile_overlayer_lowered;
	s6 =	simm.s32 $_tile_overlayer_lowered  }
0x9b: {  	s22 =	simm.s32 $0x1BFF;
	s21 =	sshll.u32 s6, $0x1;
	s3 =	sadd.s32 s4, s19  }
0x9c: {  	s7 =	simm.s32 $0x0;
	s20 =	sshll.u32 s5, $0x1;
	s5 =	sadd.s32 s21, s3  }
0x9d: {  	[timem:s7], [sflag:s22] =	dma.local [hbm:s5], s20  }
0x9e: {  	_ =	swait.ge [sflag:s22], s20  }
0x9f: {  	s4 =	ssub.s32 $0x0, s20;
	[sflag:s22] =	ssyncset.done $0x0  }
0xa0: {  	[sflag:s22] =	ssyncadd.s32 s4;
	_ =	sdelay $0x1  }
0xa1: {  	s23 =	simm.s32 $0x1B8B  }
0xa2: {  	_ =	swait.ge [sflag:s23], $0x1  }
0xa3: {  	[sflag:s23] =	ssyncset.done $0x0  }
0xa4: {  	s25 =	simm.s32 $0x1B8E;
	s24 =	sld [smem:$0x3FFE];
	[sflag:s23] =	ssyncadd.s32 $0xFFFFFFFF  }
0xa5: {  	s26 =	simm.s32 $execute0_lowered;
	[smem:$0x3FD2] =	sst s25  }
0xa6: {  	s5 =	sshll.u32 s26, $0x1;
	_ =	strace $0x8000004C;
	[dreg:$0x1] =	wrdreg $0xFFFFFFFF  }
0xa7: {  	s28 =	simm.s32 $_size_execute0_lowered;
	s3 =	sadd.s32 s3, s5;
	[dreg:$0x0] =	wrdreg $0x0  }
0xa8: {  	s5 =	sshll.u32 s28, $0x1;
	[dreg:$0x2] =	wrdreg s3  }
0xa9: {  	[dreg:$0x3] =	wrdreg s5  }
0xaa: {  	[dreg:$0x4] =	wrdreg $0xC0  }
0xab: {  	_ =	task [dreg:s7], $0x5FFFF  }
0xac: {  	[dreg:$0x1] =	wrdreg $0xFFFFFFFF  }
0xad: {  	[dreg:$0x0] =	wrdreg $0x60  }
0xae: {  	[dreg:$0x2] =	wrdreg s2  }
0xaf: {  	[dreg:$0x3] =	wrdreg s24  }
0xb0: {  	[dreg:$0x4] =	wrdreg $0xC2000  }
0xb1: {  	[dreg:$0x5] =	wrdreg $0x9  }
0xb2: {  	_ =	task.clear_ibuf [dreg:s7], $0x6FFFF;
	_ =	strace $0x9000004C  }
0xb3: {  	s29 =	simm.s32 $0x9;
	_ =	strace $0x8000004E  }
0xb4: {  	_ =	swait.ge [sflag:s29], $0x1  }
0xb5: {  	[sflag:s29] =	ssyncadd.s32 $0xFFFFFFFF  }
0xb6: {  	_ =	strace $0x9000004E  }
0xb7: {  	_ =	sfence  }
0xb8: {  	s30 =	sld [smem:$0x0];
	_ =	sdelay $0x2  }
0xb9: {  	s31 =	sshll.u32 s1, $0xD;
	s1 =	sshrl.u32 s1, $0x2  }
0xba: {  	s3 =	sand.u32 $0x4000, s31;
	s1 =	sadd.s32 s1, s30  }
0xbb: {  	s0 =	sor.u32 s3, s0;
	s1 =	sshll.u32 s1, $0x11  }
0xbc: {  	s0 =	sor.u32 s1, s0  }
0xbd: {  	s0 =	sadd.s32 $0x8F2B, s0  }
0xbe: {  	[sflag:s0] =	ssyncadd.remote.s32 $0x1  }
0xbf: {  	_ =	sfence.sel $0xFFFF  }
0xc0: {  	[dreg:$0x0] =	wrdreg $0xFFFFFFFF;
	(pc) =	sbr.abs _section_cstart, $3  }
0xc1: {  	[dreg:$0x1] =	wrdreg $0xFFFFFFFF  }
0xc2: {  	_ =	task.clear_ibuf [dreg:s7], $0x2FFFF;
	_ =	strace $0x9FFFFFFF  }
0xc3: {  	(tm) =	ssettm $0x7FFFFFFF  }
tec
execute0_lowered:
.L_overlay_start_1:
0x0: {  	(tag) =	ssettag $0x1  }
0x1: {  	s1 =	rddreg [dreg:$0x0]  }
0x2: {  	s0 =	rddreg [dreg:$0x1]  }
0x3: {  	s3 =	rddreg [dreg:$0x2]  }
0x4: {  	s2 =	srdreg.scid;
	s8 =	stileid.u32  }
0x5: {  	s4 =	simm.s32 $0x0;
	s16 =	simm.s32 $0x8A00;
	s17 =	simm.s32 $0x1  }
0x6: {  	s18 =	simm.s32 $0x2;
	s19 =	simm.s32 $0x70;
	s20 =	simm.s32 $0x4F00  }
0x7: {  	s21 =	simm.s32 $0x5200;
	s22 =	simm.s32 $0x4;
	s28 =	simm.s32 $0x20  }
0x8: {  	s29 =	simm.s32 $0x5100;
	s30 =	simm.s32 $0x5180;
	s7 =	smul.u32 $0x13C00, s8  }
0x9: {  	s31 =	simm.s32 $0x5;
	s2 =	sand.u32 $0x1, s2;
	s23 =	smul.u32 $0x4F000, s8  }
0xa: {  	s5 =	sshll.u32 s8, $0x1;
	[smem:$0x7FF] =	sst s4;
	s6 =	smul.u32 $0x13C000, s2  }
0xb: {  	s5 =	sor.u32 s2, s5;
	_ =	strace $0x8000004D;
	s2 =	ssub.s32 $0x2, s2  }
0xc: {  	s5 =	smul.u32 $0x4E2, s5;
	s26 =	sshrl.u32 s2, $0x1;
	s6 =	sadd.s32 s7, s6  }
0xd: {  	s2 =	ssub.s32 s2, s26;
	s7 =	sshrl.u32 s23, $0x2;
	s23 =	simm.s32 $0x4F80  }
0xe: {  	s26 =	simm.s32 $0x5080;
	s24 =	sadd.s32 s5, s0;
	s25 =	sshrl.u32 s6, $0x3  }
.Ltmp0:
0xf: {  	s7 =	sadd.s32 s7, s3;
	s14 =	smax.u32 s2, $0x1;
	(pc) =	sbr.rel .LBB2_1-.Ltmp0, $4  }
0x10: {  	s0 =	sadd.s32 s25, s0;
	s5 =	sadd.s32 $0xAC00, s24;
	s6 =	sadd.s32 $0xE00, s24  }
0x11: {  	s8 =	sadd.s32 $0x3800, s7;
	s9 =	sadd.s32 $0x7000, s7;
	s10 =	sadd.s32 $0xA800, s7  }
0x12: {  	s11 =	sadd.s32 $0xE000, s7;
	s12 =	sadd.s32 $0x11800, s7;
	s24 =	simm.s32 $0x5000  }
0x13: {  	v0 =	vimm.f32 $0.0e+00;
	s25 =	simm.s32 $0x3;
	s13 =	sadd.s32 $0x14A00, s0;
	s0 =	simm.s32 $0x0  }
.LBB2_6:
0x14: {  	_ =	swait.ge [sflag:s17], $0x3800  }
0x15: {  	[sflag:s17] =	ssyncset.done $0x0  }
0x16: {  	[sflag:s17] =	ssyncadd.s32 $0xFFFFC800  }
0x17: {  	[spmem:s3] =	stream.indirect.scatter.add.f32 [tilespmem:s21], [sflag:$0x3], $0x80, s24, s19, $0xb8;
	[tilespmem:$0x1FE00] =	vst v63  }
0x18: {  	_ =	swait.ge [sflag:s25], $0x3800  }
0x19: {  	[sflag:s25] =	ssyncset.done $0x0  }
0x1a: {  	[sflag:s25] =	ssyncadd.s32 $0xFFFFC800  }
0x1b: {  	v1 =	vld [tilespmem:$0x26F0]  }
0x1c: {  	v2 =	vld [tilespmem:$0x4E70]  }
0x1d: {  	v3 =	vld [tilespmem:$0x2700]  }
0x1e: {  	v4 =	vld [tilespmem:$0x4E80];
	_ =	sdelay $0x1  }
0x1f: {  	[tilespmem:$0x5100] =	vst v1  }
0x20: {  	[tilespmem:$0x5180] =	vst v2  }
0x21: {  	[tilespmem:$0x5110] =	vst v3  }
0x22: {  	[tilespmem:$0x5190] =	vst v4  }
0x23: {  	[tilespmem:s21], [sflag:$0x1] =	stream.indirect.gather [hbm4b:s1+s28], $0x80, s29, s28, $0xb8;
	[tilespmem:$0x1FE00] =	vst v63  }
0x24: {  	_ =	swait.ge [sflag:s17], $0x1000  }
0x25: {  	[sflag:s17] =	ssyncset.done $0x0  }
0x26: {  	[sflag:s17] =	ssyncadd.s32 $0xFFFFF000  }
0x27: {  	[spmem:s3] =	stream.indirect.scatter.add.f32 [tilespmem:s21], [sflag:$0x3], $0x80, s30, s28, $0xb8;
	[tilespmem:$0x1FE00] =	vst v63  }
0x28: {  	s2 =	stileid.u32;
	_ =	swait.ge [sflag:s25], $0x1000  }
0x29: {  	s15 =	sshrl.u32 s7, $0x3;
	s0 =	sadd.s32 $0x1, s0;
	[sflag:s25] =	ssyncset.done $0x0  }
0x2a: {  	s2 =	sshll.u32 s2, $0x6;
	p0 =	sne.s32 s0, s14;
	[sflag:s25] =	ssyncadd.s32 $0xFFFFF000  }
.Ltmp1:
0x2b: {  	s2 =	sor.u32 $0x1C05, s2;
	[bflag:$0x0] =	sbarrier.arrive $0xFFFF;
	(pc) =	sbr.rel @!p0 .LBB2_7-.Ltmp1, $4  }
0x2c: {  	[hbm:s13], [sflag:s2] =	dma.local [spmem:s15], $0x2780  }
0x2d: {  	_ =	swait.ge [sflag:s31], $0x2780  }
0x2e: {  	[sflag:s31] =	ssyncset.done $0x0  }
0x2f: {  	[sflag:s31] =	ssyncadd.s32 $0xFFFFD880  }
.LBB2_1:
0x30: {  	[tilespmem:s4], [sflag:$0x1] =	stream.linear.gather [hbm4b:s5+s4], $0x2710, $0x38;
	[tilespmem:$0x1FE00] =	vst v63  }
0x31: {  	s2 =	simm.s32 $0x2780  }
0x32: {  	[tilespmem:s2], [sflag:$0x2] =	stream.linear.gather [hbm4b:s6+s4], $0x2710, $0x38;
	[tilespmem:$0x1FE00] =	vst v63  }
0x33: {  	s15 =	simm.s32 $0x3C0;
	s2 =	simm.s32 $0x70  }
.LBB2_2:
0x34: {  	p0 =	sne.s32 s15, $0xDFC0;
	[tilespmem:s2+$0x8A00] =	vst v0  }
0x35: {  	[tilespmem:s2+$0x8990] =	vst v0  }
0x36: {  	[tilespmem:s2+$0x89A0] =	vst v0  }
.Ltmp2:
0x37: {  	[tilespmem:s2+$0x89B0] =	vst v0;
	(pc) =	sbr.rel @p0 .LBB2_2-.Ltmp2, $4  }
0x38: {  	[tilespmem:s2+$0x89C0] =	vst v0  }
0x39: {  	[tilespmem:s2+$0x89D0] =	vst v0  }
0x3a: {  	[tilespmem:s2+$0x89E0] =	vst v0  }
0x3b: {  	[tilespmem:s2+$0x89F0] =	vst v0;
	s2 =	sshra.s32 s15, $0x2;
	s15 =	sadd.s32 $0x200, s15  }
0x3c: {  	[tilespmem:s2+$0x8A00] =	vst v0  }
0x3d: {  	[tilespmem:s2+$0x8990] =	vst v0  }
0x3e: {  	[tilespmem:s2+$0x89A0] =	vst v0  }
0x3f: {  	[tilespmem:s2+$0x89B0] =	vst v0  }
0x40: {  	[tilespmem:s2+$0x89C0] =	vst v0  }
0x41: {  	[tilespmem:s2+$0x89D0] =	vst v0  }
0x42: {  	[tilespmem:s2+$0x89E0] =	vst v0  }
0x43: {  	[tilespmem:s2+$0x89F0] =	vst v0  }
0x44: {  	[spmem:s7] =	stream.linear.scatter [tilespmem:s16], [sflag:$0x4], $0x3800, $0x38;
	[tilespmem:$0x1FE00] =	vst v63  }
0x45: {  	_ = 	snop  }
0x46: {  	[spmem:s8] =	stream.linear.scatter [tilespmem:s16], [sflag:$0x4], $0x3800, $0x38;
	[tilespmem:$0x1FE00] =	vst v63  }
0x47: {  	_ = 	snop  }
0x48: {  	[spmem:s9] =	stream.linear.scatter [tilespmem:s16], [sflag:$0x4], $0x3800, $0x38;
	[tilespmem:$0x1FE00] =	vst v63  }
0x49: {  	_ = 	snop  }
0x4a: {  	[spmem:s10] =	stream.linear.scatter [tilespmem:s16], [sflag:$0x4], $0x3800, $0x38;
	[tilespmem:$0x1FE00] =	vst v63  }
0x4b: {  	_ = 	snop  }
0x4c: {  	[spmem:s11] =	stream.linear.scatter [tilespmem:s16], [sflag:$0x4], $0x3800, $0x38;
	[tilespmem:$0x1FE00] =	vst v63  }
0x4d: {  	_ = 	snop  }
0x4e: {  	[spmem:s12] =	stream.linear.scatter [tilespmem:s16], [sflag:$0x4], $0x2400, $0x38;
	[tilespmem:$0x1FE00] =	vst v63  }
0x4f: {  	_ =	swait.ge [sflag:s17], $0x2710  }
0x50: {  	[sflag:s17] =	ssyncset.done $0x0  }
0x51: {  	[sflag:s17] =	ssyncadd.s32 $0xFFFFD8F0  }
0x52: {  	_ =	swait.ge [sflag:s18], $0x2710  }
0x53: {  	[sflag:s18] =	ssyncset.done $0x0  }
0x54: {  	[sflag:s18] =	ssyncadd.s32 $0xFFFFD8F0  }
0x55: {  	v1 =	vld [tilespmem:$0x0]  }
0x56: {  	v2 =	vld [tilespmem:$0x2780]  }
0x57: {  	v3 =	vld [tilespmem:$0x10]  }
0x58: {  	v4 =	vld [tilespmem:$0x2790]  }
0x59: {  	v5 =	vld [tilespmem:$0x20]  }
0x5a: {  	v56 =	vld [tilespmem:$0x40];
	[tilespmem:$0x4F00] =	vst v1  }
0x5b: {  	v1 =	vld [tilespmem:$0x27A0];
	[tilespmem:$0x5000] =	vst v2  }
0x5c: {  	v2 =	vld [tilespmem:$0x30];
	[tilespmem:$0x4F10] =	vst v3  }
0x5d: {  	v3 =	vld [tilespmem:$0x27B0];
	[tilespmem:$0x5010] =	vst v4  }
0x5e: {  	v57 =	vld [tilespmem:$0x27C0];
	[tilespmem:$0x4F20] =	vst v5  }
0x5f: {  	v58 =	vld [tilespmem:$0x27E0];
	[tilespmem:$0x4F40] =	vst v56  }
0x60: {  	[tilespmem:$0x5020] =	vst v1;
	v1 =	vld [tilespmem:$0x50]  }
0x61: {  	[tilespmem:$0x4F30] =	vst v2;
	v2 =	vld [tilespmem:$0x27D0]  }
0x62: {  	[tilespmem:$0x5030] =	vst v3;
	v3 =	vld [tilespmem:$0x60]  }
0x63: {  	[tilespmem:$0x5040] =	vst v57  }
0x64: {  	[tilespmem:$0x5060] =	vst v58  }
0x65: {  	[tilespmem:$0x4F50] =	vst v1  }
0x66: {  	[tilespmem:$0x5050] =	vst v2  }
0x67: {  	[tilespmem:$0x4F60] =	vst v3  }
0x68: {  	[tilespmem:s21], [sflag:$0x1] =	stream.indirect.gather [hbm4b:s1+s19], $0x80, s20, s19, $0xb8;
	[tilespmem:$0x1FE00] =	vst v63  }
0x69: {  	_ =	swait.ge [sflag:s22], $0x3800  }
0x6a: {  	[sflag:s22] =	ssyncset.done $0x0  }
0x6b: {  	[sflag:s22] =	ssyncadd.s32 $0xFFFFC800  }
0x6c: {  	_ =	swait.ge [sflag:s22], $0x3800  }
0x6d: {  	[sflag:s22] =	ssyncset.done $0x0  }
0x6e: {  	[sflag:s22] =	ssyncadd.s32 $0xFFFFC800  }
0x6f: {  	_ =	swait.ge [sflag:s22], $0x3800  }
0x70: {  	[sflag:s22] =	ssyncset.done $0x0  }
0x71: {  	[sflag:s22] =	ssyncadd.s32 $0xFFFFC800  }
0x72: {  	_ =	swait.ge [sflag:s22], $0x3800  }
0x73: {  	[sflag:s22] =	ssyncset.done $0x0  }
0x74: {  	[sflag:s22] =	ssyncadd.s32 $0xFFFFC800  }
0x75: {  	_ =	swait.ge [sflag:s22], $0x3800  }
0x76: {  	[sflag:s22] =	ssyncset.done $0x0  }
0x77: {  	[sflag:s22] =	ssyncadd.s32 $0xFFFFC800  }
0x78: {  	_ =	swait.ge [sflag:s22], $0x2400  }
0x79: {  	[sflag:s22] =	ssyncset.done $0x0  }
0x7a: {  	[sflag:s22] =	ssyncadd.s32 $0xFFFFDC00  }
0x7b: {  	[bflag:$0x0] =	sbarrier.arrive $0xFFFF  }
0x7c: {  	v1 =	vld [tilespmem:$0x70]  }
0x7d: {  	v2 =	vld [tilespmem:$0x27F0]  }
0x7e: {  	v3 =	vld [tilespmem:$0x80]  }
0x7f: {  	v59 =	vld [tilespmem:$0x2800]  }
0x80: {  	v60 =	vld [tilespmem:$0x90]  }
0x81: {  	v61 =	vld [tilespmem:$0xB0];
	[tilespmem:$0x4F80] =	vst v1  }
0x82: {  	v1 =	vld [tilespmem:$0x2810];
	[tilespmem:$0x5080] =	vst v2  }
0x83: {  	v2 =	vld [tilespmem:$0xA0];
	[tilespmem:$0x4F90] =	vst v3  }
0x84: {  	v3 =	vld [tilespmem:$0x2820];
	[tilespmem:$0x5090] =	vst v59  }
0x85: {  	v62 =	vld [tilespmem:$0x2830];
	[tilespmem:$0x4FA0] =	vst v60  }
0x86: {  	v63 =	vld [tilespmem:$0x2850];
	[tilespmem:$0x4FC0] =	vst v61  }
0x87: {  	[tilespmem:$0x50A0] =	vst v1;
	v1 =	vld [tilespmem:$0xC0]  }
0x88: {  	[tilespmem:$0x4FB0] =	vst v2;
	v2 =	vld [tilespmem:$0x2840]  }
0x89: {  	[tilespmem:$0x50B0] =	vst v3;
	v3 =	vld [tilespmem:$0xD0]  }
0x8a: {  	[tilespmem:$0x50C0] =	vst v62  }
0x8b: {  	[tilespmem:$0x50E0] =	vst v63  }
0x8c: {  	[tilespmem:$0x4FD0] =	vst v1  }
0x8d: {  	[tilespmem:$0x50D0] =	vst v2  }
0x8e: {  	s15 =	simm.s32 $0x6C0;
	[tilespmem:$0x4FE0] =	vst v3  }
0x8f: {  	[tilespmem:s16], [sflag:$0x2] =	stream.indirect.gather [hbm4b:s1+s19], $0x80, s23, s19, $0xb8;
	[tilespmem:$0x1FE00] =	vst v63  }
.LBB2_4:
0x90: {  	_ =	swait.ge [sflag:s17], $0x3800  }
0x91: {  	[sflag:s17] =	ssyncset.done $0x0  }
0x92: {  	[sflag:s17] =	ssyncadd.s32 $0xFFFFC800  }
0x93: {  	[spmem:s3] =	stream.indirect.scatter.add.f32 [tilespmem:s21], [sflag:$0x3], $0x80, s24, s19, $0xb8;
	[tilespmem:$0x1FE00] =	vst v63  }
0x94: {  	_ =	swait.ge [sflag:s25], $0x3800  }
0x95: {  	[sflag:s25] =	ssyncset.done $0x0  }
0x96: {  	s2 =	sshra.s32 s15, $0x2;
	[sflag:s25] =	ssyncadd.s32 $0xFFFFC800  }
0x97: {  	v1 =	vld [tilespmem:s2+$0xFFFFFF30];
	_ =	sdelay $0x4  }
0x98: {  	[tilespmem:$0x4F00] =	vst v1  }
0x99: {  	v1 =	vld [tilespmem:s2+$0x26B0];
	_ =	sdelay $0x4  }
0x9a: {  	[tilespmem:$0x5000] =	vst v1  }
0x9b: {  	v1 =	vld [tilespmem:s2+$0xFFFFFF40];
	_ =	sdelay $0x4  }
0x9c: {  	[tilespmem:$0x4F10] =	vst v1  }
0x9d: {  	v1 =	vld [tilespmem:s2+$0x26C0];
	_ =	sdelay $0x4  }
0x9e: {  	[tilespmem:$0x5010] =	vst v1  }
0x9f: {  	v1 =	vld [tilespmem:s2+$0xFFFFFF50];
	_ =	sdelay $0x4  }
0xa0: {  	[tilespmem:$0x4F20] =	vst v1  }
0xa1: {  	v1 =	vld [tilespmem:s2+$0x26D0];
	_ =	sdelay $0x4  }
0xa2: {  	[tilespmem:$0x5020] =	vst v1  }
0xa3: {  	v1 =	vld [tilespmem:s2+$0xFFFFFF60];
	_ =	sdelay $0x4  }
0xa4: {  	[tilespmem:$0x4F30] =	vst v1  }
0xa5: {  	v1 =	vld [tilespmem:s2+$0x26E0];
	_ =	sdelay $0x4  }
0xa6: {  	[tilespmem:$0x5030] =	vst v1  }
0xa7: {  	v1 =	vld [tilespmem:s2+$0xFFFFFF70];
	_ =	sdelay $0x4  }
0xa8: {  	[tilespmem:$0x4F40] =	vst v1  }
0xa9: {  	v1 =	vld [tilespmem:s2+$0x26F0];
	_ =	sdelay $0x4  }
0xaa: {  	[tilespmem:$0x5040] =	vst v1  }
0xab: {  	v1 =	vld [tilespmem:s2+$0xFFFFFF80];
	_ =	sdelay $0x4  }
0xac: {  	[tilespmem:$0x4F50] =	vst v1  }
0xad: {  	v1 =	vld [tilespmem:s2+$0x2700];
	_ =	sdelay $0x4  }
0xae: {  	[tilespmem:$0x5050] =	vst v1  }
0xaf: {  	v1 =	vld [tilespmem:s2+$0xFFFFFF90];
	_ =	sdelay $0x4  }
0xb0: {  	[tilespmem:$0x4F60] =	vst v1  }
0xb1: {  	v1 =	vld [tilespmem:s2+$0x2710];
	_ =	sdelay $0x4  }
0xb2: {  	[tilespmem:$0x5060] =	vst v1  }
0xb3: {  	[tilespmem:s21], [sflag:$0x1] =	stream.indirect.gather [hbm4b:s1+s19], $0x80, s20, s19, $0xb8;
	[tilespmem:$0x1FE00] =	vst v63  }
0xb4: {  	_ =	swait.ge [sflag:s18], $0x3800  }
0xb5: {  	p0 =	seq.s32 s15, $0x9D40;
	[sflag:s18] =	ssyncset.done $0x0  }
.Ltmp3:
0xb6: {  	[sflag:s18] =	ssyncadd.s32 $0xFFFFC800;
	(pc) =	sbr.rel @p0 .LBB2_6-.Ltmp3, $4  }
0xb7: {  	[spmem:s3] =	stream.indirect.scatter.add.f32 [tilespmem:s16], [sflag:$0x4], $0x80, s26, s19, $0xb8;
	[tilespmem:$0x1FE00] =	vst v63  }
0xb8: {  	_ =	swait.ge [sflag:s22], $0x3800  }
0xb9: {  	[sflag:s22] =	ssyncset.done $0x0  }
0xba: {  	[sflag:s22] =	ssyncadd.s32 $0xFFFFC800  }
0xbb: {  	v1 =	vld [tilespmem:s2+$0xFFFFFFA0];
	_ =	sdelay $0x4  }
0xbc: {  	[tilespmem:$0x4F80] =	vst v1  }
0xbd: {  	v1 =	vld [tilespmem:s2+$0x2720];
	_ =	sdelay $0x4  }
0xbe: {  	[tilespmem:$0x5080] =	vst v1  }
0xbf: {  	v1 =	vld [tilespmem:s2+$0xFFFFFFB0];
	_ =	sdelay $0x4  }
0xc0: {  	[tilespmem:$0x4F90] =	vst v1  }
0xc1: {  	v1 =	vld [tilespmem:s2+$0x2730];
	_ =	sdelay $0x4  }
0xc2: {  	[tilespmem:$0x5090] =	vst v1  }
0xc3: {  	v1 =	vld [tilespmem:s2+$0xFFFFFFC0];
	_ =	sdelay $0x4  }
0xc4: {  	[tilespmem:$0x4FA0] =	vst v1  }
0xc5: {  	v1 =	vld [tilespmem:s2+$0x2740];
	_ =	sdelay $0x4  }
0xc6: {  	[tilespmem:$0x50A0] =	vst v1  }
0xc7: {  	v1 =	vld [tilespmem:s2+$0xFFFFFFD0];
	_ =	sdelay $0x4  }
0xc8: {  	[tilespmem:$0x4FB0] =	vst v1  }
0xc9: {  	v1 =	vld [tilespmem:s2+$0x2750];
	_ =	sdelay $0x4  }
0xca: {  	[tilespmem:$0x50B0] =	vst v1  }
0xcb: {  	v1 =	vld [tilespmem:s2+$0xFFFFFFE0];
	_ =	sdelay $0x4  }
0xcc: {  	[tilespmem:$0x4FC0] =	vst v1  }
0xcd: {  	v1 =	vld [tilespmem:s2+$0x2760];
	_ =	sdelay $0x4  }
0xce: {  	[tilespmem:$0x50C0] =	vst v1  }
0xcf: {  	v1 =	vld [tilespmem:s2+$0xFFFFFFF0];
	_ =	sdelay $0x4  }
0xd0: {  	[tilespmem:$0x4FD0] =	vst v1  }
0xd1: {  	v1 =	vld [tilespmem:s2+$0x2770];
	_ =	sdelay $0x4  }
0xd2: {  	[tilespmem:$0x50D0] =	vst v1  }
0xd3: {  	v1 =	vld [tilespmem:s2+$0x0];
	_ =	sdelay $0x4  }
0xd4: {  	[tilespmem:$0x4FE0] =	vst v1  }
0xd5: {  	v1 =	vld [tilespmem:s2+$0x2780];
	_ =	sdelay $0x1  }
.Ltmp4:
0xd6: {  	_ = 	snop;
	(pc) =	sbr.rel .LBB2_4-.Ltmp4, $3  }
0xd7: {  	_ =	sdelay $0x1  }
0xd8: {  	s15 =	sadd.s32 $0x380, s15;
	[tilespmem:$0x50E0] =	vst v1  }
0xd9: {  	[tilespmem:s16], [sflag:$0x2] =	stream.indirect.gather [hbm4b:s1+s19], $0x80, s23, s19, $0xb8;
	[tilespmem:$0x1FE00] =	vst v63  }
.LBB2_7:
0xda: {  	_ =	sfence.sel $0x180000  }
0xdb: {  	[bflag:$0x0] =	sbarrier.arrive $0xFFFF  }
0xdc: {  	_ =	strace $0x9000004D  }
0xdd: {  	s0 =	stileid.u32;
	[bflag:$0x2] =	sbarrier.arrive $0xFFFF  }
0xde: {  	p0 =	sne.s32 s0, $0x0;
	s0 =	rddreg [dreg:$0x3]  }
0xdf: {  	s0 =	sadd.s32 @!p0 $0x100000, s0  }
0xe0: {  	[sflag:s0] =	ssyncadd.tile.s32 @!p0 $0x1;
	_ =	shalt  }
.Lfunc_end2:
_tile_overlayer_lowered:
.L_overlay_start_2:
0xe1: {  	(tag) =	ssettag $0x2  }
0xe2: {  	s0 =	rddreg [dreg:$0x0];
	s2 =	stileid.u32  }
0xe3: {  	s1 =	rddreg [dreg:$0x1];
	p0 =	sne.s32 s2, $0x0  }
0xe4: {  	s3 =	rddreg [dreg:$0x2];
	[bflag:$0x3] =	sbarrier.arrive $0xFFFF;
	s2 =	simm.s32 @!p0 $0x1C05  }
0xe5: {  	[timem:s3], [sflag:s2] =	dma.local @!p0 [hbm:s0], s1  }
0xe6: {  	s0 =	simm.s32 @!p0 $0x5  }
0xe7: {  	_ =	swait.ge @!p0 [sflag:s0], s1  }
0xe8: {  	s1 =	ssub.s32 @!p0 $0x0, s1;
	[sflag:s0] =	ssyncset.done @!p0 $0x0  }
0xe9: {  	[sflag:s0] =	ssyncadd.s32 @!p0 s1  }
0xea: {  	[bflag:$0x3] =	sbarrier.arrive $0xFFFF  }
0xeb: {  	_ =	shalt  }

// kernel: kernel.7.cloned.1.call-start
scs
__scs_entry_jumppad:
0x0: {  	(pc) =	sbr.rel $0x88, $3  }
0x1: {  	(tag) =	ssettag $0x0;
	lr =	simm.s32 $0x1  }
0x2: {  	[smem:$0x3F9D] =	sst lr;
	_ =	strace $0xD0000000  }
0x3: {  	_ = 	snop  }
0x4: {  	_ = 	snop  }
0x5: {  	_ = 	snop  }
0x6: {  	_ = 	snop  }
0x7: {  	_ = 	snop  }
__scs_overlays_trampoline_lowered:
0x8: {  	[smem:$0x3FAC] =	sst s0  }
0x9: {  	[smem:$0x3FAD] =	sst s1  }
0xa: {  	[smem:$0x3FAE] =	sst s2  }
0xb: {  	[smem:$0x3FAF] =	sst s3  }
0xc: {  	[smem:$0x3FB0] =	sst s4  }
0xd: {  	[smem:$0x3FB1] =	sst s5  }
0xe: {  	[smem:$0x3FB2] =	sst s6  }
0xf: {  	[smem:$0x3FB3] =	sst s7  }
0x10: {  	[smem:$0x3FB4] =	sst s8  }
0x11: {  	[smem:$0x3FB5] =	sst s9;
	s0 =	simm.s32 @!p0 $0x0  }
0x12: {  	s1 =	sld [smem:$0x3F9B];
	s0 =	simm.s32 @p0 $0x1  }
0x13: {  	[smem:$0x3FB6] =	sst s0;
	s0 =	simm.s32 @!p1 $0x0  }
0x14: {  	s2 =	sld [smem:$0x3F9A];
	s0 =	simm.s32 @p1 $0x1  }
0x15: {  	[smem:$0x3FB7] =	sst s0;
	s0 =	simm.s32 @!p2 $0x0  }
0x16: {  	s3 =	sld [smem:$0x3FDB];
	s0 =	simm.s32 @p2 $0x1  }
0x17: {  	s4 =	simm.s32 $0x1BF5;
	[smem:$0x3FB9] =	sst s0  }
0x18: {  	s0 =	sld [smem:$0x3F9C];
	_ =	swait.ge [sflag:s4], $0x0  }
0x19: {  	s7 =	sld [smem:$0x3F9D]  }
0x1a: {  	s8 =	sadd.s32 $0xFFFFE003, lr  }
0x1b: {  	s9 =	sadd.s32 $0xFFFFFEF7, lr;
	s5 =	simm.s32 $0xFFFFFFFF;
	p2 =	slt.u32 s8, $0xFFFFF086  }
0x1c: {  	p1 =	slt.u32 s9, $0xF7A;
	s5 =	simm.s32 @!p2 $0x0  }
0x1d: {  	s5 =	simm.s32 @p1 $0x1;
	p0 =	seq.s32 s7, s2  }
0x1e: {  	s7 =	smul.u32 @!p0 $0xF7A, s2;
	p2 =	seq.s32 @!p0 s5, $0x0  }
0x1f: {  	s9 =	smul.u32 $0xF7A, s1;
	s8 =	simm.s32 @!p0 $0x1BF5;
	p2 =	por !p2, p0  }
0x20: {  	[sflag:s8] =	ssyncset.s32 @!p0 $0xFFFFF086;
	s6 =	sadd.s32 @!p0 s3, s7;
	s7 =	simm.s32 @!p0 $0x108  }
0x21: {  	s3 =	sadd.s32 s3, s9;
	s6 =	sadd.s32 @!p0 $0x88, s6;
	s7 =	simm.s32 @p2 $0x1082  }
0x22: {  	[simem:s7], [sflag:s8] =	dma.local @!p0 [hbm:s6], $0xF7A  }
0x23: {  	s9 =	sor.u32 $0xD0000000, s2;
	s6 =	simm.s32 $0x108;
	_ =	swait.ge @!p0 [sflag:s8], $0x0  }
0x24: {  	s3 =	sadd.s32 $0x88, s3;
	s6 =	simm.s32 @!p1 $0x1082;
	[sflag:s4] =	ssyncset.s32 $0xFFFFF086  }
0x25: {  	[simem:s6], [sflag:s4] =	dma.local [hbm:s3], $0xF7A  }
0x26: {  	[smem:$0x3F9D] =	sst s1;
	(tag) =	ssettag s2;
	_ =	strace s9  }
0x27: {  	s1 =	sld [smem:$0x3FAD]  }
0x28: {  	s2 =	sld [smem:$0x3FAE]  }
0x29: {  	s4 =	sld [smem:$0x3FB0]  }
0x2a: {  	p0 =	seq.s32 s5, $0x0;
	s5 =	sld [smem:$0x3FB1]  }
0x2b: {  	s6 =	sld [smem:$0x3FB2]  }
0x2c: {  	s7 =	sld [smem:$0x3FB3]  }
0x2d: {  	s3 =	simm.s32 $0x108;
	s8 =	sld [smem:$0x3FB4]  }
0x2e: {  	s3 =	simm.s32 @!p0 $0x1082;
	s9 =	sld [smem:$0x3FB5]  }
0x2f: {  	lr =	sadd.s32 s0, s3;
	s0 =	sld [smem:$0x3FAC]  }
0x30: {  	s3 =	sld [smem:$0x3FAF]  }
0x31: {  	[smem:$0x3FB8] =	sst s10  }
0x32: {  	s10 =	sld [smem:$0x3FB6];
	_ =	sdelay $0x3  }
0x33: {  	p0 =	seq.s32 s10, $0x1;
	s10 =	sld [smem:$0x3FB8];
	_ =	sdelay $0x3  }
0x34: {  	[smem:$0x3FB8] =	sst s10  }
0x35: {  	s10 =	sld [smem:$0x3FB7];
	_ =	sdelay $0x3  }
0x36: {  	p1 =	seq.s32 s10, $0x1;
	s10 =	sld [smem:$0x3FB8];
	_ =	sdelay $0x3  }
0x37: {  	[smem:$0x3FB8] =	sst s10  }
0x38: {  	s10 =	sld [smem:$0x3FB9]  }
0x39: {  	_ = 	snop;
	(pc) =	sbr.ind lr, $3  }
0x3a: {  	_ = 	snop  }
0x3b: {  	_ = 	snop  }
0x3c: {  	p2 =	seq.s32 s10, $0x1;
	s10 =	sld [smem:$0x3FB8]  }
0x3d: {  	_ =	shalt  }
0x3e: {  	_ =	shalt  }
0x3f: {  	_ =	shalt  }
0x40: {  	_ =	shalt  }
0x41: {  	_ =	shalt  }
0x42: {  	_ =	shalt  }
0x43: {  	_ =	shalt  }
0x44: {  	_ =	shalt  }
0x45: {  	_ =	shalt  }
0x46: {  	_ =	shalt  }
0x47: {  	_ =	shalt  }
0x48: {  	_ =	shalt  }
0x49: {  	_ =	shalt  }
0x4a: {  	_ =	shalt  }
0x4b: {  	_ =	shalt  }
0x4c: {  	_ =	shalt  }
0x4d: {  	_ =	shalt  }
0x4e: {  	_ =	shalt  }
0x4f: {  	_ =	shalt  }
0x50: {  	_ =	shalt  }
0x51: {  	_ =	shalt  }
0x52: {  	_ =	shalt  }
0x53: {  	_ =	shalt  }
0x54: {  	_ =	shalt  }
0x55: {  	_ =	shalt  }
0x56: {  	_ =	shalt  }
0x57: {  	_ =	shalt  }
0x58: {  	_ =	shalt  }
0x59: {  	_ =	shalt  }
0x5a: {  	_ =	shalt  }
0x5b: {  	_ =	shalt  }
0x5c: {  	_ =	shalt  }
0x5d: {  	_ =	shalt  }
0x5e: {  	_ =	shalt  }
0x5f: {  	_ =	shalt  }
0x60: {  	_ =	shalt  }
0x61: {  	_ =	shalt  }
0x62: {  	_ =	shalt  }
0x63: {  	_ =	shalt  }
0x64: {  	_ =	shalt  }
0x65: {  	_ =	shalt  }
0x66: {  	_ =	shalt  }
0x67: {  	_ =	shalt  }
0x68: {  	_ =	shalt  }
0x69: {  	_ =	shalt  }
0x6a: {  	_ =	shalt  }
0x6b: {  	_ =	shalt  }
0x6c: {  	_ =	shalt  }
0x6d: {  	_ =	shalt  }
0x6e: {  	_ =	shalt  }
0x6f: {  	_ =	shalt  }
0x70: {  	_ =	shalt  }
0x71: {  	_ =	shalt  }
0x72: {  	_ =	shalt  }
0x73: {  	_ =	shalt  }
0x74: {  	_ =	shalt  }
0x75: {  	_ =	shalt  }
0x76: {  	_ =	shalt  }
0x77: {  	_ =	shalt  }
0x78: {  	_ =	shalt  }
0x79: {  	_ =	shalt  }
0x7a: {  	_ =	shalt  }
0x7b: {  	_ =	shalt  }
0x7c: {  	_ =	shalt  }
0x7d: {  	_ =	shalt  }
0x7e: {  	_ =	shalt  }
0x7f: {  	_ =	shalt  }
0x80: {  	_ =	shalt  }
0x81: {  	_ =	shalt  }
0x82: {  	_ =	shalt  }
0x83: {  	_ =	shalt  }
0x84: {  	_ =	shalt  }
0x85: {  	_ =	shalt  }
0x86: {  	_ =	shalt  }
0x87: {  	_ =	shalt  }
.Lfunc_end0:
.L_simem_size_0:
called_computation_lowered:
.L_overlay_start_0:
0x88: {  	s2 =	sld [smem:$0x3FD9]  }
0x89: {  	s3 =	sld [smem:$0x3FFE];
	_ =	sdelay $0x1  }
0x8a: {  	s1 =	srdreg.scid  }
0x8b: {  	s0 =	sand.u32 $0x1, s1  }
0x8c: {  	s17 =	sshll.u32 s0, $0xA;
	s2 =	sadd.s32 s3, s2  }
0x8d: {  	s2 =	sadd.s32 s2, s17  }
0x8e: {  	[smem:$0x3FC4] =	sst s2  }
0x8f: {  	_ = 	snop  }
0x90: {  	s2 =	sld [smem:$0x3FD0];
	(tm) =	ssettm $0x1  }
0x91: {  	s18 =	sld [smem:$0x3FFB];
	_ =	sdelay $0x3  }
0x92: {  	_ =	strace s18  }
0x93: {  	s3 =	sld [smem:$0x3FFC];
	_ =	sdelay $0x3  }
0x94: {  	_ =	strace s3  }
0x95: {  	s3 =	sld [smem:$0x3FFD];
	_ =	sdelay $0x3  }
0x96: {  	_ =	strace s3  }
0x97: {  	_ =	strace $0x8FFFFFFF  }
0x98: {  	s19 =	sld [smem:$0x3FDB];
	_ =	sdelay $0x1  }
0x99: {  	s4 =	simm.s32 $_scs_section_size  }
0x9a: {  	s5 =	simm.s32 $_size__tile_overlayer_lowered;
	s6 =	simm.s32 $_tile_overlayer_lowered  }
0x9b: {  	s22 =	simm.s32 $0x1BFF;
	s21 =	sshll.u32 s6, $0x1;
	s3 =	sadd.s32 s4, s19  }
0x9c: {  	s7 =	simm.s32 $0x0;
	s20 =	sshll.u32 s5, $0x1;
	s5 =	sadd.s32 s21, s3  }
0x9d: {  	[timem:s7], [sflag:s22] =	dma.local [hbm:s5], s20  }
0x9e: {  	_ =	swait.ge [sflag:s22], s20  }
0x9f: {  	s4 =	ssub.s32 $0x0, s20;
	[sflag:s22] =	ssyncset.done $0x0  }
0xa0: {  	[sflag:s22] =	ssyncadd.s32 s4;
	_ =	sdelay $0x1  }
0xa1: {  	s23 =	simm.s32 $0x1B8B  }
0xa2: {  	_ =	swait.ge [sflag:s23], $0x1  }
0xa3: {  	[sflag:s23] =	ssyncset.done $0x0  }
0xa4: {  	s25 =	simm.s32 $0x1B8E;
	s24 =	sld [smem:$0x3FFE];
	[sflag:s23] =	ssyncadd.s32 $0xFFFFFFFF  }
0xa5: {  	s26 =	simm.s32 $execute0_lowered;
	[smem:$0x3FD2] =	sst s25  }
0xa6: {  	s5 =	sshll.u32 s26, $0x1;
	_ =	strace $0x80000046;
	[dreg:$0x1] =	wrdreg $0xFFFFFFFF  }
0xa7: {  	s28 =	simm.s32 $_size_execute0_lowered;
	s3 =	sadd.s32 s3, s5;
	[dreg:$0x0] =	wrdreg $0x0  }
0xa8: {  	s5 =	sshll.u32 s28, $0x1;
	[dreg:$0x2] =	wrdreg s3  }
0xa9: {  	[dreg:$0x3] =	wrdreg s5  }
0xaa: {  	[dreg:$0x4] =	wrdreg $0xC0  }
0xab: {  	_ =	task [dreg:s7], $0x5FFFF  }
0xac: {  	[dreg:$0x1] =	wrdreg $0xFFFFFFFF  }
0xad: {  	[dreg:$0x0] =	wrdreg $0x60  }
0xae: {  	[dreg:$0x2] =	wrdreg s24  }
0xaf: {  	[dreg:$0x3] =	wrdreg s2  }
0xb0: {  	[dreg:$0x4] =	wrdreg $0x9  }
0xb1: {  	_ =	task.clear_ibuf [dreg:s7], $0x5FFFF;
	_ =	strace $0x90000046  }
0xb2: {  	s29 =	simm.s32 $0x9;
	_ =	strace $0x80000048  }
0xb3: {  	_ =	swait.ge [sflag:s29], $0x1  }
0xb4: {  	[sflag:s29] =	ssyncadd.s32 $0xFFFFFFFF  }
0xb5: {  	_ =	strace $0x90000048  }
0xb6: {  	_ =	sfence  }
0xb7: {  	s30 =	sld [smem:$0x0];
	_ =	sdelay $0x2  }
0xb8: {  	s31 =	sshll.u32 s1, $0xD;
	s1 =	sshrl.u32 s1, $0x2  }
0xb9: {  	s3 =	sand.u32 $0x4000, s31;
	s1 =	sadd.s32 s1, s30  }
0xba: {  	s0 =	sor.u32 s3, s0;
	s1 =	sshll.u32 s1, $0x11  }
0xbb: {  	s0 =	sor.u32 s1, s0  }
0xbc: {  	s0 =	sadd.s32 $0x8F2B, s0  }
0xbd: {  	[sflag:s0] =	ssyncadd.remote.s32 $0x1  }
0xbe: {  	_ =	sfence.sel $0xFFFF  }
0xbf: {  	[dreg:$0x0] =	wrdreg $0xFFFFFFFF;
	(pc) =	sbr.abs _section_cstart, $3  }
0xc0: {  	[dreg:$0x1] =	wrdreg $0xFFFFFFFF  }
0xc1: {  	_ =	task.clear_ibuf [dreg:s7], $0x2FFFF;
	_ =	strace $0x9FFFFFFF  }
0xc2: {  	(tm) =	ssettm $0x7FFFFFFF  }
0xc3: {  	_ =	shalt  }
tec
execute0_lowered:
.L_overlay_start_1:
0x0: {  	(tag) =	ssettag $0x1  }
0x1: {  	s3 =	rddreg [dreg:$0x0]  }
0x2: {  	s1 =	srdreg.scid;
	s0 =	stileid.u32  }
0x3: {  	s4 =	rddreg [dreg:$0x1];
	s5 =	sand.u32 $0x1, s1;
	s2 =	sshll.u32 s0, $0x1  }
0x4: {  	s1 =	rddreg [dreg:$0x2];
	s6 =	sor.u32 s5, s2  }
0x5: {  	s2 =	simm.s32 $0x0;
	s5 =	ssub.s32 $0x2, s5;
	s7 =	smul.u32 $0x4E2, s6  }
0x6: {  	[smem:$0x7FF] =	sst s2;
	s8 =	sshrl.u32 s5, $0x1;
	s6 =	smul.u32 $0x4F0, s6  }
0x7: {  	_ =	strace $0x80000047;
	s5 =	ssub.s32 s5, s8;
	s8 =	simm.s32 $0x0  }
0x8: {  	s3 =	sadd.s32 s7, s3;
	s4 =	sadd.s32 s4, s6;
	s5 =	smax.u32 s5, $0x1  }
0x9: {  	v0 =	vimm.f32 $0.0e+00;
	v1 =	vimm.f32 $1.000000000e+00;
	s6 =	simm.s32 $0x1;
	s7 =	simm.s32 $0x2780;
	s3 =	sadd.s32 $0xE00, s3  }
.LBB2_1:
0xa: {  	[tilespmem:s2], [sflag:$0x1] =	stream.linear.gather [hbm4b:s3+s2], $0x2710, $0x38;
	[tilespmem:$0x4F00] =	vst v63  }
0xb: {  	_ =	swait.ge [sflag:s6], $0x2710  }
0xc: {  	[sflag:s6] =	ssyncset.done $0x0  }
0xd: {  	s9 =	simm.s32 $0x0;
	[sflag:s6] =	ssyncadd.s32 $0xFFFFD8F0  }
.LBB2_2:
0xe: {  	p0 =	sne.s32 s9, $0x9DC0  }
.Ltmp0:
0xf: {  	_ = 	snop;
	(pc) =	sbr.rel @p0 .LBB2_2-.Ltmp0, $3  }
0x10: {  	_ =	sdelay $0x1  }
0x11: {  	s10 =	sshra.s32 s9, $0x2  }
0x12: {  	s9 =	sadd.s32 $0x40, s9;
	[tilespmem:s10+$0x2780] =	vst v0  }
0x13: {  	s10 =	simm.s32 $0x0;
	s9 =	simm.s32 $0x40  }
.LBB2_4:
0x14: {  	p0 =	sne.s32 s9, $0x9C00;
	v2 =	vld [tilespmem:s10+$0x0];
	_ =	sdelay $0x3  }
.Ltmp1:
0x15: {  	(pc) =	sbr.rel @p0 .LBB2_4-.Ltmp1, $2  }
0x16: {  	_ =	sdelay $0x2  }
0x17: {  	s10 =	sshra.s32 s9, $0x2;
	s9 =	sadd.s32 $0x40, s9;
	[tilespmem:v2+s7+$0x0] =	vst.idx.add.f32.msk $0xffff, v1  }
0x18: {  	v2 =	vld [tilespmem:s10+$0x0];
	_ =	sdelay $0x5  }
0x19: {  	s8 =	sadd.s32 $0x1, s8  }
0x1a: {  	p0 =	sne.s32 s8, s5  }
.Ltmp2:
0x1b: {  	[tilespmem:v2+s7+$0x0] =	vst.idx.add.f32.msk $0xffff, v1;
	(pc) =	sbr.rel @p0 .LBB2_1-.Ltmp2, $4  }
0x1c: {  	[hbm4b:s4+s2] =	stream.linear.scatter [tilespmem:s7], [sflag:$0x1], $0x2780, $0x38;
	[tilespmem:$0x4F00] =	vst v63  }
0x1d: {  	_ =	swait.ge [sflag:s6], $0x2780  }
0x1e: {  	[sflag:s6] =	ssyncset.done $0x0  }
0x1f: {  	[sflag:s6] =	ssyncadd.s32 $0xFFFFD880  }
0x20: {  	_ =	sfence.sel $0x180000  }
0x21: {  	[bflag:$0x0] =	sbarrier.arrive $0xFFFF  }
0x22: {  	p0 =	sne.s32 s0, $0x0;
	_ =	strace $0x90000047  }
0x23: {  	s0 =	sadd.s32 @!p0 $0x100000, s1;
	[bflag:$0x2] =	sbarrier.arrive $0xFFFF  }
0x24: {  	[sflag:s0] =	ssyncadd.tile.s32 @!p0 $0x1;
	_ =	shalt  }
.Lfunc_end2:
_tile_overlayer_lowered:
.L_overlay_start_2:
0x25: {  	(tag) =	ssettag $0x2  }
0x26: {  	s0 =	rddreg [dreg:$0x0];
	s2 =	stileid.u32  }
0x27: {  	s1 =	rddreg [dreg:$0x1];
	p0 =	sne.s32 s2, $0x0  }
0x28: {  	s3 =	rddreg [dreg:$0x2];
	[bflag:$0x3] =	sbarrier.arrive $0xFFFF;
	s2 =	simm.s32 @!p0 $0x1C01  }
0x29: {  	[timem:s3], [sflag:s2] =	dma.local @!p0 [hbm:s0], s1  }
0x2a: {  	s0 =	simm.s32 @!p0 $0x1  }
0x2b: {  	_ =	swait.ge @!p0 [sflag:s0], s1  }
0x2c: {  	s1 =	ssub.s32 @!p0 $0x0, s1;
	[sflag:s0] =	ssyncset.done @!p0 $0x0  }
0x2d: {  	[sflag:s0] =	ssyncadd.s32 @!p0 s1  }
0x2e: {  	[bflag:$0x3] =	sbarrier.arrive $0xFFFF  }
0x2f: {  	_ =	shalt  }

</sc_bundles>
